<compile_context>
chip_gen: v7x
topology: tpu7x:2x2x1
jax: 0.10.2.dev20260603
libtpu: 0.0.44.dev20260713+nightly
codegen_flags: <defaults>
</compile_context>

<pallas_src>
import functools

import jax
import jax.numpy as jnp
from jax import lax
from jax.experimental import pallas as pl
from jax.experimental.pallas import tpu as pltpu
from jax.experimental.pallas import tpu_sc as plsc

BATCH = 16384
DIM = 32
NSEM = 4


def kernel(user_idx, item_idx, user_emb, item_emb):
    info = plsc.get_sparse_core_info()
    nw = info.num_cores * info.num_subcores
    b_per_w = BATCH // nw

    uidx = user_idx.astype(jnp.int32)
    iidx = item_idx.astype(jnp.int32)

    mesh = plsc.VectorSubcoreMesh(core_axis_name="c", subcore_axis_name="s")

    @functools.partial(
        pl.kernel,
        mesh=mesh,
        out_type=(
            jax.ShapeDtypeStruct((BATCH, DIM), jnp.float32),
            jax.ShapeDtypeStruct((BATCH, DIM), jnp.float32),
        ),
        scratch_types=[
            pltpu.VMEM((b_per_w,), jnp.int32),
            pltpu.VMEM((b_per_w,), jnp.int32),
            pltpu.VMEM((b_per_w // 2, DIM), jnp.float32),
            pltpu.VMEM((b_per_w // 2, DIM), jnp.float32),
            [pltpu.SemaphoreType.DMA] * NSEM,
            pltpu.SemaphoreType.DMA,
        ],
    )
    def mf_gather(uidx_hbm, iidx_hbm, uemb_hbm, iemb_hbm, out_u, out_i,
                  uidx_v, iidx_v, urows, irows, gsems, osem):
        wid = lax.axis_index("s") * info.num_cores + lax.axis_index("c")
        base = wid * b_per_w
        pltpu.sync_copy(uidx_hbm.at[pl.ds(base, b_per_w)], uidx_v)
        pltpu.sync_copy(iidx_hbm.at[pl.ds(base, b_per_w)], iidx_v)

        half = b_per_w // 2
        for c in range(2):
            @plsc.parallel_loop(0, half // 16)
            def issue(j):
                uvec = uidx_v[pl.ds(c * half + j * 16, 16)]
                ivec = iidx_v[pl.ds(c * half + j * 16, 16)]
                for l in range(16):
                    pltpu.make_async_copy(
                        uemb_hbm.at[uvec[l]],
                        urows.at[j * 16 + l], gsems[l % NSEM]).start()
                    pltpu.make_async_copy(
                        iemb_hbm.at[ivec[l]],
                        irows.at[j * 16 + l], gsems[l % NSEM]).start()

            for s in range(NSEM):
                pltpu.make_async_copy(
                    uemb_hbm.at[pl.ds(0, half // NSEM)],
                    urows.at[pl.ds(s * (half // NSEM), half // NSEM)],
                    gsems[s]).wait()
                pltpu.make_async_copy(
                    iemb_hbm.at[pl.ds(0, half // NSEM)],
                    irows.at[pl.ds(s * (half // NSEM), half // NSEM)],
                    gsems[s]).wait()

            ou = pltpu.make_async_copy(
                urows, out_u.at[pl.ds(base + c * half, half)], osem)
            oi = pltpu.make_async_copy(
                irows, out_i.at[pl.ds(base + c * half, half)], osem)
            ou.start()
            oi.start()
            ou.wait()
            oi.wait()

    return mf_gather(uidx, iidx, user_emb, item_emb)

# --- scband reference (transcript-rebuilt; emitter-appended) ---
"""Pipeline reference for scband-mf-37890201485519 (READ-ONLY COPY).

The authoritative reference and input builder live on the scoring server;
editing this copy changes nothing except your own understanding.
"""

import jax, jax.numpy as jnp
import numpy as np

NUM_USERS = 1000000
NUM_ITEMS = 1000000
DIM = 32
BATCH = 16384


def setup_inputs(seed: int = 0) -> dict:
    key = jax.random.key(seed)
    k1, k2, k3, k4 = jax.random.split(key, 4)
    user_idx = jax.random.randint(k1, (BATCH,), 0, NUM_USERS, dtype=jnp.int64 if jax.config.jax_enable_x64 else jnp.int32)
    item_idx = jax.random.randint(k2, (BATCH,), 0, NUM_ITEMS, dtype=jnp.int64 if jax.config.jax_enable_x64 else jnp.int32)
    user_emb = jax.random.normal(k3, (NUM_USERS, DIM), dtype=jnp.float32) * 0.01
    item_emb = jax.random.normal(k4, (NUM_ITEMS, DIM), dtype=jnp.float32) * 0.01
    return {"user_idx": user_idx, "item_idx": item_idx, "user_emb": user_emb, "item_emb": item_emb}


def reference(user_idx, item_idx, user_emb, item_emb):
    # Faithful translation of MF.forward: plain embedding gathers.
    user_embs = jnp.take(user_emb, user_idx, axis=0)
    item_embs = jnp.take(item_emb, item_idx, axis=0)
    return (user_embs, item_embs)

if __name__ == "__main__":
    import jax
    _d = setup_inputs()
    print(jax.jit(kernel)(*tuple(_d.values())))

</pallas_src>

<mosaic_0001>
#map = affine_map<(d0, d1) -> (0)>
#map1 = affine_map<(d0, d1) -> (0, 0)>
module attributes {stable_mosaic.version = 14 : i64} {
  func.func @mf_gather(%arg0: i32, %arg1: i32, %arg2: memref<16384xi32, #tpu.memory_space<hbm>>, %arg3: memref<16384xi32, #tpu.memory_space<hbm>>, %arg4: memref<1000000x32xf32, #tpu.memory_space<hbm>>, %arg5: memref<1000000x32xf32, #tpu.memory_space<hbm>>, %arg6: memref<16384x32xf32, #tpu.memory_space<hbm>>, %arg7: memref<16384x32xf32, #tpu.memory_space<hbm>>, %arg8: memref<512xi32, #tpu.memory_space<vmem>>, %arg9: memref<512xi32, #tpu.memory_space<vmem>>, %arg10: memref<256x32xf32, #tpu.memory_space<vmem>>, %arg11: memref<256x32xf32, #tpu.memory_space<vmem>>, %arg12: memref<!tpu.dma_semaphore, #tpu.memory_space<semaphore_mem>>, %arg13: memref<!tpu.dma_semaphore, #tpu.memory_space<semaphore_mem>>, %arg14: memref<!tpu.dma_semaphore, #tpu.memory_space<semaphore_mem>>, %arg15: memref<!tpu.dma_semaphore, #tpu.memory_space<semaphore_mem>>, %arg16: memref<!tpu.dma_semaphore, #tpu.memory_space<semaphore_mem>>) attributes {dimension_semantics = [#tpu.dimension_semantics<core_parallel>, #tpu.dimension_semantics<subcore_parallel>], iteration_bounds = array<i64: 2, 16>, scalar_prefetch = 0 : i64, scratch_operands = 9 : i64, tpu.core_type = #tpu.core_type<sc_vector_subcore>, window_params = [{transform_indices = #map}, {transform_indices = #map}, {transform_indices = #map1}, {transform_indices = #map1}, {transform_indices = #map1}, {transform_indices = #map1}]} {
    %mul3A = arith.constant 2 : i32
    %mul3A_0 = arith.muli %arg1, %mul3A : i32
    %add3A = arith.addi %mul3A_0, %arg0 : i32
    %mul3A_1 = arith.constant 512 : i32
    %mul3A_2 = arith.muli %add3A, %mul3A_1 : i32
    "tpu.region"() ({
      %run_scoped3A = tpu.sem_alloc : memref<!tpu.dma_semaphore, #tpu.memory_space<semaphore_mem>>
      %dma_start3A_238 = tpu.memref_slice %arg2[%mul3A_2] : memref<16384xi32, #tpu.memory_space<hbm>> -> memref<512xi32, #tpu.memory_space<hbm>>
      %dma_start3A_239 = tpu.memref_slice %arg2[%mul3A_2] : memref<16384xi32, #tpu.memory_space<hbm>> -> memref<512xi32, #tpu.memory_space<hbm>>
      tpu.enqueue_dma source(%dma_start3A_239 : memref<512xi32, #tpu.memory_space<hbm>>) target(%arg8 : memref<512xi32, #tpu.memory_space<vmem>>) target_semaphore(%run_scoped3A : memref<!tpu.dma_semaphore, #tpu.memory_space<semaphore_mem>>)
      %dma_wait3A_240 = tpu.memref_slice %arg2[%mul3A_2] : memref<16384xi32, #tpu.memory_space<hbm>> -> memref<512xi32, #tpu.memory_space<hbm>>
      %dma_wait3A_241 = tpu.memref_slice %arg2[%mul3A_2] : memref<16384xi32, #tpu.memory_space<hbm>> -> memref<512xi32, #tpu.memory_space<hbm>>
      tpu.wait_dma2 semaphore(%run_scoped3A : memref<!tpu.dma_semaphore, #tpu.memory_space<semaphore_mem>>) src(%dma_wait3A_241 : memref<512xi32, #tpu.memory_space<hbm>>) dst(%arg8 : memref<512xi32, #tpu.memory_space<vmem>>)
      tpu.yield
    }) : () -> ()
    "tpu.region"() ({
      %run_scoped3A = tpu.sem_alloc : memref<!tpu.dma_semaphore, #tpu.memory_space<semaphore_mem>>
      %dma_start3A_238 = tpu.memref_slice %arg3[%mul3A_2] : memref<16384xi32, #tpu.memory_space<hbm>> -> memref<512xi32, #tpu.memory_space<hbm>>
      %dma_start3A_239 = tpu.memref_slice %arg3[%mul3A_2] : memref<16384xi32, #tpu.memory_space<hbm>> -> memref<512xi32, #tpu.memory_space<hbm>>
      tpu.enqueue_dma source(%dma_start3A_239 : memref<512xi32, #tpu.memory_space<hbm>>) target(%arg9 : memref<512xi32, #tpu.memory_space<vmem>>) target_semaphore(%run_scoped3A : memref<!tpu.dma_semaphore, #tpu.memory_space<semaphore_mem>>)
      %dma_wait3A_240 = tpu.memref_slice %arg3[%mul3A_2] : memref<16384xi32, #tpu.memory_space<hbm>> -> memref<512xi32, #tpu.memory_space<hbm>>
      %dma_wait3A_241 = tpu.memref_slice %arg3[%mul3A_2] : memref<16384xi32, #tpu.memory_space<hbm>> -> memref<512xi32, #tpu.memory_space<hbm>>
      tpu.wait_dma2 semaphore(%run_scoped3A : memref<!tpu.dma_semaphore, #tpu.memory_space<semaphore_mem>>) src(%dma_wait3A_241 : memref<512xi32, #tpu.memory_space<hbm>>) dst(%arg9 : memref<512xi32, #tpu.memory_space<vmem>>)
      tpu.yield
    }) : () -> ()
    %parallel_loop3A = arith.constant 0 : i32
    %parallel_loop3A_3 = arith.constant 16 : i32
    %parallel_loop3A_4 = arith.constant 1 : i32
    scf.for %parallel_loop3A_238 = %parallel_loop3A to %parallel_loop3A_3 step %parallel_loop3A_4  : i32 {
      %parallel_loop3A_239 = arith.constant 16 : i32
      %parallel_loop3A_240 = arith.muli %parallel_loop3A_238, %parallel_loop3A_239 : i32
      %parallel_loop3A_241 = arith.constant 0 : i32
      %parallel_loop3A_242 = arith.addi %parallel_loop3A_241, %parallel_loop3A_240 : i32
      %parallel_loop3A_243 = arith.index_cast %parallel_loop3A_242 : i32 to index
      %parallel_loop3A_244 = tpu.vector_load %arg8[%parallel_loop3A_243] {strides = array<i32>} : memref<512xi32, #tpu.memory_space<vmem>>, vector<16xi32>,
      %parallel_loop3A_245 = vector.shape_cast %parallel_loop3A_244 : vector<16xi32> to vector<16xi32>
      %parallel_loop3A_246 = arith.constant 16 : i32
      %parallel_loop3A_247 = arith.muli %parallel_loop3A_238, %parallel_loop3A_246 : i32
      %parallel_loop3A_248 = arith.constant 0 : i32
      %parallel_loop3A_249 = arith.addi %parallel_loop3A_248, %parallel_loop3A_247 : i32
      %parallel_loop3A_250 = arith.index_cast %parallel_loop3A_249 : i32 to index
      %parallel_loop3A_251 = tpu.vector_load %arg9[%parallel_loop3A_250] {strides = array<i32>} : memref<512xi32, #tpu.memory_space<vmem>>, vector<16xi32>,
      %parallel_loop3A_252 = vector.shape_cast %parallel_loop3A_251 : vector<16xi32> to vector<16xi32>
      %parallel_loop3A_253 = vector.extract_strided_slice %parallel_loop3A_245 {offsets = [0], sizes = [1], strides = [1]} : vector<16xi32> to vector<1xi32>
      %parallel_loop3A_254 = vector.extract %parallel_loop3A_253[0] : i32 from vector<1xi32>
      %parallel_loop3A_255 = arith.constant 16 : i32
      %parallel_loop3A_256 = arith.muli %parallel_loop3A_238, %parallel_loop3A_255 : i32
      %parallel_loop3A_257 = arith.constant 0 : i32
      %parallel_loop3A_258 = arith.addi %parallel_loop3A_256, %parallel_loop3A_257 : i32
      %parallel_loop3A_259 = arith.constant 0 : i32
      %parallel_loop3A_260 = tpu.memref_slice %arg10[%parallel_loop3A_258, %parallel_loop3A_259] : memref<256x32xf32, #tpu.memory_space<vmem>> -> memref<1x32xf32, #tpu.memory_space<vmem>>
      %parallel_loop3A_261 = tpu.memref_squeeze %parallel_loop3A_260 : memref<1x32xf32, #tpu.memory_space<vmem>> -> memref<32xf32, #tpu.memory_space<vmem>>
      %parallel_loop3A_262 = arith.constant 0 : i32
      %parallel_loop3A_263 = tpu.memref_slice %arg4[%parallel_loop3A_254, %parallel_loop3A_262] : memref<1000000x32xf32, #tpu.memory_space<hbm>> -> memref<1x32xf32, #tpu.memory_space<hbm>>
      %parallel_loop3A_264 = tpu.memref_squeeze %parallel_loop3A_263 : memref<1x32xf32, #tpu.memory_space<hbm>> -> memref<32xf32, #tpu.memory_space<hbm>>
      %parallel_loop3A_265 = arith.constant 0 : i32
      %parallel_loop3A_266 = tpu.memref_slice %arg10[%parallel_loop3A_258, %parallel_loop3A_265] : memref<256x32xf32, #tpu.memory_space<vmem>> -> memref<1x32xf32, #tpu.memory_space<vmem>>
      %parallel_loop3A_267 = tpu.memref_squeeze %parallel_loop3A_266 : memref<1x32xf32, #tpu.memory_space<vmem>> -> memref<32xf32, #tpu.memory_space<vmem>>
      %parallel_loop3A_268 = arith.constant 0 : i32
      %parallel_loop3A_269 = tpu.memref_slice %arg4[%parallel_loop3A_254, %parallel_loop3A_268] : memref<1000000x32xf32, #tpu.memory_space<hbm>> -> memref<1x32xf32, #tpu.memory_space<hbm>>
      %parallel_loop3A_270 = tpu.memref_squeeze %parallel_loop3A_269 : memref<1x32xf32, #tpu.memory_space<hbm>> -> memref<32xf32, #tpu.memory_space<hbm>>
      tpu.enqueue_dma source(%parallel_loop3A_270 : memref<32xf32, #tpu.memory_space<hbm>>) target(%parallel_loop3A_267 : memref<32xf32, #tpu.memory_space<vmem>>) target_semaphore(%arg12 : memref<!tpu.dma_semaphore, #tpu.memory_space<semaphore_mem>>)
      %parallel_loop3A_271 = vector.extract_strided_slice %parallel_loop3A_252 {offsets = [0], sizes = [1], strides = [1]} : vector<16xi32> to vector<1xi32>
      %parallel_loop3A_272 = vector.extract %parallel_loop3A_271[0] : i32 from vector<1xi32>
      %parallel_loop3A_273 = arith.constant 16 : i32
      %parallel_loop3A_274 = arith.muli %parallel_loop3A_238, %parallel_loop3A_273 : i32
      %parallel_loop3A_275 = arith.constant 0 : i32
      %parallel_loop3A_276 = arith.addi %parallel_loop3A_274, %parallel_loop3A_275 : i32
      %parallel_loop3A_277 = arith.constant 0 : i32
      %parallel_loop3A_278 = tpu.memref_slice %arg11[%parallel_loop3A_276, %parallel_loop3A_277] : memref<256x32xf32, #tpu.memory_space<vmem>> -> memref<1x32xf32, #tpu.memory_space<vmem>>
      %parallel_loop3A_279 = tpu.memref_squeeze %parallel_loop3A_278 : memref<1x32xf32, #tpu.memory_space<vmem>> -> memref<32xf32, #tpu.memory_space<vmem>>
      %parallel_loop3A_280 = arith.constant 0 : i32
      %parallel_loop3A_281 = tpu.memref_slice %arg5[%parallel_loop3A_272, %parallel_loop3A_280] : memref<1000000x32xf32, #tpu.memory_space<hbm>> -> memref<1x32xf32, #tpu.memory_space<hbm>>
      %parallel_loop3A_282 = tpu.memref_squeeze %parallel_loop3A_281 : memref<1x32xf32, #tpu.memory_space<hbm>> -> memref<32xf32, #tpu.memory_space<hbm>>
      %parallel_loop3A_283 = arith.constant 0 : i32
      %parallel_loop3A_284 = tpu.memref_slice %arg11[%parallel_loop3A_276, %parallel_loop3A_283] : memref<256x32xf32, #tpu.memory_space<vmem>> -> memref<1x32xf32, #tpu.memory_space<vmem>>
      %parallel_loop3A_285 = tpu.memref_squeeze %parallel_loop3A_284 : memref<1x32xf32, #tpu.memory_space<vmem>> -> memref<32xf32, #tpu.memory_space<vmem>>
      %parallel_loop3A_286 = arith.constant 0 : i32
      %parallel_loop3A_287 = tpu.memref_slice %arg5[%parallel_loop3A_272, %parallel_loop3A_286] : memref<1000000x32xf32, #tpu.memory_space<hbm>> -> memref<1x32xf32, #tpu.memory_space<hbm>>
      %parallel_loop3A_288 = tpu.memref_squeeze %parallel_loop3A_287 : memref<1x32xf32, #tpu.memory_space<hbm>> -> memref<32xf32, #tpu.memory_space<hbm>>
      tpu.enqueue_dma source(%parallel_loop3A_288 : memref<32xf32, #tpu.memory_space<hbm>>) target(%parallel_loop3A_285 : memref<32xf32, #tpu.memory_space<vmem>>) target_semaphore(%arg12 : memref<!tpu.dma_semaphore, #tpu.memory_space<semaphore_mem>>)
      %parallel_loop3A_289 = vector.extract_strided_slice %parallel_loop3A_245 {offsets = [1], sizes = [1], strides = [1]} : vector<16xi32> to vector<1xi32>
      %parallel_loop3A_290 = vector.extract %parallel_loop3A_289[0] : i32 from vector<1xi32>
      %parallel_loop3A_291 = arith.constant 16 : i32
      %parallel_loop3A_292 = arith.muli %parallel_loop3A_238, %parallel_loop3A_291 : i32
      %parallel_loop3A_293 = arith.constant 1 : i32
      %parallel_loop3A_294 = arith.addi %parallel_loop3A_292, %parallel_loop3A_293 : i32
      %parallel_loop3A_295 = arith.constant 0 : i32
      %parallel_loop3A_296 = tpu.memref_slice %arg10[%parallel_loop3A_294, %parallel_loop3A_295] : memref<256x32xf32, #tpu.memory_space<vmem>> -> memref<1x32xf32, #tpu.memory_space<vmem>>
      %parallel_loop3A_297 = tpu.memref_squeeze %parallel_loop3A_296 : memref<1x32xf32, #tpu.memory_space<vmem>> -> memref<32xf32, #tpu.memory_space<vmem>>
      %parallel_loop3A_298 = arith.constant 0 : i32
      %parallel_loop3A_299 = tpu.memref_slice %arg4[%parallel_loop3A_290, %parallel_loop3A_298] : memref<1000000x32xf32, #tpu.memory_space<hbm>> -> memref<1x32xf32, #tpu.memory_space<hbm>>
      %parallel_loop3A_300 = tpu.memref_squeeze %parallel_loop3A_299 : memref<1x32xf32, #tpu.memory_space<hbm>> -> memref<32xf32, #tpu.memory_space<hbm>>
      %parallel_loop3A_301 = arith.constant 0 : i32
      %parallel_loop3A_302 = tpu.memref_slice %arg10[%parallel_loop3A_294, %parallel_loop3A_301] : memref<256x32xf32, #tpu.memory_space<vmem>> -> memref<1x32xf32, #tpu.memory_space<vmem>>
      %parallel_loop3A_303 = tpu.memref_squeeze %parallel_loop3A_302 : memref<1x32xf32, #tpu.memory_space<vmem>> -> memref<32xf32, #tpu.memory_space<vmem>>
      %parallel_loop3A_304 = arith.constant 0 : i32
      %parallel_loop3A_305 = tpu.memref_slice %arg4[%parallel_loop3A_290, %parallel_loop3A_304] : memref<1000000x32xf32, #tpu.memory_space<hbm>> -> memref<1x32xf32, #tpu.memory_space<hbm>>
      %parallel_loop3A_306 = tpu.memref_squeeze %parallel_loop3A_305 : memref<1x32xf32, #tpu.memory_space<hbm>> -> memref<32xf32, #tpu.memory_space<hbm>>
      tpu.enqueue_dma source(%parallel_loop3A_306 : memref<32xf32, #tpu.memory_space<hbm>>) target(%parallel_loop3A_303 : memref<32xf32, #tpu.memory_space<vmem>>) target_semaphore(%arg13 : memref<!tpu.dma_semaphore, #tpu.memory_space<semaphore_mem>>)
      %parallel_loop3A_307 = vector.extract_strided_slice %parallel_loop3A_252 {offsets = [1], sizes = [1], strides = [1]} : vector<16xi32> to vector<1xi32>
      %parallel_loop3A_308 = vector.extract %parallel_loop3A_307[0] : i32 from vector<1xi32>
      %parallel_loop3A_309 = arith.constant 16 : i32
      %parallel_loop3A_310 = arith.muli %parallel_loop3A_238, %parallel_loop3A_309 : i32
      %parallel_loop3A_311 = arith.constant 1 : i32
      %parallel_loop3A_312 = arith.addi %parallel_loop3A_310, %parallel_loop3A_311 : i32
      %parallel_loop3A_313 = arith.constant 0 : i32
      %parallel_loop3A_314 = tpu.memref_slice %arg11[%parallel_loop3A_312, %parallel_loop3A_313] : memref<256x32xf32, #tpu.memory_space<vmem>> -> memref<1x32xf32, #tpu.memory_space<vmem>>
      %parallel_loop3A_315 = tpu.memref_squeeze %parallel_loop3A_314 : memref<1x32xf32, #tpu.memory_space<vmem>> -> memref<32xf32, #tpu.memory_space<vmem>>
      %parallel_loop3A_316 = arith.constant 0 : i32
      %parallel_loop3A_317 = tpu.memref_slice %arg5[%parallel_loop3A_308, %parallel_loop3A_316] : memref<1000000x32xf32, #tpu.memory_space<hbm>> -> memref<1x32xf32, #tpu.memory_space<hbm>>
      %parallel_loop3A_318 = tpu.memref_squeeze %parallel_loop3A_317 : memref<1x32xf32, #tpu.memory_space<hbm>> -> memref<32xf32, #tpu.memory_space<hbm>>
      %parallel_loop3A_319 = arith.constant 0 : i32
      %parallel_loop3A_320 = tpu.memref_slice %arg11[%parallel_loop3A_312, %parallel_loop3A_319] : memref<256x32xf32, #tpu.memory_space<vmem>> -> memref<1x32xf32, #tpu.memory_space<vmem>>
      %parallel_loop3A_321 = tpu.memref_squeeze %parallel_loop3A_320 : memref<1x32xf32, #tpu.memory_space<vmem>> -> memref<32xf32, #tpu.memory_space<vmem>>
      %parallel_loop3A_322 = arith.constant 0 : i32
      %parallel_loop3A_323 = tpu.memref_slice %arg5[%parallel_loop3A_308, %parallel_loop3A_322] : memref<1000000x32xf32, #tpu.memory_space<hbm>> -> memref<1x32xf32, #tpu.memory_space<hbm>>
      %parallel_loop3A_324 = tpu.memref_squeeze %parallel_loop3A_323 : memref<1x32xf32, #tpu.memory_space<hbm>> -> memref<32xf32, #tpu.memory_space<hbm>>
      tpu.enqueue_dma source(%parallel_loop3A_324 : memref<32xf32, #tpu.memory_space<hbm>>) target(%parallel_loop3A_321 : memref<32xf32, #tpu.memory_space<vmem>>) target_semaphore(%arg13 : memref<!tpu.dma_semaphore, #tpu.memory_space<semaphore_mem>>)
      %parallel_loop3A_325 = vector.extract_strided_slice %parallel_loop3A_245 {offsets = [2], sizes = [1], strides = [1]} : vector<16xi32> to vector<1xi32>
      %parallel_loop3A_326 = vector.extract %parallel_loop3A_325[0] : i32 from vector<1xi32>
      %parallel_loop3A_327 = arith.constant 16 : i32
      %parallel_loop3A_328 = arith.muli %parallel_loop3A_238, %parallel_loop3A_327 : i32
      %parallel_loop3A_329 = arith.constant 2 : i32
      %parallel_loop3A_330 = arith.addi %parallel_loop3A_328, %parallel_loop3A_329 : i32
      %parallel_loop3A_331 = arith.constant 0 : i32
      %parallel_loop3A_332 = tpu.memref_slice %arg10[%parallel_loop3A_330, %parallel_loop3A_331] : memref<256x32xf32, #tpu.memory_space<vmem>> -> memref<1x32xf32, #tpu.memory_space<vmem>>
      %parallel_loop3A_333 = tpu.memref_squeeze %parallel_loop3A_332 : memref<1x32xf32, #tpu.memory_space<vmem>> -> memref<32xf32, #tpu.memory_space<vmem>>
      %parallel_loop3A_334 = arith.constant 0 : i32
      %parallel_loop3A_335 = tpu.memref_slice %arg4[%parallel_loop3A_326, %parallel_loop3A_334] : memref<1000000x32xf32, #tpu.memory_space<hbm>> -> memref<1x32xf32, #tpu.memory_space<hbm>>
      %parallel_loop3A_336 = tpu.memref_squeeze %parallel_loop3A_335 : memref<1x32xf32, #tpu.memory_space<hbm>> -> memref<32xf32, #tpu.memory_space<hbm>>
      %parallel_loop3A_337 = arith.constant 0 : i32
      %parallel_loop3A_338 = tpu.memref_slice %arg10[%parallel_loop3A_330, %parallel_loop3A_337] : memref<256x32xf32, #tpu.memory_space<vmem>> -> memref<1x32xf32, #tpu.memory_space<vmem>>
      %parallel_loop3A_339 = tpu.memref_squeeze %parallel_loop3A_338 : memref<1x32xf32, #tpu.memory_space<vmem>> -> memref<32xf32, #tpu.memory_space<vmem>>
      %parallel_loop3A_340 = arith.constant 0 : i32
      %parallel_loop3A_341 = tpu.memref_slice %arg4[%parallel_loop3A_326, %parallel_loop3A_340] : memref<1000000x32xf32, #tpu.memory_space<hbm>> -> memref<1x32xf32, #tpu.memory_space<hbm>>
      %parallel_loop3A_342 = tpu.memref_squeeze %parallel_loop3A_341 : memref<1x32xf32, #tpu.memory_space<hbm>> -> memref<32xf32, #tpu.memory_space<hbm>>
      tpu.enqueue_dma source(%parallel_loop3A_342 : memref<32xf32, #tpu.memory_space<hbm>>) target(%parallel_loop3A_339 : memref<32xf32, #tpu.memory_space<vmem>>) target_semaphore(%arg14 : memref<!tpu.dma_semaphore, #tpu.memory_space<semaphore_mem>>)
      %parallel_loop3A_343 = vector.extract_strided_slice %parallel_loop3A_252 {offsets = [2], sizes = [1], strides = [1]} : vector<16xi32> to vector<1xi32>
      %parallel_loop3A_344 = vector.extract %parallel_loop3A_343[0] : i32 from vector<1xi32>
      %parallel_loop3A_345 = arith.constant 16 : i32
      %parallel_loop3A_346 = arith.muli %parallel_loop3A_238, %parallel_loop3A_345 : i32
      %parallel_loop3A_347 = arith.constant 2 : i32
      %parallel_loop3A_348 = arith.addi %parallel_loop3A_346, %parallel_loop3A_347 : i32
      %parallel_loop3A_349 = arith.constant 0 : i32
      %parallel_loop3A_350 = tpu.memref_slice %arg11[%parallel_loop3A_348, %parallel_loop3A_349] : memref<256x32xf32, #tpu.memory_space<vmem>> -> memref<1x32xf32, #tpu.memory_space<vmem>>
      %parallel_loop3A_351 = tpu.memref_squeeze %parallel_loop3A_350 : memref<1x32xf32, #tpu.memory_space<vmem>> -> memref<32xf32, #tpu.memory_space<vmem>>
      %parallel_loop3A_352 = arith.constant 0 : i32
      %parallel_loop3A_353 = tpu.memref_slice %arg5[%parallel_loop3A_344, %parallel_loop3A_352] : memref<1000000x32xf32, #tpu.memory_space<hbm>> -> memref<1x32xf32, #tpu.memory_space<hbm>>
      %parallel_loop3A_354 = tpu.memref_squeeze %parallel_loop3A_353 : memref<1x32xf32, #tpu.memory_space<hbm>> -> memref<32xf32, #tpu.memory_space<hbm>>
      %parallel_loop3A_355 = arith.constant 0 : i32
      %parallel_loop3A_356 = tpu.memref_slice %arg11[%parallel_loop3A_348, %parallel_loop3A_355] : memref<256x32xf32, #tpu.memory_space<vmem>> -> memref<1x32xf32, #tpu.memory_space<vmem>>
      %parallel_loop3A_357 = tpu.memref_squeeze %parallel_loop3A_356 : memref<1x32xf32, #tpu.memory_space<vmem>> -> memref<32xf32, #tpu.memory_space<vmem>>
      %parallel_loop3A_358 = arith.constant 0 : i32
      %parallel_loop3A_359 = tpu.memref_slice %arg5[%parallel_loop3A_344, %parallel_loop3A_358] : memref<1000000x32xf32, #tpu.memory_space<hbm>> -> memref<1x32xf32, #tpu.memory_space<hbm>>
      %parallel_loop3A_360 = tpu.memref_squeeze %parallel_loop3A_359 : memref<1x32xf32, #tpu.memory_space<hbm>> -> memref<32xf32, #tpu.memory_space<hbm>>
      tpu.enqueue_dma source(%parallel_loop3A_360 : memref<32xf32, #tpu.memory_space<hbm>>) target(%parallel_loop3A_357 : memref<32xf32, #tpu.memory_space<vmem>>) target_semaphore(%arg14 : memref<!tpu.dma_semaphore, #tpu.memory_space<semaphore_mem>>)
      %parallel_loop3A_361 = vector.extract_strided_slice %parallel_loop3A_245 {offsets = [3], sizes = [1], strides = [1]} : vector<16xi32> to vector<1xi32>
      %parallel_loop3A_362 = vector.extract %parallel_loop3A_361[0] : i32 from vector<1xi32>
      %parallel_loop3A_363 = arith.constant 16 : i32
      %parallel_loop3A_364 = arith.muli %parallel_loop3A_238, %parallel_loop3A_363 : i32
      %parallel_loop3A_365 = arith.constant 3 : i32
      %parallel_loop3A_366 = arith.addi %parallel_loop3A_364, %parallel_loop3A_365 : i32
      %parallel_loop3A_367 = arith.constant 0 : i32
      %parallel_loop3A_368 = tpu.memref_slice %arg10[%parallel_loop3A_366, %parallel_loop3A_367] : memref<256x32xf32, #tpu.memory_space<vmem>> -> memref<1x32xf32, #tpu.memory_space<vmem>>
      %parallel_loop3A_369 = tpu.memref_squeeze %parallel_loop3A_368 : memref<1x32xf32, #tpu.memory_space<vmem>> -> memref<32xf32, #tpu.memory_space<vmem>>
      %parallel_loop3A_370 = arith.constant 0 : i32
      %parallel_loop3A_371 = tpu.memref_slice %arg4[%parallel_loop3A_362, %parallel_loop3A_370] : memref<1000000x32xf32, #tpu.memory_space<hbm>> -> memref<1x32xf32, #tpu.memory_space<hbm>>
      %parallel_loop3A_372 = tpu.memref_squeeze %parallel_loop3A_371 : memref<1x32xf32, #tpu.memory_space<hbm>> -> memref<32xf32, #tpu.memory_space<hbm>>
      %parallel_loop3A_373 = arith.constant 0 : i32
      %parallel_loop3A_374 = tpu.memref_slice %arg10[%parallel_loop3A_366, %parallel_loop3A_373] : memref<256x32xf32, #tpu.memory_space<vmem>> -> memref<1x32xf32, #tpu.memory_space<vmem>>
      %parallel_loop3A_375 = tpu.memref_squeeze %parallel_loop3A_374 : memref<1x32xf32, #tpu.memory_space<vmem>> -> memref<32xf32, #tpu.memory_space<vmem>>
      %parallel_loop3A_376 = arith.constant 0 : i32
      %parallel_loop3A_377 = tpu.memref_slice %arg4[%parallel_loop3A_362, %parallel_loop3A_376] : memref<1000000x32xf32, #tpu.memory_space<hbm>> -> memref<1x32xf32, #tpu.memory_space<hbm>>
      %parallel_loop3A_378 = tpu.memref_squeeze %parallel_loop3A_377 : memref<1x32xf32, #tpu.memory_space<hbm>> -> memref<32xf32, #tpu.memory_space<hbm>>
      tpu.enqueue_dma source(%parallel_loop3A_378 : memref<32xf32, #tpu.memory_space<hbm>>) target(%parallel_loop3A_375 : memref<32xf32, #tpu.memory_space<vmem>>) target_semaphore(%arg15 : memref<!tpu.dma_semaphore, #tpu.memory_space<semaphore_mem>>)
      %parallel_loop3A_379 = vector.extract_strided_slice %parallel_loop3A_252 {offsets = [3], sizes = [1], strides = [1]} : vector<16xi32> to vector<1xi32>
      %parallel_loop3A_380 = vector.extract %parallel_loop3A_379[0] : i32 from vector<1xi32>
      %parallel_loop3A_381 = arith.constant 16 : i32
      %parallel_loop3A_382 = arith.muli %parallel_loop3A_238, %parallel_loop3A_381 : i32
      %parallel_loop3A_383 = arith.constant 3 : i32
      %parallel_loop3A_384 = arith.addi %parallel_loop3A_382, %parallel_loop3A_383 : i32
      %parallel_loop3A_385 = arith.constant 0 : i32
      %parallel_loop3A_386 = tpu.memref_slice %arg11[%parallel_loop3A_384, %parallel_loop3A_385] : memref<256x32xf32, #tpu.memory_space<vmem>> -> memref<1x32xf32, #tpu.memory_space<vmem>>
      %parallel_loop3A_387 = tpu.memref_squeeze %parallel_loop3A_386 : memref<1x32xf32, #tpu.memory_space<vmem>> -> memref<32xf32, #tpu.memory_space<vmem>>
      %parallel_loop3A_388 = arith.constant 0 : i32
      %parallel_loop3A_389 = tpu.memref_slice %arg5[%parallel_loop3A_380, %parallel_loop3A_388] : memref<1000000x32xf32, #tpu.memory_space<hbm>> -> memref<1x32xf32, #tpu.memory_space<hbm>>
      %parallel_loop3A_390 = tpu.memref_squeeze %parallel_loop3A_389 : memref<1x32xf32, #tpu.memory_space<hbm>> -> memref<32xf32, #tpu.memory_space<hbm>>
      %parallel_loop3A_391 = arith.constant 0 : i32
      %parallel_loop3A_392 = tpu.memref_slice %arg11[%parallel_loop3A_384, %parallel_loop3A_391] : memref<256x32xf32, #tpu.memory_space<vmem>> -> memref<1x32xf32, #tpu.memory_space<vmem>>
      %parallel_loop3A_393 = tpu.memref_squeeze %parallel_loop3A_392 : memref<1x32xf32, #tpu.memory_space<vmem>> -> memref<32xf32, #tpu.memory_space<vmem>>
      %parallel_loop3A_394 = arith.constant 0 : i32
      %parallel_loop3A_395 = tpu.memref_slice %arg5[%parallel_loop3A_380, %parallel_loop3A_394] : memref<1000000x32xf32, #tpu.memory_space<hbm>> -> memref<1x32xf32, #tpu.memory_space<hbm>>
      %parallel_loop3A_396 = tpu.memref_squeeze %parallel_loop3A_395 : memref<1x32xf32, #tpu.memory_space<hbm>> -> memref<32xf32, #tpu.memory_space<hbm>>
      tpu.enqueue_dma source(%parallel_loop3A_396 : memref<32xf32, #tpu.memory_space<hbm>>) target(%parallel_loop3A_393 : memref<32xf32, #tpu.memory_space<vmem>>) target_semaphore(%arg15 : memref<!tpu.dma_semaphore, #tpu.memory_space<semaphore_mem>>)
      %parallel_loop3A_397 = vector.extract_strided_slice %parallel_loop3A_245 {offsets = [4], sizes = [1], strides = [1]} : vector<16xi32> to vector<1xi32>
      %parallel_loop3A_398 = vector.extract %parallel_loop3A_397[0] : i32 from vector<1xi32>
      %parallel_loop3A_399 = arith.constant 16 : i32
      %parallel_loop3A_400 = arith.muli %parallel_loop3A_238, %parallel_loop3A_399 : i32
      %parallel_loop3A_401 = arith.constant 4 : i32
      %parallel_loop3A_402 = arith.addi %parallel_loop3A_400, %parallel_loop3A_401 : i32
      %parallel_loop3A_403 = arith.constant 0 : i32
      %parallel_loop3A_404 = tpu.memref_slice %arg10[%parallel_loop3A_402, %parallel_loop3A_403] : memref<256x32xf32, #tpu.memory_space<vmem>> -> memref<1x32xf32, #tpu.memory_space<vmem>>
      %parallel_loop3A_405 = tpu.memref_squeeze %parallel_loop3A_404 : memref<1x32xf32, #tpu.memory_space<vmem>> -> memref<32xf32, #tpu.memory_space<vmem>>
      %parallel_loop3A_406 = arith.constant 0 : i32
      %parallel_loop3A_407 = tpu.memref_slice %arg4[%parallel_loop3A_398, %parallel_loop3A_406] : memref<1000000x32xf32, #tpu.memory_space<hbm>> -> memref<1x32xf32, #tpu.memory_space<hbm>>
      %parallel_loop3A_408 = tpu.memref_squeeze %parallel_loop3A_407 : memref<1x32xf32, #tpu.memory_space<hbm>> -> memref<32xf32, #tpu.memory_space<hbm>>
      %parallel_loop3A_409 = arith.constant 0 : i32
      %parallel_loop3A_410 = tpu.memref_slice %arg10[%parallel_loop3A_402, %parallel_loop3A_409] : memref<256x32xf32, #tpu.memory_space<vmem>> -> memref<1x32xf32, #tpu.memory_space<vmem>>
      %parallel_loop3A_411 = tpu.memref_squeeze %parallel_loop3A_410 : memref<1x32xf32, #tpu.memory_space<vmem>> -> memref<32xf32, #tpu.memory_space<vmem>>
      %parallel_loop3A_412 = arith.constant 0 : i32
      %parallel_loop3A_413 = tpu.memref_slice %arg4[%parallel_loop3A_398, %parallel_loop3A_412] : memref<1000000x32xf32, #tpu.memory_space<hbm>> -> memref<1x32xf32, #tpu.memory_space<hbm>>
      %parallel_loop3A_414 = tpu.memref_squeeze %parallel_loop3A_413 : memref<1x32xf32, #tpu.memory_space<hbm>> -> memref<32xf32, #tpu.memory_space<hbm>>
      tpu.enqueue_dma source(%parallel_loop3A_414 : memref<32xf32, #tpu.memory_space<hbm>>) target(%parallel_loop3A_411 : memref<32xf32, #tpu.memory_space<vmem>>) target_semaphore(%arg12 : memref<!tpu.dma_semaphore, #tpu.memory_space<semaphore_mem>>)
      %parallel_loop3A_415 = vector.extract_strided_slice %parallel_loop3A_252 {offsets = [4], sizes = [1], strides = [1]} : vector<16xi32> to vector<1xi32>
      %parallel_loop3A_416 = vector.extract %parallel_loop3A_415[0] : i32 from vector<1xi32>
      %parallel_loop3A_417 = arith.constant 16 : i32
      %parallel_loop3A_418 = arith.muli %parallel_loop3A_238, %parallel_loop3A_417 : i32
      %parallel_loop3A_419 = arith.constant 4 : i32
      %parallel_loop3A_420 = arith.addi %parallel_loop3A_418, %parallel_loop3A_419 : i32
      %parallel_loop3A_421 = arith.constant 0 : i32
      %parallel_loop3A_422 = tpu.memref_slice %arg11[%parallel_loop3A_420, %parallel_loop3A_421] : memref<256x32xf32, #tpu.memory_space<vmem>> -> memref<1x32xf32, #tpu.memory_space<vmem>>
      %parallel_loop3A_423 = tpu.memref_squeeze %parallel_loop3A_422 : memref<1x32xf32, #tpu.memory_space<vmem>> -> memref<32xf32, #tpu.memory_space<vmem>>
      %parallel_loop3A_424 = arith.constant 0 : i32
      %parallel_loop3A_425 = tpu.memref_slice %arg5[%parallel_loop3A_416, %parallel_loop3A_424] : memref<1000000x32xf32, #tpu.memory_space<hbm>> -> memref<1x32xf32, #tpu.memory_space<hbm>>
      %parallel_loop3A_426 = tpu.memref_squeeze %parallel_loop3A_425 : memref<1x32xf32, #tpu.memory_space<hbm>> -> memref<32xf32, #tpu.memory_space<hbm>>
      %parallel_loop3A_427 = arith.constant 0 : i32
      %parallel_loop3A_428 = tpu.memref_slice %arg11[%parallel_loop3A_420, %parallel_loop3A_427] : memref<256x32xf32, #tpu.memory_space<vmem>> -> memref<1x32xf32, #tpu.memory_space<vmem>>
      %parallel_loop3A_429 = tpu.memref_squeeze %parallel_loop3A_428 : memref<1x32xf32, #tpu.memory_space<vmem>> -> memref<32xf32, #tpu.memory_space<vmem>>
      %parallel_loop3A_430 = arith.constant 0 : i32
      %parallel_loop3A_431 = tpu.memref_slice %arg5[%parallel_loop3A_416, %parallel_loop3A_430] : memref<1000000x32xf32, #tpu.memory_space<hbm>> -> memref<1x32xf32, #tpu.memory_space<hbm>>
      %parallel_loop3A_432 = tpu.memref_squeeze %parallel_loop3A_431 : memref<1x32xf32, #tpu.memory_space<hbm>> -> memref<32xf32, #tpu.memory_space<hbm>>
      tpu.enqueue_dma source(%parallel_loop3A_432 : memref<32xf32, #tpu.memory_space<hbm>>) target(%parallel_loop3A_429 : memref<32xf32, #tpu.memory_space<vmem>>) target_semaphore(%arg12 : memref<!tpu.dma_semaphore, #tpu.memory_space<semaphore_mem>>)
      %parallel_loop3A_433 = vector.extract_strided_slice %parallel_loop3A_245 {offsets = [5], sizes = [1], strides = [1]} : vector<16xi32> to vector<1xi32>
      %parallel_loop3A_434 = vector.extract %parallel_loop3A_433[0] : i32 from vector<1xi32>
      %parallel_loop3A_435 = arith.constant 16 : i32
      %parallel_loop3A_436 = arith.muli %parallel_loop3A_238, %parallel_loop3A_435 : i32
      %parallel_loop3A_437 = arith.constant 5 : i32
      %parallel_loop3A_438 = arith.addi %parallel_loop3A_436, %parallel_loop3A_437 : i32
      %parallel_loop3A_439 = arith.constant 0 : i32
      %parallel_loop3A_440 = tpu.memref_slice %arg10[%parallel_loop3A_438, %parallel_loop3A_439] : memref<256x32xf32, #tpu.memory_space<vmem>> -> memref<1x32xf32, #tpu.memory_space<vmem>>
      %parallel_loop3A_441 = tpu.memref_squeeze %parallel_loop3A_440 : memref<1x32xf32, #tpu.memory_space<vmem>> -> memref<32xf32, #tpu.memory_space<vmem>>
      %parallel_loop3A_442 = arith.constant 0 : i32
      %parallel_loop3A_443 = tpu.memref_slice %arg4[%parallel_loop3A_434, %parallel_loop3A_442] : memref<1000000x32xf32, #tpu.memory_space<hbm>> -> memref<1x32xf32, #tpu.memory_space<hbm>>
      %parallel_loop3A_444 = tpu.memref_squeeze %parallel_loop3A_443 : memref<1x32xf32, #tpu.memory_space<hbm>> -> memref<32xf32, #tpu.memory_space<hbm>>
      %parallel_loop3A_445 = arith.constant 0 : i32
      %parallel_loop3A_446 = tpu.memref_slice %arg10[%parallel_loop3A_438, %parallel_loop3A_445] : memref<256x32xf32, #tpu.memory_space<vmem>> -> memref<1x32xf32, #tpu.memory_space<vmem>>
      %parallel_loop3A_447 = tpu.memref_squeeze %parallel_loop3A_446 : memref<1x32xf32, #tpu.memory_space<vmem>> -> memref<32xf32, #tpu.memory_space<vmem>>
      %parallel_loop3A_448 = arith.constant 0 : i32
      %parallel_loop3A_449 = tpu.memref_slice %arg4[%parallel_loop3A_434, %parallel_loop3A_448] : memref<1000000x32xf32, #tpu.memory_space<hbm>> -> memref<1x32xf32, #tpu.memory_space<hbm>>
      %parallel_loop3A_450 = tpu.memref_squeeze %parallel_loop3A_449 : memref<1x32xf32, #tpu.memory_space<hbm>> -> memref<32xf32, #tpu.memory_space<hbm>>
      tpu.enqueue_dma source(%parallel_loop3A_450 : memref<32xf32, #tpu.memory_space<hbm>>) target(%parallel_loop3A_447 : memref<32xf32, #tpu.memory_space<vmem>>) target_semaphore(%arg13 : memref<!tpu.dma_semaphore, #tpu.memory_space<semaphore_mem>>)
      %parallel_loop3A_451 = vector.extract_strided_slice %parallel_loop3A_252 {offsets = [5], sizes = [1], strides = [1]} : vector<16xi32> to vector<1xi32>
      %parallel_loop3A_452 = vector.extract %parallel_loop3A_451[0] : i32 from vector<1xi32>
      %parallel_loop3A_453 = arith.constant 16 : i32
      %parallel_loop3A_454 = arith.muli %parallel_loop3A_238, %parallel_loop3A_453 : i32
      %parallel_loop3A_455 = arith.constant 5 : i32
      %parallel_loop3A_456 = arith.addi %parallel_loop3A_454, %parallel_loop3A_455 : i32
      %parallel_loop3A_457 = arith.constant 0 : i32
      %parallel_loop3A_458 = tpu.memref_slice %arg11[%parallel_loop3A_456, %parallel_loop3A_457] : memref<256x32xf32, #tpu.memory_space<vmem>> -> memref<1x32xf32, #tpu.memory_space<vmem>>
      %parallel_loop3A_459 = tpu.memref_squeeze %parallel_loop3A_458 : memref<1x32xf32, #tpu.memory_space<vmem>> -> memref<32xf32, #tpu.memory_space<vmem>>
      %parallel_loop3A_460 = arith.constant 0 : i32
      %parallel_loop3A_461 = tpu.memref_slice %arg5[%parallel_loop3A_452, %parallel_loop3A_460] : memref<1000000x32xf32, #tpu.memory_space<hbm>> -> memref<1x32xf32, #tpu.memory_space<hbm>>
      %parallel_loop3A_462 = tpu.memref_squeeze %parallel_loop3A_461 : memref<1x32xf32, #tpu.memory_space<hbm>> -> memref<32xf32, #tpu.memory_space<hbm>>
      %parallel_loop3A_463 = arith.constant 0 : i32
      %parallel_loop3A_464 = tpu.memref_slice %arg11[%parallel_loop3A_456, %parallel_loop3A_463] : memref<256x32xf32, #tpu.memory_space<vmem>> -> memref<1x32xf32, #tpu.memory_space<vmem>>
      %parallel_loop3A_465 = tpu.memref_squeeze %parallel_loop3A_464 : memref<1x32xf32, #tpu.memory_space<vmem>> -> memref<32xf32, #tpu.memory_space<vmem>>
      %parallel_loop3A_466 = arith.constant 0 : i32
      %parallel_loop3A_467 = tpu.memref_slice %arg5[%parallel_loop3A_452, %parallel_loop3A_466] : memref<1000000x32xf32, #tpu.memory_space<hbm>> -> memref<1x32xf32, #tpu.memory_space<hbm>>
      %parallel_loop3A_468 = tpu.memref_squeeze %parallel_loop3A_467 : memref<1x32xf32, #tpu.memory_space<hbm>> -> memref<32xf32, #tpu.memory_space<hbm>>
      tpu.enqueue_dma source(%parallel_loop3A_468 : memref<32xf32, #tpu.memory_space<hbm>>) target(%parallel_loop3A_465 : memref<32xf32, #tpu.memory_space<vmem>>) target_semaphore(%arg13 : memref<!tpu.dma_semaphore, #tpu.memory_space<semaphore_mem>>)
      %parallel_loop3A_469 = vector.extract_strided_slice %parallel_loop3A_245 {offsets = [6], sizes = [1], strides = [1]} : vector<16xi32> to vector<1xi32>
      %parallel_loop3A_470 = vector.extract %parallel_loop3A_469[0] : i32 from vector<1xi32>
      %parallel_loop3A_471 = arith.constant 16 : i32
      %parallel_loop3A_472 = arith.muli %parallel_loop3A_238, %parallel_loop3A_471 : i32
      %parallel_loop3A_473 = arith.constant 6 : i32
      %parallel_loop3A_474 = arith.addi %parallel_loop3A_472, %parallel_loop3A_473 : i32
      %parallel_loop3A_475 = arith.constant 0 : i32
      %parallel_loop3A_476 = tpu.memref_slice %arg10[%parallel_loop3A_474, %parallel_loop3A_475] : memref<256x32xf32, #tpu.memory_space<vmem>> -> memref<1x32xf32, #tpu.memory_space<vmem>>
      %parallel_loop3A_477 = tpu.memref_squeeze %parallel_loop3A_476 : memref<1x32xf32, #tpu.memory_space<vmem>> -> memref<32xf32, #tpu.memory_space<vmem>>
      %parallel_loop3A_478 = arith.constant 0 : i32
      %parallel_loop3A_479 = tpu.memref_slice %arg4[%parallel_loop3A_470, %parallel_loop3A_478] : memref<1000000x32xf32, #tpu.memory_space<hbm>> -> memref<1x32xf32, #tpu.memory_space<hbm>>
      %parallel_loop3A_480 = tpu.memref_squeeze %parallel_loop3A_479 : memref<1x32xf32, #tpu.memory_space<hbm>> -> memref<32xf32, #tpu.memory_space<hbm>>
      %parallel_loop3A_481 = arith.constant 0 : i32
      %parallel_loop3A_482 = tpu.memref_slice %arg10[%parallel_loop3A_474, %parallel_loop3A_481] : memref<256x32xf32, #tpu.memory_space<vmem>> -> memref<1x32xf32, #tpu.memory_space<vmem>>
      %parallel_loop3A_483 = tpu.memref_squeeze %parallel_loop3A_482 : memref<1x32xf32, #tpu.memory_space<vmem>> -> memref<32xf32, #tpu.memory_space<vmem>>
      %parallel_loop3A_484 = arith.constant 0 : i32
      %parallel_loop3A_485 = tpu.memref_slice %arg4[%parallel_loop3A_470, %parallel_loop3A_484] : memref<1000000x32xf32, #tpu.memory_space<hbm>> -> memref<1x32xf32, #tpu.memory_space<hbm>>
      %parallel_loop3A_486 = tpu.memref_squeeze %parallel_loop3A_485 : memref<1x32xf32, #tpu.memory_space<hbm>> -> memref<32xf32, #tpu.memory_space<hbm>>
      tpu.enqueue_dma source(%parallel_loop3A_486 : memref<32xf32, #tpu.memory_space<hbm>>) target(%parallel_loop3A_483 : memref<32xf32, #tpu.memory_space<vmem>>) target_semaphore(%arg14 : memref<!tpu.dma_semaphore, #tpu.memory_space<semaphore_mem>>)
      %parallel_loop3A_487 = vector.extract_strided_slice %parallel_loop3A_252 {offsets = [6], sizes = [1], strides = [1]} : vector<16xi32> to vector<1xi32>
      %parallel_loop3A_488 = vector.extract %parallel_loop3A_487[0] : i32 from vector<1xi32>
      %parallel_loop3A_489 = arith.constant 16 : i32
      %parallel_loop3A_490 = arith.muli %parallel_loop3A_238, %parallel_loop3A_489 : i32
      %parallel_loop3A_491 = arith.constant 6 : i32
      %parallel_loop3A_492 = arith.addi %parallel_loop3A_490, %parallel_loop3A_491 : i32
      %parallel_loop3A_493 = arith.constant 0 : i32
      %parallel_loop3A_494 = tpu.memref_slice %arg11[%parallel_loop3A_492, %parallel_loop3A_493] : memref<256x32xf32, #tpu.memory_space<vmem>> -> memref<1x32xf32, #tpu.memory_space<vmem>>
      %parallel_loop3A_495 = tpu.memref_squeeze %parallel_loop3A_494 : memref<1x32xf32, #tpu.memory_space<vmem>> -> memref<32xf32, #tpu.memory_space<vmem>>
      %parallel_loop3A_496 = arith.constant 0 : i32
      %parallel_loop3A_497 = tpu.memref_slice %arg5[%parallel_loop3A_488, %parallel_loop3A_496] : memref<1000000x32xf32, #tpu.memory_space<hbm>> -> memref<1x32xf32, #tpu.memory_space<hbm>>
      %parallel_loop3A_498 = tpu.memref_squeeze %parallel_loop3A_497 : memref<1x32xf32, #tpu.memory_space<hbm>> -> memref<32xf32, #tpu.memory_space<hbm>>
      %parallel_loop3A_499 = arith.constant 0 : i32
      %parallel_loop3A_500 = tpu.memref_slice %arg11[%parallel_loop3A_492, %parallel_loop3A_499] : memref<256x32xf32, #tpu.memory_space<vmem>> -> memref<1x32xf32, #tpu.memory_space<vmem>>
      %parallel_loop3A_501 = tpu.memref_squeeze %parallel_loop3A_500 : memref<1x32xf32, #tpu.memory_space<vmem>> -> memref<32xf32, #tpu.memory_space<vmem>>
      %parallel_loop3A_502 = arith.constant 0 : i32
      %parallel_loop3A_503 = tpu.memref_slice %arg5[%parallel_loop3A_488, %parallel_loop3A_502] : memref<1000000x32xf32, #tpu.memory_space<hbm>> -> memref<1x32xf32, #tpu.memory_space<hbm>>
      %parallel_loop3A_504 = tpu.memref_squeeze %parallel_loop3A_503 : memref<1x32xf32, #tpu.memory_space<hbm>> -> memref<32xf32, #tpu.memory_space<hbm>>
      tpu.enqueue_dma source(%parallel_loop3A_504 : memref<32xf32, #tpu.memory_space<hbm>>) target(%parallel_loop3A_501 : memref<32xf32, #tpu.memory_space<vmem>>) target_semaphore(%arg14 : memref<!tpu.dma_semaphore, #tpu.memory_space<semaphore_mem>>)
      %parallel_loop3A_505 = vector.extract_strided_slice %parallel_loop3A_245 {offsets = [7], sizes = [1], strides = [1]} : vector<16xi32> to vector<1xi32>
      %parallel_loop3A_506 = vector.extract %parallel_loop3A_505[0] : i32 from vector<1xi32>
      %parallel_loop3A_507 = arith.constant 16 : i32
      %parallel_loop3A_508 = arith.muli %parallel_loop3A_238, %parallel_loop3A_507 : i32
      %parallel_loop3A_509 = arith.constant 7 : i32
      %parallel_loop3A_510 = arith.addi %parallel_loop3A_508, %parallel_loop3A_509 : i32
      %parallel_loop3A_511 = arith.constant 0 : i32
      %parallel_loop3A_512 = tpu.memref_slice %arg10[%parallel_loop3A_510, %parallel_loop3A_511] : memref<256x32xf32, #tpu.memory_space<vmem>> -> memref<1x32xf32, #tpu.memory_space<vmem>>
      %parallel_loop3A_513 = tpu.memref_squeeze %parallel_loop3A_512 : memref<1x32xf32, #tpu.memory_space<vmem>> -> memref<32xf32, #tpu.memory_space<vmem>>
      %parallel_loop3A_514 = arith.constant 0 : i32
      %parallel_loop3A_515 = tpu.memref_slice %arg4[%parallel_loop3A_506, %parallel_loop3A_514] : memref<1000000x32xf32, #tpu.memory_space<hbm>> -> memref<1x32xf32, #tpu.memory_space<hbm>>
      %parallel_loop3A_516 = tpu.memref_squeeze %parallel_loop3A_515 : memref<1x32xf32, #tpu.memory_space<hbm>> -> memref<32xf32, #tpu.memory_space<hbm>>
      %parallel_loop3A_517 = arith.constant 0 : i32
      %parallel_loop3A_518 = tpu.memref_slice %arg10[%parallel_loop3A_510, %parallel_loop3A_517] : memref<256x32xf32, #tpu.memory_space<vmem>> -> memref<1x32xf32, #tpu.memory_space<vmem>>
      %parallel_loop3A_519 = tpu.memref_squeeze %parallel_loop3A_518 : memref<1x32xf32, #tpu.memory_space<vmem>> -> memref<32xf32, #tpu.memory_space<vmem>>
      %parallel_loop3A_520 = arith.constant 0 : i32
      %parallel_loop3A_521 = tpu.memref_slice %arg4[%parallel_loop3A_506, %parallel_loop3A_520] : memref<1000000x32xf32, #tpu.memory_space<hbm>> -> memref<1x32xf32, #tpu.memory_space<hbm>>
      %parallel_loop3A_522 = tpu.memref_squeeze %parallel_loop3A_521 : memref<1x32xf32, #tpu.memory_space<hbm>> -> memref<32xf32, #tpu.memory_space<hbm>>
      tpu.enqueue_dma source(%parallel_loop3A_522 : memref<32xf32, #tpu.memory_space<hbm>>) target(%parallel_loop3A_519 : memref<32xf32, #tpu.memory_space<vmem>>) target_semaphore(%arg15 : memref<!tpu.dma_semaphore, #tpu.memory_space<semaphore_mem>>)
      %parallel_loop3A_523 = vector.extract_strided_slice %parallel_loop3A_252 {offsets = [7], sizes = [1], strides = [1]} : vector<16xi32> to vector<1xi32>
      %parallel_loop3A_524 = vector.extract %parallel_loop3A_523[0] : i32 from vector<1xi32>
      %parallel_loop3A_525 = arith.constant 16 : i32
      %parallel_loop3A_526 = arith.muli %parallel_loop3A_238, %parallel_loop3A_525 : i32
      %parallel_loop3A_527 = arith.constant 7 : i32
      %parallel_loop3A_528 = arith.addi %parallel_loop3A_526, %parallel_loop3A_527 : i32
      %parallel_loop3A_529 = arith.constant 0 : i32
      %parallel_loop3A_530 = tpu.memref_slice %arg11[%parallel_loop3A_528, %parallel_loop3A_529] : memref<256x32xf32, #tpu.memory_space<vmem>> -> memref<1x32xf32, #tpu.memory_space<vmem>>
      %parallel_loop3A_531 = tpu.memref_squeeze %parallel_loop3A_530 : memref<1x32xf32, #tpu.memory_space<vmem>> -> memref<32xf32, #tpu.memory_space<vmem>>
      %parallel_loop3A_532 = arith.constant 0 : i32
      %parallel_loop3A_533 = tpu.memref_slice %arg5[%parallel_loop3A_524, %parallel_loop3A_532] : memref<1000000x32xf32, #tpu.memory_space<hbm>> -> memref<1x32xf32, #tpu.memory_space<hbm>>
      %parallel_loop3A_534 = tpu.memref_squeeze %parallel_loop3A_533 : memref<1x32xf32, #tpu.memory_space<hbm>> -> memref<32xf32, #tpu.memory_space<hbm>>
      %parallel_loop3A_535 = arith.constant 0 : i32
      %parallel_loop3A_536 = tpu.memref_slice %arg11[%parallel_loop3A_528, %parallel_loop3A_535] : memref<256x32xf32, #tpu.memory_space<vmem>> -> memref<1x32xf32, #tpu.memory_space<vmem>>
      %parallel_loop3A_537 = tpu.memref_squeeze %parallel_loop3A_536 : memref<1x32xf32, #tpu.memory_space<vmem>> -> memref<32xf32, #tpu.memory_space<vmem>>
      %parallel_loop3A_538 = arith.constant 0 : i32
      %parallel_loop3A_539 = tpu.memref_slice %arg5[%parallel_loop3A_524, %parallel_loop3A_538] : memref<1000000x32xf32, #tpu.memory_space<hbm>> -> memref<1x32xf32, #tpu.memory_space<hbm>>
      %parallel_loop3A_540 = tpu.memref_squeeze %parallel_loop3A_539 : memref<1x32xf32, #tpu.memory_space<hbm>> -> memref<32xf32, #tpu.memory_space<hbm>>
      tpu.enqueue_dma source(%parallel_loop3A_540 : memref<32xf32, #tpu.memory_space<hbm>>) target(%parallel_loop3A_537 : memref<32xf32, #tpu.memory_space<vmem>>) target_semaphore(%arg15 : memref<!tpu.dma_semaphore, #tpu.memory_space<semaphore_mem>>)
      %parallel_loop3A_541 = vector.extract_strided_slice %parallel_loop3A_245 {offsets = [8], sizes = [1], strides = [1]} : vector<16xi32> to vector<1xi32>
      %parallel_loop3A_542 = vector.extract %parallel_loop3A_541[0] : i32 from vector<1xi32>
      %parallel_loop3A_543 = arith.constant 16 : i32
      %parallel_loop3A_544 = arith.muli %parallel_loop3A_238, %parallel_loop3A_543 : i32
      %parallel_loop3A_545 = arith.constant 8 : i32
      %parallel_loop3A_546 = arith.addi %parallel_loop3A_544, %parallel_loop3A_545 : i32
      %parallel_loop3A_547 = arith.constant 0 : i32
      %parallel_loop3A_548 = tpu.memref_slice %arg10[%parallel_loop3A_546, %parallel_loop3A_547] : memref<256x32xf32, #tpu.memory_space<vmem>> -> memref<1x32xf32, #tpu.memory_space<vmem>>
      %parallel_loop3A_549 = tpu.memref_squeeze %parallel_loop3A_548 : memref<1x32xf32, #tpu.memory_space<vmem>> -> memref<32xf32, #tpu.memory_space<vmem>>
      %parallel_loop3A_550 = arith.constant 0 : i32
      %parallel_loop3A_551 = tpu.memref_slice %arg4[%parallel_loop3A_542, %parallel_loop3A_550] : memref<1000000x32xf32, #tpu.memory_space<hbm>> -> memref<1x32xf32, #tpu.memory_space<hbm>>
      %parallel_loop3A_552 = tpu.memref_squeeze %parallel_loop3A_551 : memref<1x32xf32, #tpu.memory_space<hbm>> -> memref<32xf32, #tpu.memory_space<hbm>>
      %parallel_loop3A_553 = arith.constant 0 : i32
      %parallel_loop3A_554 = tpu.memref_slice %arg10[%parallel_loop3A_546, %parallel_loop3A_553] : memref<256x32xf32, #tpu.memory_space<vmem>> -> memref<1x32xf32, #tpu.memory_space<vmem>>
      %parallel_loop3A_555 = tpu.memref_squeeze %parallel_loop3A_554 : memref<1x32xf32, #tpu.memory_space<vmem>> -> memref<32xf32, #tpu.memory_space<vmem>>
      %parallel_loop3A_556 = arith.constant 0 : i32
      %parallel_loop3A_557 = tpu.memref_slice %arg4[%parallel_loop3A_542, %parallel_loop3A_556] : memref<1000000x32xf32, #tpu.memory_space<hbm>> -> memref<1x32xf32, #tpu.memory_space<hbm>>
      %parallel_loop3A_558 = tpu.memref_squeeze %parallel_loop3A_557 : memref<1x32xf32, #tpu.memory_space<hbm>> -> memref<32xf32, #tpu.memory_space<hbm>>
      tpu.enqueue_dma source(%parallel_loop3A_558 : memref<32xf32, #tpu.memory_space<hbm>>) target(%parallel_loop3A_555 : memref<32xf32, #tpu.memory_space<vmem>>) target_semaphore(%arg12 : memref<!tpu.dma_semaphore, #tpu.memory_space<semaphore_mem>>)
      %parallel_loop3A_559 = vector.extract_strided_slice %parallel_loop3A_252 {offsets = [8], sizes = [1], strides = [1]} : vector<16xi32> to vector<1xi32>
      %parallel_loop3A_560 = vector.extract %parallel_loop3A_559[0] : i32 from vector<1xi32>
      %parallel_loop3A_561 = arith.constant 16 : i32
      %parallel_loop3A_562 = arith.muli %parallel_loop3A_238, %parallel_loop3A_561 : i32
      %parallel_loop3A_563 = arith.constant 8 : i32
      %parallel_loop3A_564 = arith.addi %parallel_loop3A_562, %parallel_loop3A_563 : i32
      %parallel_loop3A_565 = arith.constant 0 : i32
      %parallel_loop3A_566 = tpu.memref_slice %arg11[%parallel_loop3A_564, %parallel_loop3A_565] : memref<256x32xf32, #tpu.memory_space<vmem>> -> memref<1x32xf32, #tpu.memory_space<vmem>>
      %parallel_loop3A_567 = tpu.memref_squeeze %parallel_loop3A_566 : memref<1x32xf32, #tpu.memory_space<vmem>> -> memref<32xf32, #tpu.memory_space<vmem>>
      %parallel_loop3A_568 = arith.constant 0 : i32
      %parallel_loop3A_569 = tpu.memref_slice %arg5[%parallel_loop3A_560, %parallel_loop3A_568] : memref<1000000x32xf32, #tpu.memory_space<hbm>> -> memref<1x32xf32, #tpu.memory_space<hbm>>
      %parallel_loop3A_570 = tpu.memref_squeeze %parallel_loop3A_569 : memref<1x32xf32, #tpu.memory_space<hbm>> -> memref<32xf32, #tpu.memory_space<hbm>>
      %parallel_loop3A_571 = arith.constant 0 : i32
      %parallel_loop3A_572 = tpu.memref_slice %arg11[%parallel_loop3A_564, %parallel_loop3A_571] : memref<256x32xf32, #tpu.memory_space<vmem>> -> memref<1x32xf32, #tpu.memory_space<vmem>>
      %parallel_loop3A_573 = tpu.memref_squeeze %parallel_loop3A_572 : memref<1x32xf32, #tpu.memory_space<vmem>> -> memref<32xf32, #tpu.memory_space<vmem>>
      %parallel_loop3A_574 = arith.constant 0 : i32
      %parallel_loop3A_575 = tpu.memref_slice %arg5[%parallel_loop3A_560, %parallel_loop3A_574] : memref<1000000x32xf32, #tpu.memory_space<hbm>> -> memref<1x32xf32, #tpu.memory_space<hbm>>
      %parallel_loop3A_576 = tpu.memref_squeeze %parallel_loop3A_575 : memref<1x32xf32, #tpu.memory_space<hbm>> -> memref<32xf32, #tpu.memory_space<hbm>>
      tpu.enqueue_dma source(%parallel_loop3A_576 : memref<32xf32, #tpu.memory_space<hbm>>) target(%parallel_loop3A_573 : memref<32xf32, #tpu.memory_space<vmem>>) target_semaphore(%arg12 : memref<!tpu.dma_semaphore, #tpu.memory_space<semaphore_mem>>)
      %parallel_loop3A_577 = vector.extract_strided_slice %parallel_loop3A_245 {offsets = [9], sizes = [1], strides = [1]} : vector<16xi32> to vector<1xi32>
      %parallel_loop3A_578 = vector.extract %parallel_loop3A_577[0] : i32 from vector<1xi32>
      %parallel_loop3A_579 = arith.constant 16 : i32
      %parallel_loop3A_580 = arith.muli %parallel_loop3A_238, %parallel_loop3A_579 : i32
      %parallel_loop3A_581 = arith.constant 9 : i32
      %parallel_loop3A_582 = arith.addi %parallel_loop3A_580, %parallel_loop3A_581 : i32
      %parallel_loop3A_583 = arith.constant 0 : i32
      %parallel_loop3A_584 = tpu.memref_slice %arg10[%parallel_loop3A_582, %parallel_loop3A_583] : memref<256x32xf32, #tpu.memory_space<vmem>> -> memref<1x32xf32, #tpu.memory_space<vmem>>
      %parallel_loop3A_585 = tpu.memref_squeeze %parallel_loop3A_584 : memref<1x32xf32, #tpu.memory_space<vmem>> -> memref<32xf32, #tpu.memory_space<vmem>>
      %parallel_loop3A_586 = arith.constant 0 : i32
      %parallel_loop3A_587 = tpu.memref_slice %arg4[%parallel_loop3A_578, %parallel_loop3A_586] : memref<1000000x32xf32, #tpu.memory_space<hbm>> -> memref<1x32xf32, #tpu.memory_space<hbm>>
      %parallel_loop3A_588 = tpu.memref_squeeze %parallel_loop3A_587 : memref<1x32xf32, #tpu.memory_space<hbm>> -> memref<32xf32, #tpu.memory_space<hbm>>
      %parallel_loop3A_589 = arith.constant 0 : i32
      %parallel_loop3A_590 = tpu.memref_slice %arg10[%parallel_loop3A_582, %parallel_loop3A_589] : memref<256x32xf32, #tpu.memory_space<vmem>> -> memref<1x32xf32, #tpu.memory_space<vmem>>
      %parallel_loop3A_591 = tpu.memref_squeeze %parallel_loop3A_590 : memref<1x32xf32, #tpu.memory_space<vmem>> -> memref<32xf32, #tpu.memory_space<vmem>>
      %parallel_loop3A_592 = arith.constant 0 : i32
      %parallel_loop3A_593 = tpu.memref_slice %arg4[%parallel_loop3A_578, %parallel_loop3A_592] : memref<1000000x32xf32, #tpu.memory_space<hbm>> -> memref<1x32xf32, #tpu.memory_space<hbm>>
      %parallel_loop3A_594 = tpu.memref_squeeze %parallel_loop3A_593 : memref<1x32xf32, #tpu.memory_space<hbm>> -> memref<32xf32, #tpu.memory_space<hbm>>
      tpu.enqueue_dma source(%parallel_loop3A_594 : memref<32xf32, #tpu.memory_space<hbm>>) target(%parallel_loop3A_591 : memref<32xf32, #tpu.memory_space<vmem>>) target_semaphore(%arg13 : memref<!tpu.dma_semaphore, #tpu.memory_space<semaphore_mem>>)
      %parallel_loop3A_595 = vector.extract_strided_slice %parallel_loop3A_252 {offsets = [9], sizes = [1], strides = [1]} : vector<16xi32> to vector<1xi32>
      %parallel_loop3A_596 = vector.extract %parallel_loop3A_595[0] : i32 from vector<1xi32>
      %parallel_loop3A_597 = arith.constant 16 : i32
      %parallel_loop3A_598 = arith.muli %parallel_loop3A_238, %parallel_loop3A_597 : i32
      %parallel_loop3A_599 = arith.constant 9 : i32
      %parallel_loop3A_600 = arith.addi %parallel_loop3A_598, %parallel_loop3A_599 : i32
      %parallel_loop3A_601 = arith.constant 0 : i32
      %parallel_loop3A_602 = tpu.memref_slice %arg11[%parallel_loop3A_600, %parallel_loop3A_601] : memref<256x32xf32, #tpu.memory_space<vmem>> -> memref<1x32xf32, #tpu.memory_space<vmem>>
      %parallel_loop3A_603 = tpu.memref_squeeze %parallel_loop3A_602 : memref<1x32xf32, #tpu.memory_space<vmem>> -> memref<32xf32, #tpu.memory_space<vmem>>
      %parallel_loop3A_604 = arith.constant 0 : i32
      %parallel_loop3A_605 = tpu.memref_slice %arg5[%parallel_loop3A_596, %parallel_loop3A_604] : memref<1000000x32xf32, #tpu.memory_space<hbm>> -> memref<1x32xf32, #tpu.memory_space<hbm>>
      %parallel_loop3A_606 = tpu.memref_squeeze %parallel_loop3A_605 : memref<1x32xf32, #tpu.memory_space<hbm>> -> memref<32xf32, #tpu.memory_space<hbm>>
      %parallel_loop3A_607 = arith.constant 0 : i32
      %parallel_loop3A_608 = tpu.memref_slice %arg11[%parallel_loop3A_600, %parallel_loop3A_607] : memref<256x32xf32, #tpu.memory_space<vmem>> -> memref<1x32xf32, #tpu.memory_space<vmem>>
      %parallel_loop3A_609 = tpu.memref_squeeze %parallel_loop3A_608 : memref<1x32xf32, #tpu.memory_space<vmem>> -> memref<32xf32, #tpu.memory_space<vmem>>
      %parallel_loop3A_610 = arith.constant 0 : i32
      %parallel_loop3A_611 = tpu.memref_slice %arg5[%parallel_loop3A_596, %parallel_loop3A_610] : memref<1000000x32xf32, #tpu.memory_space<hbm>> -> memref<1x32xf32, #tpu.memory_space<hbm>>
      %parallel_loop3A_612 = tpu.memref_squeeze %parallel_loop3A_611 : memref<1x32xf32, #tpu.memory_space<hbm>> -> memref<32xf32, #tpu.memory_space<hbm>>
      tpu.enqueue_dma source(%parallel_loop3A_612 : memref<32xf32, #tpu.memory_space<hbm>>) target(%parallel_loop3A_609 : memref<32xf32, #tpu.memory_space<vmem>>) target_semaphore(%arg13 : memref<!tpu.dma_semaphore, #tpu.memory_space<semaphore_mem>>)
      %parallel_loop3A_613 = vector.extract_strided_slice %parallel_loop3A_245 {offsets = [10], sizes = [1], strides = [1]} : vector<16xi32> to vector<1xi32>
      %parallel_loop3A_614 = vector.extract %parallel_loop3A_613[0] : i32 from vector<1xi32>
      %parallel_loop3A_615 = arith.constant 16 : i32
      %parallel_loop3A_616 = arith.muli %parallel_loop3A_238, %parallel_loop3A_615 : i32
      %parallel_loop3A_617 = arith.constant 10 : i32
      %parallel_loop3A_618 = arith.addi %parallel_loop3A_616, %parallel_loop3A_617 : i32
      %parallel_loop3A_619 = arith.constant 0 : i32
      %parallel_loop3A_620 = tpu.memref_slice %arg10[%parallel_loop3A_618, %parallel_loop3A_619] : memref<256x32xf32, #tpu.memory_space<vmem>> -> memref<1x32xf32, #tpu.memory_space<vmem>>
      %parallel_loop3A_621 = tpu.memref_squeeze %parallel_loop3A_620 : memref<1x32xf32, #tpu.memory_space<vmem>> -> memref<32xf32, #tpu.memory_space<vmem>>
      %parallel_loop3A_622 = arith.constant 0 : i32
      %parallel_loop3A_623 = tpu.memref_slice %arg4[%parallel_loop3A_614, %parallel_loop3A_622] : memref<1000000x32xf32, #tpu.memory_space<hbm>> -> memref<1x32xf32, #tpu.memory_space<hbm>>
      %parallel_loop3A_624 = tpu.memref_squeeze %parallel_loop3A_623 : memref<1x32xf32, #tpu.memory_space<hbm>> -> memref<32xf32, #tpu.memory_space<hbm>>
      %parallel_loop3A_625 = arith.constant 0 : i32
      %parallel_loop3A_626 = tpu.memref_slice %arg10[%parallel_loop3A_618, %parallel_loop3A_625] : memref<256x32xf32, #tpu.memory_space<vmem>> -> memref<1x32xf32, #tpu.memory_space<vmem>>
      %parallel_loop3A_627 = tpu.memref_squeeze %parallel_loop3A_626 : memref<1x32xf32, #tpu.memory_space<vmem>> -> memref<32xf32, #tpu.memory_space<vmem>>
      %parallel_loop3A_628 = arith.constant 0 : i32
      %parallel_loop3A_629 = tpu.memref_slice %arg4[%parallel_loop3A_614, %parallel_loop3A_628] : memref<1000000x32xf32, #tpu.memory_space<hbm>> -> memref<1x32xf32, #tpu.memory_space<hbm>>
      %parallel_loop3A_630 = tpu.memref_squeeze %parallel_loop3A_629 : memref<1x32xf32, #tpu.memory_space<hbm>> -> memref<32xf32, #tpu.memory_space<hbm>>
      tpu.enqueue_dma source(%parallel_loop3A_630 : memref<32xf32, #tpu.memory_space<hbm>>) target(%parallel_loop3A_627 : memref<32xf32, #tpu.memory_space<vmem>>) target_semaphore(%arg14 : memref<!tpu.dma_semaphore, #tpu.memory_space<semaphore_mem>>)
      %parallel_loop3A_631 = vector.extract_strided_slice %parallel_loop3A_252 {offsets = [10], sizes = [1], strides = [1]} : vector<16xi32> to vector<1xi32>
      %parallel_loop3A_632 = vector.extract %parallel_loop3A_631[0] : i32 from vector<1xi32>
      %parallel_loop3A_633 = arith.constant 16 : i32
      %parallel_loop3A_634 = arith.muli %parallel_loop3A_238, %parallel_loop3A_633 : i32
      %parallel_loop3A_635 = arith.constant 10 : i32
      %parallel_loop3A_636 = arith.addi %parallel_loop3A_634, %parallel_loop3A_635 : i32
      %parallel_loop3A_637 = arith.constant 0 : i32
      %parallel_loop3A_638 = tpu.memref_slice %arg11[%parallel_loop3A_636, %parallel_loop3A_637] : memref<256x32xf32, #tpu.memory_space<vmem>> -> memref<1x32xf32, #tpu.memory_space<vmem>>
      %parallel_loop3A_639 = tpu.memref_squeeze %parallel_loop3A_638 : memref<1x32xf32, #tpu.memory_space<vmem>> -> memref<32xf32, #tpu.memory_space<vmem>>
      %parallel_loop3A_640 = arith.constant 0 : i32
      %parallel_loop3A_641 = tpu.memref_slice %arg5[%parallel_loop3A_632, %parallel_loop3A_640] : memref<1000000x32xf32, #tpu.memory_space<hbm>> -> memref<1x32xf32, #tpu.memory_space<hbm>>
      %parallel_loop3A_642 = tpu.memref_squeeze %parallel_loop3A_641 : memref<1x32xf32, #tpu.memory_space<hbm>> -> memref<32xf32, #tpu.memory_space<hbm>>
      %parallel_loop3A_643 = arith.constant 0 : i32
      %parallel_loop3A_644 = tpu.memref_slice %arg11[%parallel_loop3A_636, %parallel_loop3A_643] : memref<256x32xf32, #tpu.memory_space<vmem>> -> memref<1x32xf32, #tpu.memory_space<vmem>>
      %parallel_loop3A_645 = tpu.memref_squeeze %parallel_loop3A_644 : memref<1x32xf32, #tpu.memory_space<vmem>> -> memref<32xf32, #tpu.memory_space<vmem>>
      %parallel_loop3A_646 = arith.constant 0 : i32
      %parallel_loop3A_647 = tpu.memref_slice %arg5[%parallel_loop3A_632, %parallel_loop3A_646] : memref<1000000x32xf32, #tpu.memory_space<hbm>> -> memref<1x32xf32, #tpu.memory_space<hbm>>
      %parallel_loop3A_648 = tpu.memref_squeeze %parallel_loop3A_647 : memref<1x32xf32, #tpu.memory_space<hbm>> -> memref<32xf32, #tpu.memory_space<hbm>>
      tpu.enqueue_dma source(%parallel_loop3A_648 : memref<32xf32, #tpu.memory_space<hbm>>) target(%parallel_loop3A_645 : memref<32xf32, #tpu.memory_space<vmem>>) target_semaphore(%arg14 : memref<!tpu.dma_semaphore, #tpu.memory_space<semaphore_mem>>)
      %parallel_loop3A_649 = vector.extract_strided_slice %parallel_loop3A_245 {offsets = [11], sizes = [1], strides = [1]} : vector<16xi32> to vector<1xi32>
      %parallel_loop3A_650 = vector.extract %parallel_loop3A_649[0] : i32 from vector<1xi32>
      %parallel_loop3A_651 = arith.constant 16 : i32
      %parallel_loop3A_652 = arith.muli %parallel_loop3A_238, %parallel_loop3A_651 : i32
      %parallel_loop3A_653 = arith.constant 11 : i32
      %parallel_loop3A_654 = arith.addi %parallel_loop3A_652, %parallel_loop3A_653 : i32
      %parallel_loop3A_655 = arith.constant 0 : i32
      %parallel_loop3A_656 = tpu.memref_slice %arg10[%parallel_loop3A_654, %parallel_loop3A_655] : memref<256x32xf32, #tpu.memory_space<vmem>> -> memref<1x32xf32, #tpu.memory_space<vmem>>
      %parallel_loop3A_657 = tpu.memref_squeeze %parallel_loop3A_656 : memref<1x32xf32, #tpu.memory_space<vmem>> -> memref<32xf32, #tpu.memory_space<vmem>>
      %parallel_loop3A_658 = arith.constant 0 : i32
      %parallel_loop3A_659 = tpu.memref_slice %arg4[%parallel_loop3A_650, %parallel_loop3A_658] : memref<1000000x32xf32, #tpu.memory_space<hbm>> -> memref<1x32xf32, #tpu.memory_space<hbm>>
      %parallel_loop3A_660 = tpu.memref_squeeze %parallel_loop3A_659 : memref<1x32xf32, #tpu.memory_space<hbm>> -> memref<32xf32, #tpu.memory_space<hbm>>
      %parallel_loop3A_661 = arith.constant 0 : i32
      %parallel_loop3A_662 = tpu.memref_slice %arg10[%parallel_loop3A_654, %parallel_loop3A_661] : memref<256x32xf32, #tpu.memory_space<vmem>> -> memref<1x32xf32, #tpu.memory_space<vmem>>
      %parallel_loop3A_663 = tpu.memref_squeeze %parallel_loop3A_662 : memref<1x32xf32, #tpu.memory_space<vmem>> -> memref<32xf32, #tpu.memory_space<vmem>>
      %parallel_loop3A_664 = arith.constant 0 : i32
      %parallel_loop3A_665 = tpu.memref_slice %arg4[%parallel_loop3A_650, %parallel_loop3A_664] : memref<1000000x32xf32, #tpu.memory_space<hbm>> -> memref<1x32xf32, #tpu.memory_space<hbm>>
      %parallel_loop3A_666 = tpu.memref_squeeze %parallel_loop3A_665 : memref<1x32xf32, #tpu.memory_space<hbm>> -> memref<32xf32, #tpu.memory_space<hbm>>
      tpu.enqueue_dma source(%parallel_loop3A_666 : memref<32xf32, #tpu.memory_space<hbm>>) target(%parallel_loop3A_663 : memref<32xf32, #tpu.memory_space<vmem>>) target_semaphore(%arg15 : memref<!tpu.dma_semaphore, #tpu.memory_space<semaphore_mem>>)
      %parallel_loop3A_667 = vector.extract_strided_slice %parallel_loop3A_252 {offsets = [11], sizes = [1], strides = [1]} : vector<16xi32> to vector<1xi32>
      %parallel_loop3A_668 = vector.extract %parallel_loop3A_667[0] : i32 from vector<1xi32>
      %parallel_loop3A_669 = arith.constant 16 : i32
      %parallel_loop3A_670 = arith.muli %parallel_loop3A_238, %parallel_loop3A_669 : i32
      %parallel_loop3A_671 = arith.constant 11 : i32
      %parallel_loop3A_672 = arith.addi %parallel_loop3A_670, %parallel_loop3A_671 : i32
      %parallel_loop3A_673 = arith.constant 0 : i32
      %parallel_loop3A_674 = tpu.memref_slice %arg11[%parallel_loop3A_672, %parallel_loop3A_673] : memref<256x32xf32, #tpu.memory_space<vmem>> -> memref<1x32xf32, #tpu.memory_space<vmem>>
      %parallel_loop3A_675 = tpu.memref_squeeze %parallel_loop3A_674 : memref<1x32xf32, #tpu.memory_space<vmem>> -> memref<32xf32, #tpu.memory_space<vmem>>
      %parallel_loop3A_676 = arith.constant 0 : i32
      %parallel_loop3A_677 = tpu.memref_slice %arg5[%parallel_loop3A_668, %parallel_loop3A_676] : memref<1000000x32xf32, #tpu.memory_space<hbm>> -> memref<1x32xf32, #tpu.memory_space<hbm>>
      %parallel_loop3A_678 = tpu.memref_squeeze %parallel_loop3A_677 : memref<1x32xf32, #tpu.memory_space<hbm>> -> memref<32xf32, #tpu.memory_space<hbm>>
      %parallel_loop3A_679 = arith.constant 0 : i32
      %parallel_loop3A_680 = tpu.memref_slice %arg11[%parallel_loop3A_672, %parallel_loop3A_679] : memref<256x32xf32, #tpu.memory_space<vmem>> -> memref<1x32xf32, #tpu.memory_space<vmem>>
      %parallel_loop3A_681 = tpu.memref_squeeze %parallel_loop3A_680 : memref<1x32xf32, #tpu.memory_space<vmem>> -> memref<32xf32, #tpu.memory_space<vmem>>
      %parallel_loop3A_682 = arith.constant 0 : i32
      %parallel_loop3A_683 = tpu.memref_slice %arg5[%parallel_loop3A_668, %parallel_loop3A_682] : memref<1000000x32xf32, #tpu.memory_space<hbm>> -> memref<1x32xf32, #tpu.memory_space<hbm>>
      %parallel_loop3A_684 = tpu.memref_squeeze %parallel_loop3A_683 : memref<1x32xf32, #tpu.memory_space<hbm>> -> memref<32xf32, #tpu.memory_space<hbm>>
      tpu.enqueue_dma source(%parallel_loop3A_684 : memref<32xf32, #tpu.memory_space<hbm>>) target(%parallel_loop3A_681 : memref<32xf32, #tpu.memory_space<vmem>>) target_semaphore(%arg15 : memref<!tpu.dma_semaphore, #tpu.memory_space<semaphore_mem>>)
      %parallel_loop3A_685 = vector.extract_strided_slice %parallel_loop3A_245 {offsets = [12], sizes = [1], strides = [1]} : vector<16xi32> to vector<1xi32>
      %parallel_loop3A_686 = vector.extract %parallel_loop3A_685[0] : i32 from vector<1xi32>
      %parallel_loop3A_687 = arith.constant 16 : i32
      %parallel_loop3A_688 = arith.muli %parallel_loop3A_238, %parallel_loop3A_687 : i32
      %parallel_loop3A_689 = arith.constant 12 : i32
      %parallel_loop3A_690 = arith.addi %parallel_loop3A_688, %parallel_loop3A_689 : i32
      %parallel_loop3A_691 = arith.constant 0 : i32
      %parallel_loop3A_692 = tpu.memref_slice %arg10[%parallel_loop3A_690, %parallel_loop3A_691] : memref<256x32xf32, #tpu.memory_space<vmem>> -> memref<1x32xf32, #tpu.memory_space<vmem>>
      %parallel_loop3A_693 = tpu.memref_squeeze %parallel_loop3A_692 : memref<1x32xf32, #tpu.memory_space<vmem>> -> memref<32xf32, #tpu.memory_space<vmem>>
      %parallel_loop3A_694 = arith.constant 0 : i32
      %parallel_loop3A_695 = tpu.memref_slice %arg4[%parallel_loop3A_686, %parallel_loop3A_694] : memref<1000000x32xf32, #tpu.memory_space<hbm>> -> memref<1x32xf32, #tpu.memory_space<hbm>>
      %parallel_loop3A_696 = tpu.memref_squeeze %parallel_loop3A_695 : memref<1x32xf32, #tpu.memory_space<hbm>> -> memref<32xf32, #tpu.memory_space<hbm>>
      %parallel_loop3A_697 = arith.constant 0 : i32
      %parallel_loop3A_698 = tpu.memref_slice %arg10[%parallel_loop3A_690, %parallel_loop3A_697] : memref<256x32xf32, #tpu.memory_space<vmem>> -> memref<1x32xf32, #tpu.memory_space<vmem>>
      %parallel_loop3A_699 = tpu.memref_squeeze %parallel_loop3A_698 : memref<1x32xf32, #tpu.memory_space<vmem>> -> memref<32xf32, #tpu.memory_space<vmem>>
      %parallel_loop3A_700 = arith.constant 0 : i32
      %parallel_loop3A_701 = tpu.memref_slice %arg4[%parallel_loop3A_686, %parallel_loop3A_700] : memref<1000000x32xf32, #tpu.memory_space<hbm>> -> memref<1x32xf32, #tpu.memory_space<hbm>>
      %parallel_loop3A_702 = tpu.memref_squeeze %parallel_loop3A_701 : memref<1x32xf32, #tpu.memory_space<hbm>> -> memref<32xf32, #tpu.memory_space<hbm>>
      tpu.enqueue_dma source(%parallel_loop3A_702 : memref<32xf32, #tpu.memory_space<hbm>>) target(%parallel_loop3A_699 : memref<32xf32, #tpu.memory_space<vmem>>) target_semaphore(%arg12 : memref<!tpu.dma_semaphore, #tpu.memory_space<semaphore_mem>>)
      %parallel_loop3A_703 = vector.extract_strided_slice %parallel_loop3A_252 {offsets = [12], sizes = [1], strides = [1]} : vector<16xi32> to vector<1xi32>
      %parallel_loop3A_704 = vector.extract %parallel_loop3A_703[0] : i32 from vector<1xi32>
      %parallel_loop3A_705 = arith.constant 16 : i32
      %parallel_loop3A_706 = arith.muli %parallel_loop3A_238, %parallel_loop3A_705 : i32
      %parallel_loop3A_707 = arith.constant 12 : i32
      %parallel_loop3A_708 = arith.addi %parallel_loop3A_706, %parallel_loop3A_707 : i32
      %parallel_loop3A_709 = arith.constant 0 : i32
      %parallel_loop3A_710 = tpu.memref_slice %arg11[%parallel_loop3A_708, %parallel_loop3A_709] : memref<256x32xf32, #tpu.memory_space<vmem>> -> memref<1x32xf32, #tpu.memory_space<vmem>>
      %parallel_loop3A_711 = tpu.memref_squeeze %parallel_loop3A_710 : memref<1x32xf32, #tpu.memory_space<vmem>> -> memref<32xf32, #tpu.memory_space<vmem>>
      %parallel_loop3A_712 = arith.constant 0 : i32
      %parallel_loop3A_713 = tpu.memref_slice %arg5[%parallel_loop3A_704, %parallel_loop3A_712] : memref<1000000x32xf32, #tpu.memory_space<hbm>> -> memref<1x32xf32, #tpu.memory_space<hbm>>
      %parallel_loop3A_714 = tpu.memref_squeeze %parallel_loop3A_713 : memref<1x32xf32, #tpu.memory_space<hbm>> -> memref<32xf32, #tpu.memory_space<hbm>>
      %parallel_loop3A_715 = arith.constant 0 : i32
      %parallel_loop3A_716 = tpu.memref_slice %arg11[%parallel_loop3A_708, %parallel_loop3A_715] : memref<256x32xf32, #tpu.memory_space<vmem>> -> memref<1x32xf32, #tpu.memory_space<vmem>>
      %parallel_loop3A_717 = tpu.memref_squeeze %parallel_loop3A_716 : memref<1x32xf32, #tpu.memory_space<vmem>> -> memref<32xf32, #tpu.memory_space<vmem>>
      %parallel_loop3A_718 = arith.constant 0 : i32
      %parallel_loop3A_719 = tpu.memref_slice %arg5[%parallel_loop3A_704, %parallel_loop3A_718] : memref<1000000x32xf32, #tpu.memory_space<hbm>> -> memref<1x32xf32, #tpu.memory_space<hbm>>
      %parallel_loop3A_720 = tpu.memref_squeeze %parallel_loop3A_719 : memref<1x32xf32, #tpu.memory_space<hbm>> -> memref<32xf32, #tpu.memory_space<hbm>>
      tpu.enqueue_dma source(%parallel_loop3A_720 : memref<32xf32, #tpu.memory_space<hbm>>) target(%parallel_loop3A_717 : memref<32xf32, #tpu.memory_space<vmem>>) target_semaphore(%arg12 : memref<!tpu.dma_semaphore, #tpu.memory_space<semaphore_mem>>)
      %parallel_loop3A_721 = vector.extract_strided_slice %parallel_loop3A_245 {offsets = [13], sizes = [1], strides = [1]} : vector<16xi32> to vector<1xi32>
      %parallel_loop3A_722 = vector.extract %parallel_loop3A_721[0] : i32 from vector<1xi32>
      %parallel_loop3A_723 = arith.constant 16 : i32
      %parallel_loop3A_724 = arith.muli %parallel_loop3A_238, %parallel_loop3A_723 : i32
      %parallel_loop3A_725 = arith.constant 13 : i32
      %parallel_loop3A_726 = arith.addi %parallel_loop3A_724, %parallel_loop3A_725 : i32
      %parallel_loop3A_727 = arith.constant 0 : i32
      %parallel_loop3A_728 = tpu.memref_slice %arg10[%parallel_loop3A_726, %parallel_loop3A_727] : memref<256x32xf32, #tpu.memory_space<vmem>> -> memref<1x32xf32, #tpu.memory_space<vmem>>
      %parallel_loop3A_729 = tpu.memref_squeeze %parallel_loop3A_728 : memref<1x32xf32, #tpu.memory_space<vmem>> -> memref<32xf32, #tpu.memory_space<vmem>>
      %parallel_loop3A_730 = arith.constant 0 : i32
      %parallel_loop3A_731 = tpu.memref_slice %arg4[%parallel_loop3A_722, %parallel_loop3A_730] : memref<1000000x32xf32, #tpu.memory_space<hbm>> -> memref<1x32xf32, #tpu.memory_space<hbm>>
      %parallel_loop3A_732 = tpu.memref_squeeze %parallel_loop3A_731 : memref<1x32xf32, #tpu.memory_space<hbm>> -> memref<32xf32, #tpu.memory_space<hbm>>
      %parallel_loop3A_733 = arith.constant 0 : i32
      %parallel_loop3A_734 = tpu.memref_slice %arg10[%parallel_loop3A_726, %parallel_loop3A_733] : memref<256x32xf32, #tpu.memory_space<vmem>> -> memref<1x32xf32, #tpu.memory_space<vmem>>
      %parallel_loop3A_735 = tpu.memref_squeeze %parallel_loop3A_734 : memref<1x32xf32, #tpu.memory_space<vmem>> -> memref<32xf32, #tpu.memory_space<vmem>>
      %parallel_loop3A_736 = arith.constant 0 : i32
      %parallel_loop3A_737 = tpu.memref_slice %arg4[%parallel_loop3A_722, %parallel_loop3A_736] : memref<1000000x32xf32, #tpu.memory_space<hbm>> -> memref<1x32xf32, #tpu.memory_space<hbm>>
      %parallel_loop3A_738 = tpu.memref_squeeze %parallel_loop3A_737 : memref<1x32xf32, #tpu.memory_space<hbm>> -> memref<32xf32, #tpu.memory_space<hbm>>
      tpu.enqueue_dma source(%parallel_loop3A_738 : memref<32xf32, #tpu.memory_space<hbm>>) target(%parallel_loop3A_735 : memref<32xf32, #tpu.memory_space<vmem>>) target_semaphore(%arg13 : memref<!tpu.dma_semaphore, #tpu.memory_space<semaphore_mem>>)
      %parallel_loop3A_739 = vector.extract_strided_slice %parallel_loop3A_252 {offsets = [13], sizes = [1], strides = [1]} : vector<16xi32> to vector<1xi32>
      %parallel_loop3A_740 = vector.extract %parallel_loop3A_739[0] : i32 from vector<1xi32>
      %parallel_loop3A_741 = arith.constant 16 : i32
      %parallel_loop3A_742 = arith.muli %parallel_loop3A_238, %parallel_loop3A_741 : i32
      %parallel_loop3A_743 = arith.constant 13 : i32
      %parallel_loop3A_744 = arith.addi %parallel_loop3A_742, %parallel_loop3A_743 : i32
      %parallel_loop3A_745 = arith.constant 0 : i32
      %parallel_loop3A_746 = tpu.memref_slice %arg11[%parallel_loop3A_744, %parallel_loop3A_745] : memref<256x32xf32, #tpu.memory_space<vmem>> -> memref<1x32xf32, #tpu.memory_space<vmem>>
      %parallel_loop3A_747 = tpu.memref_squeeze %parallel_loop3A_746 : memref<1x32xf32, #tpu.memory_space<vmem>> -> memref<32xf32, #tpu.memory_space<vmem>>
      %parallel_loop3A_748 = arith.constant 0 : i32
      %parallel_loop3A_749 = tpu.memref_slice %arg5[%parallel_loop3A_740, %parallel_loop3A_748] : memref<1000000x32xf32, #tpu.memory_space<hbm>> -> memref<1x32xf32, #tpu.memory_space<hbm>>
      %parallel_loop3A_750 = tpu.memref_squeeze %parallel_loop3A_749 : memref<1x32xf32, #tpu.memory_space<hbm>> -> memref<32xf32, #tpu.memory_space<hbm>>
      %parallel_loop3A_751 = arith.constant 0 : i32
      %parallel_loop3A_752 = tpu.memref_slice %arg11[%parallel_loop3A_744, %parallel_loop3A_751] : memref<256x32xf32, #tpu.memory_space<vmem>> -> memref<1x32xf32, #tpu.memory_space<vmem>>
      %parallel_loop3A_753 = tpu.memref_squeeze %parallel_loop3A_752 : memref<1x32xf32, #tpu.memory_space<vmem>> -> memref<32xf32, #tpu.memory_space<vmem>>
      %parallel_loop3A_754 = arith.constant 0 : i32
      %parallel_loop3A_755 = tpu.memref_slice %arg5[%parallel_loop3A_740, %parallel_loop3A_754] : memref<1000000x32xf32, #tpu.memory_space<hbm>> -> memref<1x32xf32, #tpu.memory_space<hbm>>
      %parallel_loop3A_756 = tpu.memref_squeeze %parallel_loop3A_755 : memref<1x32xf32, #tpu.memory_space<hbm>> -> memref<32xf32, #tpu.memory_space<hbm>>
      tpu.enqueue_dma source(%parallel_loop3A_756 : memref<32xf32, #tpu.memory_space<hbm>>) target(%parallel_loop3A_753 : memref<32xf32, #tpu.memory_space<vmem>>) target_semaphore(%arg13 : memref<!tpu.dma_semaphore, #tpu.memory_space<semaphore_mem>>)
      %parallel_loop3A_757 = vector.extract_strided_slice %parallel_loop3A_245 {offsets = [14], sizes = [1], strides = [1]} : vector<16xi32> to vector<1xi32>
      %parallel_loop3A_758 = vector.extract %parallel_loop3A_757[0] : i32 from vector<1xi32>
      %parallel_loop3A_759 = arith.constant 16 : i32
      %parallel_loop3A_760 = arith.muli %parallel_loop3A_238, %parallel_loop3A_759 : i32
      %parallel_loop3A_761 = arith.constant 14 : i32
      %parallel_loop3A_762 = arith.addi %parallel_loop3A_760, %parallel_loop3A_761 : i32
      %parallel_loop3A_763 = arith.constant 0 : i32
      %parallel_loop3A_764 = tpu.memref_slice %arg10[%parallel_loop3A_762, %parallel_loop3A_763] : memref<256x32xf32, #tpu.memory_space<vmem>> -> memref<1x32xf32, #tpu.memory_space<vmem>>
      %parallel_loop3A_765 = tpu.memref_squeeze %parallel_loop3A_764 : memref<1x32xf32, #tpu.memory_space<vmem>> -> memref<32xf32, #tpu.memory_space<vmem>>
      %parallel_loop3A_766 = arith.constant 0 : i32
      %parallel_loop3A_767 = tpu.memref_slice %arg4[%parallel_loop3A_758, %parallel_loop3A_766] : memref<1000000x32xf32, #tpu.memory_space<hbm>> -> memref<1x32xf32, #tpu.memory_space<hbm>>
      %parallel_loop3A_768 = tpu.memref_squeeze %parallel_loop3A_767 : memref<1x32xf32, #tpu.memory_space<hbm>> -> memref<32xf32, #tpu.memory_space<hbm>>
      %parallel_loop3A_769 = arith.constant 0 : i32
      %parallel_loop3A_770 = tpu.memref_slice %arg10[%parallel_loop3A_762, %parallel_loop3A_769] : memref<256x32xf32, #tpu.memory_space<vmem>> -> memref<1x32xf32, #tpu.memory_space<vmem>>
      %parallel_loop3A_771 = tpu.memref_squeeze %parallel_loop3A_770 : memref<1x32xf32, #tpu.memory_space<vmem>> -> memref<32xf32, #tpu.memory_space<vmem>>
      %parallel_loop3A_772 = arith.constant 0 : i32
      %parallel_loop3A_773 = tpu.memref_slice %arg4[%parallel_loop3A_758, %parallel_loop3A_772] : memref<1000000x32xf32, #tpu.memory_space<hbm>> -> memref<1x32xf32, #tpu.memory_space<hbm>>
      %parallel_loop3A_774 = tpu.memref_squeeze %parallel_loop3A_773 : memref<1x32xf32, #tpu.memory_space<hbm>> -> memref<32xf32, #tpu.memory_space<hbm>>
      tpu.enqueue_dma source(%parallel_loop3A_774 : memref<32xf32, #tpu.memory_space<hbm>>) target(%parallel_loop3A_771 : memref<32xf32, #tpu.memory_space<vmem>>) target_semaphore(%arg14 : memref<!tpu.dma_semaphore, #tpu.memory_space<semaphore_mem>>)
      %parallel_loop3A_775 = vector.extract_strided_slice %parallel_loop3A_252 {offsets = [14], sizes = [1], strides = [1]} : vector<16xi32> to vector<1xi32>
      %parallel_loop3A_776 = vector.extract %parallel_loop3A_775[0] : i32 from vector<1xi32>
      %parallel_loop3A_777 = arith.constant 16 : i32
      %parallel_loop3A_778 = arith.muli %parallel_loop3A_238, %parallel_loop3A_777 : i32
      %parallel_loop3A_779 = arith.constant 14 : i32
      %parallel_loop3A_780 = arith.addi %parallel_loop3A_778, %parallel_loop3A_779 : i32
      %parallel_loop3A_781 = arith.constant 0 : i32
      %parallel_loop3A_782 = tpu.memref_slice %arg11[%parallel_loop3A_780, %parallel_loop3A_781] : memref<256x32xf32, #tpu.memory_space<vmem>> -> memref<1x32xf32, #tpu.memory_space<vmem>>
      %parallel_loop3A_783 = tpu.memref_squeeze %parallel_loop3A_782 : memref<1x32xf32, #tpu.memory_space<vmem>> -> memref<32xf32, #tpu.memory_space<vmem>>
      %parallel_loop3A_784 = arith.constant 0 : i32
      %parallel_loop3A_785 = tpu.memref_slice %arg5[%parallel_loop3A_776, %parallel_loop3A_784] : memref<1000000x32xf32, #tpu.memory_space<hbm>> -> memref<1x32xf32, #tpu.memory_space<hbm>>
      %parallel_loop3A_786 = tpu.memref_squeeze %parallel_loop3A_785 : memref<1x32xf32, #tpu.memory_space<hbm>> -> memref<32xf32, #tpu.memory_space<hbm>>
      %parallel_loop3A_787 = arith.constant 0 : i32
      %parallel_loop3A_788 = tpu.memref_slice %arg11[%parallel_loop3A_780, %parallel_loop3A_787] : memref<256x32xf32, #tpu.memory_space<vmem>> -> memref<1x32xf32, #tpu.memory_space<vmem>>
      %parallel_loop3A_789 = tpu.memref_squeeze %parallel_loop3A_788 : memref<1x32xf32, #tpu.memory_space<vmem>> -> memref<32xf32, #tpu.memory_space<vmem>>
      %parallel_loop3A_790 = arith.constant 0 : i32
      %parallel_loop3A_791 = tpu.memref_slice %arg5[%parallel_loop3A_776, %parallel_loop3A_790] : memref<1000000x32xf32, #tpu.memory_space<hbm>> -> memref<1x32xf32, #tpu.memory_space<hbm>>
      %parallel_loop3A_792 = tpu.memref_squeeze %parallel_loop3A_791 : memref<1x32xf32, #tpu.memory_space<hbm>> -> memref<32xf32, #tpu.memory_space<hbm>>
      tpu.enqueue_dma source(%parallel_loop3A_792 : memref<32xf32, #tpu.memory_space<hbm>>) target(%parallel_loop3A_789 : memref<32xf32, #tpu.memory_space<vmem>>) target_semaphore(%arg14 : memref<!tpu.dma_semaphore, #tpu.memory_space<semaphore_mem>>)
      %parallel_loop3A_793 = vector.extract_strided_slice %parallel_loop3A_245 {offsets = [15], sizes = [1], strides = [1]} : vector<16xi32> to vector<1xi32>
      %parallel_loop3A_794 = vector.extract %parallel_loop3A_793[0] : i32 from vector<1xi32>
      %parallel_loop3A_795 = arith.constant 16 : i32
      %parallel_loop3A_796 = arith.muli %parallel_loop3A_238, %parallel_loop3A_795 : i32
      %parallel_loop3A_797 = arith.constant 15 : i32
      %parallel_loop3A_798 = arith.addi %parallel_loop3A_796, %parallel_loop3A_797 : i32
      %parallel_loop3A_799 = arith.constant 0 : i32
      %parallel_loop3A_800 = tpu.memref_slice %arg10[%parallel_loop3A_798, %parallel_loop3A_799] : memref<256x32xf32, #tpu.memory_space<vmem>> -> memref<1x32xf32, #tpu.memory_space<vmem>>
      %parallel_loop3A_801 = tpu.memref_squeeze %parallel_loop3A_800 : memref<1x32xf32, #tpu.memory_space<vmem>> -> memref<32xf32, #tpu.memory_space<vmem>>
      %parallel_loop3A_802 = arith.constant 0 : i32
      %parallel_loop3A_803 = tpu.memref_slice %arg4[%parallel_loop3A_794, %parallel_loop3A_802] : memref<1000000x32xf32, #tpu.memory_space<hbm>> -> memref<1x32xf32, #tpu.memory_space<hbm>>
      %parallel_loop3A_804 = tpu.memref_squeeze %parallel_loop3A_803 : memref<1x32xf32, #tpu.memory_space<hbm>> -> memref<32xf32, #tpu.memory_space<hbm>>
      %parallel_loop3A_805 = arith.constant 0 : i32
      %parallel_loop3A_806 = tpu.memref_slice %arg10[%parallel_loop3A_798, %parallel_loop3A_805] : memref<256x32xf32, #tpu.memory_space<vmem>> -> memref<1x32xf32, #tpu.memory_space<vmem>>
      %parallel_loop3A_807 = tpu.memref_squeeze %parallel_loop3A_806 : memref<1x32xf32, #tpu.memory_space<vmem>> -> memref<32xf32, #tpu.memory_space<vmem>>
      %parallel_loop3A_808 = arith.constant 0 : i32
      %parallel_loop3A_809 = tpu.memref_slice %arg4[%parallel_loop3A_794, %parallel_loop3A_808] : memref<1000000x32xf32, #tpu.memory_space<hbm>> -> memref<1x32xf32, #tpu.memory_space<hbm>>
      %parallel_loop3A_810 = tpu.memref_squeeze %parallel_loop3A_809 : memref<1x32xf32, #tpu.memory_space<hbm>> -> memref<32xf32, #tpu.memory_space<hbm>>
      tpu.enqueue_dma source(%parallel_loop3A_810 : memref<32xf32, #tpu.memory_space<hbm>>) target(%parallel_loop3A_807 : memref<32xf32, #tpu.memory_space<vmem>>) target_semaphore(%arg15 : memref<!tpu.dma_semaphore, #tpu.memory_space<semaphore_mem>>)
      %parallel_loop3A_811 = vector.extract_strided_slice %parallel_loop3A_252 {offsets = [15], sizes = [1], strides = [1]} : vector<16xi32> to vector<1xi32>
      %parallel_loop3A_812 = vector.extract %parallel_loop3A_811[0] : i32 from vector<1xi32>
      %parallel_loop3A_813 = arith.constant 16 : i32
      %parallel_loop3A_814 = arith.muli %parallel_loop3A_238, %parallel_loop3A_813 : i32
      %parallel_loop3A_815 = arith.constant 15 : i32
      %parallel_loop3A_816 = arith.addi %parallel_loop3A_814, %parallel_loop3A_815 : i32
      %parallel_loop3A_817 = arith.constant 0 : i32
      %parallel_loop3A_818 = tpu.memref_slice %arg11[%parallel_loop3A_816, %parallel_loop3A_817] : memref<256x32xf32, #tpu.memory_space<vmem>> -> memref<1x32xf32, #tpu.memory_space<vmem>>
      %parallel_loop3A_819 = tpu.memref_squeeze %parallel_loop3A_818 : memref<1x32xf32, #tpu.memory_space<vmem>> -> memref<32xf32, #tpu.memory_space<vmem>>
      %parallel_loop3A_820 = arith.constant 0 : i32
      %parallel_loop3A_821 = tpu.memref_slice %arg5[%parallel_loop3A_812, %parallel_loop3A_820] : memref<1000000x32xf32, #tpu.memory_space<hbm>> -> memref<1x32xf32, #tpu.memory_space<hbm>>
      %parallel_loop3A_822 = tpu.memref_squeeze %parallel_loop3A_821 : memref<1x32xf32, #tpu.memory_space<hbm>> -> memref<32xf32, #tpu.memory_space<hbm>>
      %parallel_loop3A_823 = arith.constant 0 : i32
      %parallel_loop3A_824 = tpu.memref_slice %arg11[%parallel_loop3A_816, %parallel_loop3A_823] : memref<256x32xf32, #tpu.memory_space<vmem>> -> memref<1x32xf32, #tpu.memory_space<vmem>>
      %parallel_loop3A_825 = tpu.memref_squeeze %parallel_loop3A_824 : memref<1x32xf32, #tpu.memory_space<vmem>> -> memref<32xf32, #tpu.memory_space<vmem>>
      %parallel_loop3A_826 = arith.constant 0 : i32
      %parallel_loop3A_827 = tpu.memref_slice %arg5[%parallel_loop3A_812, %parallel_loop3A_826] : memref<1000000x32xf32, #tpu.memory_space<hbm>> -> memref<1x32xf32, #tpu.memory_space<hbm>>
      %parallel_loop3A_828 = tpu.memref_squeeze %parallel_loop3A_827 : memref<1x32xf32, #tpu.memory_space<hbm>> -> memref<32xf32, #tpu.memory_space<hbm>>
      tpu.enqueue_dma source(%parallel_loop3A_828 : memref<32xf32, #tpu.memory_space<hbm>>) target(%parallel_loop3A_825 : memref<32xf32, #tpu.memory_space<vmem>>) target_semaphore(%arg15 : memref<!tpu.dma_semaphore, #tpu.memory_space<semaphore_mem>>)
    } {sc.loop_unroll_factor = 1 : i64, sc.parallel_access}
    %dma_wait3A = arith.constant 0 : i32
    %dma_wait3A_5 = arith.constant 0 : i32
    %dma_wait3A_6 = tpu.memref_slice %arg10[%dma_wait3A, %dma_wait3A_5] : memref<256x32xf32, #tpu.memory_space<vmem>> -> memref<64x32xf32, #tpu.memory_space<vmem>>
    %dma_wait3A_7 = arith.constant 0 : i32
    %dma_wait3A_8 = arith.constant 0 : i32
    %dma_wait3A_9 = tpu.memref_slice %arg4[%dma_wait3A_7, %dma_wait3A_8] : memref<1000000x32xf32, #tpu.memory_space<hbm>> -> memref<64x32xf32, #tpu.memory_space<hbm>>
    %dma_wait3A_10 = arith.constant 0 : i32
    %dma_wait3A_11 = arith.constant 0 : i32
    %dma_wait3A_12 = tpu.memref_slice %arg10[%dma_wait3A_10, %dma_wait3A_11] : memref<256x32xf32, #tpu.memory_space<vmem>> -> memref<64x32xf32, #tpu.memory_space<vmem>>
    %dma_wait3A_13 = arith.constant 0 : i32
    %dma_wait3A_14 = arith.constant 0 : i32
    %dma_wait3A_15 = tpu.memref_slice %arg4[%dma_wait3A_13, %dma_wait3A_14] : memref<1000000x32xf32, #tpu.memory_space<hbm>> -> memref<64x32xf32, #tpu.memory_space<hbm>>
    tpu.wait_dma2 semaphore(%arg12 : memref<!tpu.dma_semaphore, #tpu.memory_space<semaphore_mem>>) src(%dma_wait3A_15 : memref<64x32xf32, #tpu.memory_space<hbm>>) dst(%dma_wait3A_12 : memref<64x32xf32, #tpu.memory_space<vmem>>)
    %dma_wait3A_16 = arith.constant 0 : i32
    %dma_wait3A_17 = arith.constant 0 : i32
    %dma_wait3A_18 = tpu.memref_slice %arg11[%dma_wait3A_16, %dma_wait3A_17] : memref<256x32xf32, #tpu.memory_space<vmem>> -> memref<64x32xf32, #tpu.memory_space<vmem>>
    %dma_wait3A_19 = arith.constant 0 : i32
    %dma_wait3A_20 = arith.constant 0 : i32
    %dma_wait3A_21 = tpu.memref_slice %arg5[%dma_wait3A_19, %dma_wait3A_20] : memref<1000000x32xf32, #tpu.memory_space<hbm>> -> memref<64x32xf32, #tpu.memory_space<hbm>>
    %dma_wait3A_22 = arith.constant 0 : i32
    %dma_wait3A_23 = arith.constant 0 : i32
    %dma_wait3A_24 = tpu.memref_slice %arg11[%dma_wait3A_22, %dma_wait3A_23] : memref<256x32xf32, #tpu.memory_space<vmem>> -> memref<64x32xf32, #tpu.memory_space<vmem>>
    %dma_wait3A_25 = arith.constant 0 : i32
    %dma_wait3A_26 = arith.constant 0 : i32
    %dma_wait3A_27 = tpu.memref_slice %arg5[%dma_wait3A_25, %dma_wait3A_26] : memref<1000000x32xf32, #tpu.memory_space<hbm>> -> memref<64x32xf32, #tpu.memory_space<hbm>>
    tpu.wait_dma2 semaphore(%arg12 : memref<!tpu.dma_semaphore, #tpu.memory_space<semaphore_mem>>) src(%dma_wait3A_27 : memref<64x32xf32, #tpu.memory_space<hbm>>) dst(%dma_wait3A_24 : memref<64x32xf32, #tpu.memory_space<vmem>>)
    %dma_wait3A_28 = arith.constant 64 : i32
    %dma_wait3A_29 = arith.constant 0 : i32
    %dma_wait3A_30 = tpu.memref_slice %arg10[%dma_wait3A_28, %dma_wait3A_29] : memref<256x32xf32, #tpu.memory_space<vmem>> -> memref<64x32xf32, #tpu.memory_space<vmem>>
    %dma_wait3A_31 = arith.constant 0 : i32
    %dma_wait3A_32 = arith.constant 0 : i32
    %dma_wait3A_33 = tpu.memref_slice %arg4[%dma_wait3A_31, %dma_wait3A_32] : memref<1000000x32xf32, #tpu.memory_space<hbm>> -> memref<64x32xf32, #tpu.memory_space<hbm>>
    %dma_wait3A_34 = arith.constant 64 : i32
    %dma_wait3A_35 = arith.constant 0 : i32
    %dma_wait3A_36 = tpu.memref_slice %arg10[%dma_wait3A_34, %dma_wait3A_35] : memref<256x32xf32, #tpu.memory_space<vmem>> -> memref<64x32xf32, #tpu.memory_space<vmem>>
    %dma_wait3A_37 = arith.constant 0 : i32
    %dma_wait3A_38 = arith.constant 0 : i32
    %dma_wait3A_39 = tpu.memref_slice %arg4[%dma_wait3A_37, %dma_wait3A_38] : memref<1000000x32xf32, #tpu.memory_space<hbm>> -> memref<64x32xf32, #tpu.memory_space<hbm>>
    tpu.wait_dma2 semaphore(%arg13 : memref<!tpu.dma_semaphore, #tpu.memory_space<semaphore_mem>>) src(%dma_wait3A_39 : memref<64x32xf32, #tpu.memory_space<hbm>>) dst(%dma_wait3A_36 : memref<64x32xf32, #tpu.memory_space<vmem>>)
    %dma_wait3A_40 = arith.constant 64 : i32
    %dma_wait3A_41 = arith.constant 0 : i32
    %dma_wait3A_42 = tpu.memref_slice %arg11[%dma_wait3A_40, %dma_wait3A_41] : memref<256x32xf32, #tpu.memory_space<vmem>> -> memref<64x32xf32, #tpu.memory_space<vmem>>
    %dma_wait3A_43 = arith.constant 0 : i32
    %dma_wait3A_44 = arith.constant 0 : i32
    %dma_wait3A_45 = tpu.memref_slice %arg5[%dma_wait3A_43, %dma_wait3A_44] : memref<1000000x32xf32, #tpu.memory_space<hbm>> -> memref<64x32xf32, #tpu.memory_space<hbm>>
    %dma_wait3A_46 = arith.constant 64 : i32
    %dma_wait3A_47 = arith.constant 0 : i32
    %dma_wait3A_48 = tpu.memref_slice %arg11[%dma_wait3A_46, %dma_wait3A_47] : memref<256x32xf32, #tpu.memory_space<vmem>> -> memref<64x32xf32, #tpu.memory_space<vmem>>
    %dma_wait3A_49 = arith.constant 0 : i32
    %dma_wait3A_50 = arith.constant 0 : i32
    %dma_wait3A_51 = tpu.memref_slice %arg5[%dma_wait3A_49, %dma_wait3A_50] : memref<1000000x32xf32, #tpu.memory_space<hbm>> -> memref<64x32xf32, #tpu.memory_space<hbm>>
    tpu.wait_dma2 semaphore(%arg13 : memref<!tpu.dma_semaphore, #tpu.memory_space<semaphore_mem>>) src(%dma_wait3A_51 : memref<64x32xf32, #tpu.memory_space<hbm>>) dst(%dma_wait3A_48 : memref<64x32xf32, #tpu.memory_space<vmem>>)
    %dma_wait3A_52 = arith.constant 128 : i32
    %dma_wait3A_53 = arith.constant 0 : i32
    %dma_wait3A_54 = tpu.memref_slice %arg10[%dma_wait3A_52, %dma_wait3A_53] : memref<256x32xf32, #tpu.memory_space<vmem>> -> memref<64x32xf32, #tpu.memory_space<vmem>>
    %dma_wait3A_55 = arith.constant 0 : i32
    %dma_wait3A_56 = arith.constant 0 : i32
    %dma_wait3A_57 = tpu.memref_slice %arg4[%dma_wait3A_55, %dma_wait3A_56] : memref<1000000x32xf32, #tpu.memory_space<hbm>> -> memref<64x32xf32, #tpu.memory_space<hbm>>
    %dma_wait3A_58 = arith.constant 128 : i32
    %dma_wait3A_59 = arith.constant 0 : i32
    %dma_wait3A_60 = tpu.memref_slice %arg10[%dma_wait3A_58, %dma_wait3A_59] : memref<256x32xf32, #tpu.memory_space<vmem>> -> memref<64x32xf32, #tpu.memory_space<vmem>>
    %dma_wait3A_61 = arith.constant 0 : i32
    %dma_wait3A_62 = arith.constant 0 : i32
    %dma_wait3A_63 = tpu.memref_slice %arg4[%dma_wait3A_61, %dma_wait3A_62] : memref<1000000x32xf32, #tpu.memory_space<hbm>> -> memref<64x32xf32, #tpu.memory_space<hbm>>
    tpu.wait_dma2 semaphore(%arg14 : memref<!tpu.dma_semaphore, #tpu.memory_space<semaphore_mem>>) src(%dma_wait3A_63 : memref<64x32xf32, #tpu.memory_space<hbm>>) dst(%dma_wait3A_60 : memref<64x32xf32, #tpu.memory_space<vmem>>)
    %dma_wait3A_64 = arith.constant 128 : i32
    %dma_wait3A_65 = arith.constant 0 : i32
    %dma_wait3A_66 = tpu.memref_slice %arg11[%dma_wait3A_64, %dma_wait3A_65] : memref<256x32xf32, #tpu.memory_space<vmem>> -> memref<64x32xf32, #tpu.memory_space<vmem>>
    %dma_wait3A_67 = arith.constant 0 : i32
    %dma_wait3A_68 = arith.constant 0 : i32
    %dma_wait3A_69 = tpu.memref_slice %arg5[%dma_wait3A_67, %dma_wait3A_68] : memref<1000000x32xf32, #tpu.memory_space<hbm>> -> memref<64x32xf32, #tpu.memory_space<hbm>>
    %dma_wait3A_70 = arith.constant 128 : i32
    %dma_wait3A_71 = arith.constant 0 : i32
    %dma_wait3A_72 = tpu.memref_slice %arg11[%dma_wait3A_70, %dma_wait3A_71] : memref<256x32xf32, #tpu.memory_space<vmem>> -> memref<64x32xf32, #tpu.memory_space<vmem>>
    %dma_wait3A_73 = arith.constant 0 : i32
    %dma_wait3A_74 = arith.constant 0 : i32
    %dma_wait3A_75 = tpu.memref_slice %arg5[%dma_wait3A_73, %dma_wait3A_74] : memref<1000000x32xf32, #tpu.memory_space<hbm>> -> memref<64x32xf32, #tpu.memory_space<hbm>>
    tpu.wait_dma2 semaphore(%arg14 : memref<!tpu.dma_semaphore, #tpu.memory_space<semaphore_mem>>) src(%dma_wait3A_75 : memref<64x32xf32, #tpu.memory_space<hbm>>) dst(%dma_wait3A_72 : memref<64x32xf32, #tpu.memory_space<vmem>>)
    %dma_wait3A_76 = arith.constant 192 : i32
    %dma_wait3A_77 = arith.constant 0 : i32
    %dma_wait3A_78 = tpu.memref_slice %arg10[%dma_wait3A_76, %dma_wait3A_77] : memref<256x32xf32, #tpu.memory_space<vmem>> -> memref<64x32xf32, #tpu.memory_space<vmem>>
    %dma_wait3A_79 = arith.constant 0 : i32
    %dma_wait3A_80 = arith.constant 0 : i32
    %dma_wait3A_81 = tpu.memref_slice %arg4[%dma_wait3A_79, %dma_wait3A_80] : memref<1000000x32xf32, #tpu.memory_space<hbm>> -> memref<64x32xf32, #tpu.memory_space<hbm>>
    %dma_wait3A_82 = arith.constant 192 : i32
    %dma_wait3A_83 = arith.constant 0 : i32
    %dma_wait3A_84 = tpu.memref_slice %arg10[%dma_wait3A_82, %dma_wait3A_83] : memref<256x32xf32, #tpu.memory_space<vmem>> -> memref<64x32xf32, #tpu.memory_space<vmem>>
    %dma_wait3A_85 = arith.constant 0 : i32
    %dma_wait3A_86 = arith.constant 0 : i32
    %dma_wait3A_87 = tpu.memref_slice %arg4[%dma_wait3A_85, %dma_wait3A_86] : memref<1000000x32xf32, #tpu.memory_space<hbm>> -> memref<64x32xf32, #tpu.memory_space<hbm>>
    tpu.wait_dma2 semaphore(%arg15 : memref<!tpu.dma_semaphore, #tpu.memory_space<semaphore_mem>>) src(%dma_wait3A_87 : memref<64x32xf32, #tpu.memory_space<hbm>>) dst(%dma_wait3A_84 : memref<64x32xf32, #tpu.memory_space<vmem>>)
    %dma_wait3A_88 = arith.constant 192 : i32
    %dma_wait3A_89 = arith.constant 0 : i32
    %dma_wait3A_90 = tpu.memref_slice %arg11[%dma_wait3A_88, %dma_wait3A_89] : memref<256x32xf32, #tpu.memory_space<vmem>> -> memref<64x32xf32, #tpu.memory_space<vmem>>
    %dma_wait3A_91 = arith.constant 0 : i32
    %dma_wait3A_92 = arith.constant 0 : i32
    %dma_wait3A_93 = tpu.memref_slice %arg5[%dma_wait3A_91, %dma_wait3A_92] : memref<1000000x32xf32, #tpu.memory_space<hbm>> -> memref<64x32xf32, #tpu.memory_space<hbm>>
    %dma_wait3A_94 = arith.constant 192 : i32
    %dma_wait3A_95 = arith.constant 0 : i32
    %dma_wait3A_96 = tpu.memref_slice %arg11[%dma_wait3A_94, %dma_wait3A_95] : memref<256x32xf32, #tpu.memory_space<vmem>> -> memref<64x32xf32, #tpu.memory_space<vmem>>
    %dma_wait3A_97 = arith.constant 0 : i32
    %dma_wait3A_98 = arith.constant 0 : i32
    %dma_wait3A_99 = tpu.memref_slice %arg5[%dma_wait3A_97, %dma_wait3A_98] : memref<1000000x32xf32, #tpu.memory_space<hbm>> -> memref<64x32xf32, #tpu.memory_space<hbm>>
    tpu.wait_dma2 semaphore(%arg15 : memref<!tpu.dma_semaphore, #tpu.memory_space<semaphore_mem>>) src(%dma_wait3A_99 : memref<64x32xf32, #tpu.memory_space<hbm>>) dst(%dma_wait3A_96 : memref<64x32xf32, #tpu.memory_space<vmem>>)
    %add3A_100 = arith.constant 0 : i32
    %add3A_101 = arith.addi %mul3A_2, %add3A_100 : i32
    %add3A_102 = arith.constant 0 : i32
    %add3A_103 = arith.addi %mul3A_2, %add3A_102 : i32
    %dma_start3A = arith.constant 0 : i32
    %dma_start3A_104 = tpu.memref_slice %arg6[%add3A_101, %dma_start3A] : memref<16384x32xf32, #tpu.memory_space<hbm>> -> memref<256x32xf32, #tpu.memory_space<hbm>>
    %dma_start3A_105 = arith.constant 0 : i32
    %dma_start3A_106 = tpu.memref_slice %arg6[%add3A_101, %dma_start3A_105] : memref<16384x32xf32, #tpu.memory_space<hbm>> -> memref<256x32xf32, #tpu.memory_space<hbm>>
    tpu.enqueue_dma source(%arg10 : memref<256x32xf32, #tpu.memory_space<vmem>>) target(%dma_start3A_106 : memref<256x32xf32, #tpu.memory_space<hbm>>) target_semaphore(%arg16 : memref<!tpu.dma_semaphore, #tpu.memory_space<semaphore_mem>>)
    %dma_start3A_107 = arith.constant 0 : i32
    %dma_start3A_108 = tpu.memref_slice %arg7[%add3A_103, %dma_start3A_107] : memref<16384x32xf32, #tpu.memory_space<hbm>> -> memref<256x32xf32, #tpu.memory_space<hbm>>
    %dma_start3A_109 = arith.constant 0 : i32
    %dma_start3A_110 = tpu.memref_slice %arg7[%add3A_103, %dma_start3A_109] : memref<16384x32xf32, #tpu.memory_space<hbm>> -> memref<256x32xf32, #tpu.memory_space<hbm>>
    tpu.enqueue_dma source(%arg11 : memref<256x32xf32, #tpu.memory_space<vmem>>) target(%dma_start3A_110 : memref<256x32xf32, #tpu.memory_space<hbm>>) target_semaphore(%arg16 : memref<!tpu.dma_semaphore, #tpu.memory_space<semaphore_mem>>)
    %dma_wait3A_111 = arith.constant 0 : i32
    %dma_wait3A_112 = tpu.memref_slice %arg6[%add3A_101, %dma_wait3A_111] : memref<16384x32xf32, #tpu.memory_space<hbm>> -> memref<256x32xf32, #tpu.memory_space<hbm>>
    %dma_wait3A_113 = arith.constant 0 : i32
    %dma_wait3A_114 = tpu.memref_slice %arg6[%add3A_101, %dma_wait3A_113] : memref<16384x32xf32, #tpu.memory_space<hbm>> -> memref<256x32xf32, #tpu.memory_space<hbm>>
    tpu.wait_dma2 semaphore(%arg16 : memref<!tpu.dma_semaphore, #tpu.memory_space<semaphore_mem>>) src(%arg10 : memref<256x32xf32, #tpu.memory_space<vmem>>) dst(%dma_wait3A_114 : memref<256x32xf32, #tpu.memory_space<hbm>>)
    %dma_wait3A_115 = arith.constant 0 : i32
    %dma_wait3A_116 = tpu.memref_slice %arg7[%add3A_103, %dma_wait3A_115] : memref<16384x32xf32, #tpu.memory_space<hbm>> -> memref<256x32xf32, #tpu.memory_space<hbm>>
    %dma_wait3A_117 = arith.constant 0 : i32
    %dma_wait3A_118 = tpu.memref_slice %arg7[%add3A_103, %dma_wait3A_117] : memref<16384x32xf32, #tpu.memory_space<hbm>> -> memref<256x32xf32, #tpu.memory_space<hbm>>
    tpu.wait_dma2 semaphore(%arg16 : memref<!tpu.dma_semaphore, #tpu.memory_space<semaphore_mem>>) src(%arg11 : memref<256x32xf32, #tpu.memory_space<vmem>>) dst(%dma_wait3A_118 : memref<256x32xf32, #tpu.memory_space<hbm>>)
    %parallel_loop3A_119 = arith.constant 0 : i32
    %parallel_loop3A_120 = arith.constant 16 : i32
    %parallel_loop3A_121 = arith.constant 1 : i32
    scf.for %parallel_loop3A_238 = %parallel_loop3A_119 to %parallel_loop3A_120 step %parallel_loop3A_121  : i32 {
      %parallel_loop3A_239 = arith.constant 16 : i32
      %parallel_loop3A_240 = arith.muli %parallel_loop3A_238, %parallel_loop3A_239 : i32
      %parallel_loop3A_241 = arith.constant 256 : i32
      %parallel_loop3A_242 = arith.addi %parallel_loop3A_241, %parallel_loop3A_240 : i32
      %parallel_loop3A_243 = arith.index_cast %parallel_loop3A_242 : i32 to index
      %parallel_loop3A_244 = tpu.vector_load %arg8[%parallel_loop3A_243] {strides = array<i32>} : memref<512xi32, #tpu.memory_space<vmem>>, vector<16xi32>,
      %parallel_loop3A_245 = vector.shape_cast %parallel_loop3A_244 : vector<16xi32> to vector<16xi32>
      %parallel_loop3A_246 = arith.constant 16 : i32
      %parallel_loop3A_247 = arith.muli %parallel_loop3A_238, %parallel_loop3A_246 : i32
      %parallel_loop3A_248 = arith.constant 256 : i32
      %parallel_loop3A_249 = arith.addi %parallel_loop3A_248, %parallel_loop3A_247 : i32
      %parallel_loop3A_250 = arith.index_cast %parallel_loop3A_249 : i32 to index
      %parallel_loop3A_251 = tpu.vector_load %arg9[%parallel_loop3A_250] {strides = array<i32>} : memref<512xi32, #tpu.memory_space<vmem>>, vector<16xi32>,
      %parallel_loop3A_252 = vector.shape_cast %parallel_loop3A_251 : vector<16xi32> to vector<16xi32>
      %parallel_loop3A_253 = vector.extract_strided_slice %parallel_loop3A_245 {offsets = [0], sizes = [1], strides = [1]} : vector<16xi32> to vector<1xi32>
      %parallel_loop3A_254 = vector.extract %parallel_loop3A_253[0] : i32 from vector<1xi32>
      %parallel_loop3A_255 = arith.constant 16 : i32
      %parallel_loop3A_256 = arith.muli %parallel_loop3A_238, %parallel_loop3A_255 : i32
      %parallel_loop3A_257 = arith.constant 0 : i32
      %parallel_loop3A_258 = arith.addi %parallel_loop3A_256, %parallel_loop3A_257 : i32
      %parallel_loop3A_259 = arith.constant 0 : i32
      %parallel_loop3A_260 = tpu.memref_slice %arg10[%parallel_loop3A_258, %parallel_loop3A_259] : memref<256x32xf32, #tpu.memory_space<vmem>> -> memref<1x32xf32, #tpu.memory_space<vmem>>
      %parallel_loop3A_261 = tpu.memref_squeeze %parallel_loop3A_260 : memref<1x32xf32, #tpu.memory_space<vmem>> -> memref<32xf32, #tpu.memory_space<vmem>>
      %parallel_loop3A_262 = arith.constant 0 : i32
      %parallel_loop3A_263 = tpu.memref_slice %arg4[%parallel_loop3A_254, %parallel_loop3A_262] : memref<1000000x32xf32, #tpu.memory_space<hbm>> -> memref<1x32xf32, #tpu.memory_space<hbm>>
      %parallel_loop3A_264 = tpu.memref_squeeze %parallel_loop3A_263 : memref<1x32xf32, #tpu.memory_space<hbm>> -> memref<32xf32, #tpu.memory_space<hbm>>
      %parallel_loop3A_265 = arith.constant 0 : i32
      %parallel_loop3A_266 = tpu.memref_slice %arg10[%parallel_loop3A_258, %parallel_loop3A_265] : memref<256x32xf32, #tpu.memory_space<vmem>> -> memref<1x32xf32, #tpu.memory_space<vmem>>
      %parallel_loop3A_267 = tpu.memref_squeeze %parallel_loop3A_266 : memref<1x32xf32, #tpu.memory_space<vmem>> -> memref<32xf32, #tpu.memory_space<vmem>>
      %parallel_loop3A_268 = arith.constant 0 : i32
      %parallel_loop3A_269 = tpu.memref_slice %arg4[%parallel_loop3A_254, %parallel_loop3A_268] : memref<1000000x32xf32, #tpu.memory_space<hbm>> -> memref<1x32xf32, #tpu.memory_space<hbm>>
      %parallel_loop3A_270 = tpu.memref_squeeze %parallel_loop3A_269 : memref<1x32xf32, #tpu.memory_space<hbm>> -> memref<32xf32, #tpu.memory_space<hbm>>
      tpu.enqueue_dma source(%parallel_loop3A_270 : memref<32xf32, #tpu.memory_space<hbm>>) target(%parallel_loop3A_267 : memref<32xf32, #tpu.memory_space<vmem>>) target_semaphore(%arg12 : memref<!tpu.dma_semaphore, #tpu.memory_space<semaphore_mem>>)
      %parallel_loop3A_271 = vector.extract_strided_slice %parallel_loop3A_252 {offsets = [0], sizes = [1], strides = [1]} : vector<16xi32> to vector<1xi32>
      %parallel_loop3A_272 = vector.extract %parallel_loop3A_271[0] : i32 from vector<1xi32>
      %parallel_loop3A_273 = arith.constant 16 : i32
      %parallel_loop3A_274 = arith.muli %parallel_loop3A_238, %parallel_loop3A_273 : i32
      %parallel_loop3A_275 = arith.constant 0 : i32
      %parallel_loop3A_276 = arith.addi %parallel_loop3A_274, %parallel_loop3A_275 : i32
      %parallel_loop3A_277 = arith.constant 0 : i32
      %parallel_loop3A_278 = tpu.memref_slice %arg11[%parallel_loop3A_276, %parallel_loop3A_277] : memref<256x32xf32, #tpu.memory_space<vmem>> -> memref<1x32xf32, #tpu.memory_space<vmem>>
      %parallel_loop3A_279 = tpu.memref_squeeze %parallel_loop3A_278 : memref<1x32xf32, #tpu.memory_space<vmem>> -> memref<32xf32, #tpu.memory_space<vmem>>
      %parallel_loop3A_280 = arith.constant 0 : i32
      %parallel_loop3A_281 = tpu.memref_slice %arg5[%parallel_loop3A_272, %parallel_loop3A_280] : memref<1000000x32xf32, #tpu.memory_space<hbm>> -> memref<1x32xf32, #tpu.memory_space<hbm>>
      %parallel_loop3A_282 = tpu.memref_squeeze %parallel_loop3A_281 : memref<1x32xf32, #tpu.memory_space<hbm>> -> memref<32xf32, #tpu.memory_space<hbm>>
      %parallel_loop3A_283 = arith.constant 0 : i32
      %parallel_loop3A_284 = tpu.memref_slice %arg11[%parallel_loop3A_276, %parallel_loop3A_283] : memref<256x32xf32, #tpu.memory_space<vmem>> -> memref<1x32xf32, #tpu.memory_space<vmem>>
      %parallel_loop3A_285 = tpu.memref_squeeze %parallel_loop3A_284 : memref<1x32xf32, #tpu.memory_space<vmem>> -> memref<32xf32, #tpu.memory_space<vmem>>
      %parallel_loop3A_286 = arith.constant 0 : i32
      %parallel_loop3A_287 = tpu.memref_slice %arg5[%parallel_loop3A_272, %parallel_loop3A_286] : memref<1000000x32xf32, #tpu.memory_space<hbm>> -> memref<1x32xf32, #tpu.memory_space<hbm>>
      %parallel_loop3A_288 = tpu.memref_squeeze %parallel_loop3A_287 : memref<1x32xf32, #tpu.memory_space<hbm>> -> memref<32xf32, #tpu.memory_space<hbm>>
      tpu.enqueue_dma source(%parallel_loop3A_288 : memref<32xf32, #tpu.memory_space<hbm>>) target(%parallel_loop3A_285 : memref<32xf32, #tpu.memory_space<vmem>>) target_semaphore(%arg12 : memref<!tpu.dma_semaphore, #tpu.memory_space<semaphore_mem>>)
      %parallel_loop3A_289 = vector.extract_strided_slice %parallel_loop3A_245 {offsets = [1], sizes = [1], strides = [1]} : vector<16xi32> to vector<1xi32>
      %parallel_loop3A_290 = vector.extract %parallel_loop3A_289[0] : i32 from vector<1xi32>
      %parallel_loop3A_291 = arith.constant 16 : i32
      %parallel_loop3A_292 = arith.muli %parallel_loop3A_238, %parallel_loop3A_291 : i32
      %parallel_loop3A_293 = arith.constant 1 : i32
      %parallel_loop3A_294 = arith.addi %parallel_loop3A_292, %parallel_loop3A_293 : i32
      %parallel_loop3A_295 = arith.constant 0 : i32
      %parallel_loop3A_296 = tpu.memref_slice %arg10[%parallel_loop3A_294, %parallel_loop3A_295] : memref<256x32xf32, #tpu.memory_space<vmem>> -> memref<1x32xf32, #tpu.memory_space<vmem>>
      %parallel_loop3A_297 = tpu.memref_squeeze %parallel_loop3A_296 : memref<1x32xf32, #tpu.memory_space<vmem>> -> memref<32xf32, #tpu.memory_space<vmem>>
      %parallel_loop3A_298 = arith.constant 0 : i32
      %parallel_loop3A_299 = tpu.memref_slice %arg4[%parallel_loop3A_290, %parallel_loop3A_298] : memref<1000000x32xf32, #tpu.memory_space<hbm>> -> memref<1x32xf32, #tpu.memory_space<hbm>>
      %parallel_loop3A_300 = tpu.memref_squeeze %parallel_loop3A_299 : memref<1x32xf32, #tpu.memory_space<hbm>> -> memref<32xf32, #tpu.memory_space<hbm>>
      %parallel_loop3A_301 = arith.constant 0 : i32
      %parallel_loop3A_302 = tpu.memref_slice %arg10[%parallel_loop3A_294, %parallel_loop3A_301] : memref<256x32xf32, #tpu.memory_space<vmem>> -> memref<1x32xf32, #tpu.memory_space<vmem>>
      %parallel_loop3A_303 = tpu.memref_squeeze %parallel_loop3A_302 : memref<1x32xf32, #tpu.memory_space<vmem>> -> memref<32xf32, #tpu.memory_space<vmem>>
      %parallel_loop3A_304 = arith.constant 0 : i32
      %parallel_loop3A_305 = tpu.memref_slice %arg4[%parallel_loop3A_290, %parallel_loop3A_304] : memref<1000000x32xf32, #tpu.memory_space<hbm>> -> memref<1x32xf32, #tpu.memory_space<hbm>>
      %parallel_loop3A_306 = tpu.memref_squeeze %parallel_loop3A_305 : memref<1x32xf32, #tpu.memory_space<hbm>> -> memref<32xf32, #tpu.memory_space<hbm>>
      tpu.enqueue_dma source(%parallel_loop3A_306 : memref<32xf32, #tpu.memory_space<hbm>>) target(%parallel_loop3A_303 : memref<32xf32, #tpu.memory_space<vmem>>) target_semaphore(%arg13 : memref<!tpu.dma_semaphore, #tpu.memory_space<semaphore_mem>>)
      %parallel_loop3A_307 = vector.extract_strided_slice %parallel_loop3A_252 {offsets = [1], sizes = [1], strides = [1]} : vector<16xi32> to vector<1xi32>
      %parallel_loop3A_308 = vector.extract %parallel_loop3A_307[0] : i32 from vector<1xi32>
      %parallel_loop3A_309 = arith.constant 16 : i32
      %parallel_loop3A_310 = arith.muli %parallel_loop3A_238, %parallel_loop3A_309 : i32
      %parallel_loop3A_311 = arith.constant 1 : i32
      %parallel_loop3A_312 = arith.addi %parallel_loop3A_310, %parallel_loop3A_311 : i32
      %parallel_loop3A_313 = arith.constant 0 : i32
      %parallel_loop3A_314 = tpu.memref_slice %arg11[%parallel_loop3A_312, %parallel_loop3A_313] : memref<256x32xf32, #tpu.memory_space<vmem>> -> memref<1x32xf32, #tpu.memory_space<vmem>>
      %parallel_loop3A_315 = tpu.memref_squeeze %parallel_loop3A_314 : memref<1x32xf32, #tpu.memory_space<vmem>> -> memref<32xf32, #tpu.memory_space<vmem>>
      %parallel_loop3A_316 = arith.constant 0 : i32
      %parallel_loop3A_317 = tpu.memref_slice %arg5[%parallel_loop3A_308, %parallel_loop3A_316] : memref<1000000x32xf32, #tpu.memory_space<hbm>> -> memref<1x32xf32, #tpu.memory_space<hbm>>
      %parallel_loop3A_318 = tpu.memref_squeeze %parallel_loop3A_317 : memref<1x32xf32, #tpu.memory_space<hbm>> -> memref<32xf32, #tpu.memory_space<hbm>>
      %parallel_loop3A_319 = arith.constant 0 : i32
      %parallel_loop3A_320 = tpu.memref_slice %arg11[%parallel_loop3A_312, %parallel_loop3A_319] : memref<256x32xf32, #tpu.memory_space<vmem>> -> memref<1x32xf32, #tpu.memory_space<vmem>>
      %parallel_loop3A_321 = tpu.memref_squeeze %parallel_loop3A_320 : memref<1x32xf32, #tpu.memory_space<vmem>> -> memref<32xf32, #tpu.memory_space<vmem>>
      %parallel_loop3A_322 = arith.constant 0 : i32
      %parallel_loop3A_323 = tpu.memref_slice %arg5[%parallel_loop3A_308, %parallel_loop3A_322] : memref<1000000x32xf32, #tpu.memory_space<hbm>> -> memref<1x32xf32, #tpu.memory_space<hbm>>
      %parallel_loop3A_324 = tpu.memref_squeeze %parallel_loop3A_323 : memref<1x32xf32, #tpu.memory_space<hbm>> -> memref<32xf32, #tpu.memory_space<hbm>>
      tpu.enqueue_dma source(%parallel_loop3A_324 : memref<32xf32, #tpu.memory_space<hbm>>) target(%parallel_loop3A_321 : memref<32xf32, #tpu.memory_space<vmem>>) target_semaphore(%arg13 : memref<!tpu.dma_semaphore, #tpu.memory_space<semaphore_mem>>)
      %parallel_loop3A_325 = vector.extract_strided_slice %parallel_loop3A_245 {offsets = [2], sizes = [1], strides = [1]} : vector<16xi32> to vector<1xi32>
      %parallel_loop3A_326 = vector.extract %parallel_loop3A_325[0] : i32 from vector<1xi32>
      %parallel_loop3A_327 = arith.constant 16 : i32
      %parallel_loop3A_328 = arith.muli %parallel_loop3A_238, %parallel_loop3A_327 : i32
      %parallel_loop3A_329 = arith.constant 2 : i32
      %parallel_loop3A_330 = arith.addi %parallel_loop3A_328, %parallel_loop3A_329 : i32
      %parallel_loop3A_331 = arith.constant 0 : i32
      %parallel_loop3A_332 = tpu.memref_slice %arg10[%parallel_loop3A_330, %parallel_loop3A_331] : memref<256x32xf32, #tpu.memory_space<vmem>> -> memref<1x32xf32, #tpu.memory_space<vmem>>
      %parallel_loop3A_333 = tpu.memref_squeeze %parallel_loop3A_332 : memref<1x32xf32, #tpu.memory_space<vmem>> -> memref<32xf32, #tpu.memory_space<vmem>>
      %parallel_loop3A_334 = arith.constant 0 : i32
      %parallel_loop3A_335 = tpu.memref_slice %arg4[%parallel_loop3A_326, %parallel_loop3A_334] : memref<1000000x32xf32, #tpu.memory_space<hbm>> -> memref<1x32xf32, #tpu.memory_space<hbm>>
      %parallel_loop3A_336 = tpu.memref_squeeze %parallel_loop3A_335 : memref<1x32xf32, #tpu.memory_space<hbm>> -> memref<32xf32, #tpu.memory_space<hbm>>
      %parallel_loop3A_337 = arith.constant 0 : i32
      %parallel_loop3A_338 = tpu.memref_slice %arg10[%parallel_loop3A_330, %parallel_loop3A_337] : memref<256x32xf32, #tpu.memory_space<vmem>> -> memref<1x32xf32, #tpu.memory_space<vmem>>
      %parallel_loop3A_339 = tpu.memref_squeeze %parallel_loop3A_338 : memref<1x32xf32, #tpu.memory_space<vmem>> -> memref<32xf32, #tpu.memory_space<vmem>>
      %parallel_loop3A_340 = arith.constant 0 : i32
      %parallel_loop3A_341 = tpu.memref_slice %arg4[%parallel_loop3A_326, %parallel_loop3A_340] : memref<1000000x32xf32, #tpu.memory_space<hbm>> -> memref<1x32xf32, #tpu.memory_space<hbm>>
      %parallel_loop3A_342 = tpu.memref_squeeze %parallel_loop3A_341 : memref<1x32xf32, #tpu.memory_space<hbm>> -> memref<32xf32, #tpu.memory_space<hbm>>
      tpu.enqueue_dma source(%parallel_loop3A_342 : memref<32xf32, #tpu.memory_space<hbm>>) target(%parallel_loop3A_339 : memref<32xf32, #tpu.memory_space<vmem>>) target_semaphore(%arg14 : memref<!tpu.dma_semaphore, #tpu.memory_space<semaphore_mem>>)
      %parallel_loop3A_343 = vector.extract_strided_slice %parallel_loop3A_252 {offsets = [2], sizes = [1], strides = [1]} : vector<16xi32> to vector<1xi32>
      %parallel_loop3A_344 = vector.extract %parallel_loop3A_343[0] : i32 from vector<1xi32>
      %parallel_loop3A_345 = arith.constant 16 : i32
      %parallel_loop3A_346 = arith.muli %parallel_loop3A_238, %parallel_loop3A_345 : i32
      %parallel_loop3A_347 = arith.constant 2 : i32
      %parallel_loop3A_348 = arith.addi %parallel_loop3A_346, %parallel_loop3A_347 : i32
      %parallel_loop3A_349 = arith.constant 0 : i32
      %parallel_loop3A_350 = tpu.memref_slice %arg11[%parallel_loop3A_348, %parallel_loop3A_349] : memref<256x32xf32, #tpu.memory_space<vmem>> -> memref<1x32xf32, #tpu.memory_space<vmem>>
      %parallel_loop3A_351 = tpu.memref_squeeze %parallel_loop3A_350 : memref<1x32xf32, #tpu.memory_space<vmem>> -> memref<32xf32, #tpu.memory_space<vmem>>
      %parallel_loop3A_352 = arith.constant 0 : i32
      %parallel_loop3A_353 = tpu.memref_slice %arg5[%parallel_loop3A_344, %parallel_loop3A_352] : memref<1000000x32xf32, #tpu.memory_space<hbm>> -> memref<1x32xf32, #tpu.memory_space<hbm>>
      %parallel_loop3A_354 = tpu.memref_squeeze %parallel_loop3A_353 : memref<1x32xf32, #tpu.memory_space<hbm>> -> memref<32xf32, #tpu.memory_space<hbm>>
      %parallel_loop3A_355 = arith.constant 0 : i32
      %parallel_loop3A_356 = tpu.memref_slice %arg11[%parallel_loop3A_348, %parallel_loop3A_355] : memref<256x32xf32, #tpu.memory_space<vmem>> -> memref<1x32xf32, #tpu.memory_space<vmem>>
      %parallel_loop3A_357 = tpu.memref_squeeze %parallel_loop3A_356 : memref<1x32xf32, #tpu.memory_space<vmem>> -> memref<32xf32, #tpu.memory_space<vmem>>
      %parallel_loop3A_358 = arith.constant 0 : i32
      %parallel_loop3A_359 = tpu.memref_slice %arg5[%parallel_loop3A_344, %parallel_loop3A_358] : memref<1000000x32xf32, #tpu.memory_space<hbm>> -> memref<1x32xf32, #tpu.memory_space<hbm>>
      %parallel_loop3A_360 = tpu.memref_squeeze %parallel_loop3A_359 : memref<1x32xf32, #tpu.memory_space<hbm>> -> memref<32xf32, #tpu.memory_space<hbm>>
      tpu.enqueue_dma source(%parallel_loop3A_360 : memref<32xf32, #tpu.memory_space<hbm>>) target(%parallel_loop3A_357 : memref<32xf32, #tpu.memory_space<vmem>>) target_semaphore(%arg14 : memref<!tpu.dma_semaphore, #tpu.memory_space<semaphore_mem>>)
      %parallel_loop3A_361 = vector.extract_strided_slice %parallel_loop3A_245 {offsets = [3], sizes = [1], strides = [1]} : vector<16xi32> to vector<1xi32>
      %parallel_loop3A_362 = vector.extract %parallel_loop3A_361[0] : i32 from vector<1xi32>
      %parallel_loop3A_363 = arith.constant 16 : i32
      %parallel_loop3A_364 = arith.muli %parallel_loop3A_238, %parallel_loop3A_363 : i32
      %parallel_loop3A_365 = arith.constant 3 : i32
      %parallel_loop3A_366 = arith.addi %parallel_loop3A_364, %parallel_loop3A_365 : i32
      %parallel_loop3A_367 = arith.constant 0 : i32
      %parallel_loop3A_368 = tpu.memref_slice %arg10[%parallel_loop3A_366, %parallel_loop3A_367] : memref<256x32xf32, #tpu.memory_space<vmem>> -> memref<1x32xf32, #tpu.memory_space<vmem>>
      %parallel_loop3A_369 = tpu.memref_squeeze %parallel_loop3A_368 : memref<1x32xf32, #tpu.memory_space<vmem>> -> memref<32xf32, #tpu.memory_space<vmem>>
      %parallel_loop3A_370 = arith.constant 0 : i32
      %parallel_loop3A_371 = tpu.memref_slice %arg4[%parallel_loop3A_362, %parallel_loop3A_370] : memref<1000000x32xf32, #tpu.memory_space<hbm>> -> memref<1x32xf32, #tpu.memory_space<hbm>>
      %parallel_loop3A_372 = tpu.memref_squeeze %parallel_loop3A_371 : memref<1x32xf32, #tpu.memory_space<hbm>> -> memref<32xf32, #tpu.memory_space<hbm>>
      %parallel_loop3A_373 = arith.constant 0 : i32
      %parallel_loop3A_374 = tpu.memref_slice %arg10[%parallel_loop3A_366, %parallel_loop3A_373] : memref<256x32xf32, #tpu.memory_space<vmem>> -> memref<1x32xf32, #tpu.memory_space<vmem>>
      %parallel_loop3A_375 = tpu.memref_squeeze %parallel_loop3A_374 : memref<1x32xf32, #tpu.memory_space<vmem>> -> memref<32xf32, #tpu.memory_space<vmem>>
      %parallel_loop3A_376 = arith.constant 0 : i32
      %parallel_loop3A_377 = tpu.memref_slice %arg4[%parallel_loop3A_362, %parallel_loop3A_376] : memref<1000000x32xf32, #tpu.memory_space<hbm>> -> memref<1x32xf32, #tpu.memory_space<hbm>>
      %parallel_loop3A_378 = tpu.memref_squeeze %parallel_loop3A_377 : memref<1x32xf32, #tpu.memory_space<hbm>> -> memref<32xf32, #tpu.memory_space<hbm>>
      tpu.enqueue_dma source(%parallel_loop3A_378 : memref<32xf32, #tpu.memory_space<hbm>>) target(%parallel_loop3A_375 : memref<32xf32, #tpu.memory_space<vmem>>) target_semaphore(%arg15 : memref<!tpu.dma_semaphore, #tpu.memory_space<semaphore_mem>>)
      %parallel_loop3A_379 = vector.extract_strided_slice %parallel_loop3A_252 {offsets = [3], sizes = [1], strides = [1]} : vector<16xi32> to vector<1xi32>
      %parallel_loop3A_380 = vector.extract %parallel_loop3A_379[0] : i32 from vector<1xi32>
      %parallel_loop3A_381 = arith.constant 16 : i32
      %parallel_loop3A_382 = arith.muli %parallel_loop3A_238, %parallel_loop3A_381 : i32
      %parallel_loop3A_383 = arith.constant 3 : i32
      %parallel_loop3A_384 = arith.addi %parallel_loop3A_382, %parallel_loop3A_383 : i32
      %parallel_loop3A_385 = arith.constant 0 : i32
      %parallel_loop3A_386 = tpu.memref_slice %arg11[%parallel_loop3A_384, %parallel_loop3A_385] : memref<256x32xf32, #tpu.memory_space<vmem>> -> memref<1x32xf32, #tpu.memory_space<vmem>>
      %parallel_loop3A_387 = tpu.memref_squeeze %parallel_loop3A_386 : memref<1x32xf32, #tpu.memory_space<vmem>> -> memref<32xf32, #tpu.memory_space<vmem>>
      %parallel_loop3A_388 = arith.constant 0 : i32
      %parallel_loop3A_389 = tpu.memref_slice %arg5[%parallel_loop3A_380, %parallel_loop3A_388] : memref<1000000x32xf32, #tpu.memory_space<hbm>> -> memref<1x32xf32, #tpu.memory_space<hbm>>
      %parallel_loop3A_390 = tpu.memref_squeeze %parallel_loop3A_389 : memref<1x32xf32, #tpu.memory_space<hbm>> -> memref<32xf32, #tpu.memory_space<hbm>>
      %parallel_loop3A_391 = arith.constant 0 : i32
      %parallel_loop3A_392 = tpu.memref_slice %arg11[%parallel_loop3A_384, %parallel_loop3A_391] : memref<256x32xf32, #tpu.memory_space<vmem>> -> memref<1x32xf32, #tpu.memory_space<vmem>>
      %parallel_loop3A_393 = tpu.memref_squeeze %parallel_loop3A_392 : memref<1x32xf32, #tpu.memory_space<vmem>> -> memref<32xf32, #tpu.memory_space<vmem>>
      %parallel_loop3A_394 = arith.constant 0 : i32
      %parallel_loop3A_395 = tpu.memref_slice %arg5[%parallel_loop3A_380, %parallel_loop3A_394] : memref<1000000x32xf32, #tpu.memory_space<hbm>> -> memref<1x32xf32, #tpu.memory_space<hbm>>
      %parallel_loop3A_396 = tpu.memref_squeeze %parallel_loop3A_395 : memref<1x32xf32, #tpu.memory_space<hbm>> -> memref<32xf32, #tpu.memory_space<hbm>>
      tpu.enqueue_dma source(%parallel_loop3A_396 : memref<32xf32, #tpu.memory_space<hbm>>) target(%parallel_loop3A_393 : memref<32xf32, #tpu.memory_space<vmem>>) target_semaphore(%arg15 : memref<!tpu.dma_semaphore, #tpu.memory_space<semaphore_mem>>)
      %parallel_loop3A_397 = vector.extract_strided_slice %parallel_loop3A_245 {offsets = [4], sizes = [1], strides = [1]} : vector<16xi32> to vector<1xi32>
      %parallel_loop3A_398 = vector.extract %parallel_loop3A_397[0] : i32 from vector<1xi32>
      %parallel_loop3A_399 = arith.constant 16 : i32
      %parallel_loop3A_400 = arith.muli %parallel_loop3A_238, %parallel_loop3A_399 : i32
      %parallel_loop3A_401 = arith.constant 4 : i32
      %parallel_loop3A_402 = arith.addi %parallel_loop3A_400, %parallel_loop3A_401 : i32
      %parallel_loop3A_403 = arith.constant 0 : i32
      %parallel_loop3A_404 = tpu.memref_slice %arg10[%parallel_loop3A_402, %parallel_loop3A_403] : memref<256x32xf32, #tpu.memory_space<vmem>> -> memref<1x32xf32, #tpu.memory_space<vmem>>
      %parallel_loop3A_405 = tpu.memref_squeeze %parallel_loop3A_404 : memref<1x32xf32, #tpu.memory_space<vmem>> -> memref<32xf32, #tpu.memory_space<vmem>>
      %parallel_loop3A_406 = arith.constant 0 : i32
      %parallel_loop3A_407 = tpu.memref_slice %arg4[%parallel_loop3A_398, %parallel_loop3A_406] : memref<1000000x32xf32, #tpu.memory_space<hbm>> -> memref<1x32xf32, #tpu.memory_space<hbm>>
      %parallel_loop3A_408 = tpu.memref_squeeze %parallel_loop3A_407 : memref<1x32xf32, #tpu.memory_space<hbm>> -> memref<32xf32, #tpu.memory_space<hbm>>
      %parallel_loop3A_409 = arith.constant 0 : i32
      %parallel_loop3A_410 = tpu.memref_slice %arg10[%parallel_loop3A_402, %parallel_loop3A_409] : memref<256x32xf32, #tpu.memory_space<vmem>> -> memref<1x32xf32, #tpu.memory_space<vmem>>
      %parallel_loop3A_411 = tpu.memref_squeeze %parallel_loop3A_410 : memref<1x32xf32, #tpu.memory_space<vmem>> -> memref<32xf32, #tpu.memory_space<vmem>>
      %parallel_loop3A_412 = arith.constant 0 : i32
      %parallel_loop3A_413 = tpu.memref_slice %arg4[%parallel_loop3A_398, %parallel_loop3A_412] : memref<1000000x32xf32, #tpu.memory_space<hbm>> -> memref<1x32xf32, #tpu.memory_space<hbm>>
      %parallel_loop3A_414 = tpu.memref_squeeze %parallel_loop3A_413 : memref<1x32xf32, #tpu.memory_space<hbm>> -> memref<32xf32, #tpu.memory_space<hbm>>
      tpu.enqueue_dma source(%parallel_loop3A_414 : memref<32xf32, #tpu.memory_space<hbm>>) target(%parallel_loop3A_411 : memref<32xf32, #tpu.memory_space<vmem>>) target_semaphore(%arg12 : memref<!tpu.dma_semaphore, #tpu.memory_space<semaphore_mem>>)
      %parallel_loop3A_415 = vector.extract_strided_slice %parallel_loop3A_252 {offsets = [4], sizes = [1], strides = [1]} : vector<16xi32> to vector<1xi32>
      %parallel_loop3A_416 = vector.extract %parallel_loop3A_415[0] : i32 from vector<1xi32>
      %parallel_loop3A_417 = arith.constant 16 : i32
      %parallel_loop3A_418 = arith.muli %parallel_loop3A_238, %parallel_loop3A_417 : i32
      %parallel_loop3A_419 = arith.constant 4 : i32
      %parallel_loop3A_420 = arith.addi %parallel_loop3A_418, %parallel_loop3A_419 : i32
      %parallel_loop3A_421 = arith.constant 0 : i32
      %parallel_loop3A_422 = tpu.memref_slice %arg11[%parallel_loop3A_420, %parallel_loop3A_421] : memref<256x32xf32, #tpu.memory_space<vmem>> -> memref<1x32xf32, #tpu.memory_space<vmem>>
      %parallel_loop3A_423 = tpu.memref_squeeze %parallel_loop3A_422 : memref<1x32xf32, #tpu.memory_space<vmem>> -> memref<32xf32, #tpu.memory_space<vmem>>
      %parallel_loop3A_424 = arith.constant 0 : i32
      %parallel_loop3A_425 = tpu.memref_slice %arg5[%parallel_loop3A_416, %parallel_loop3A_424] : memref<1000000x32xf32, #tpu.memory_space<hbm>> -> memref<1x32xf32, #tpu.memory_space<hbm>>
      %parallel_loop3A_426 = tpu.memref_squeeze %parallel_loop3A_425 : memref<1x32xf32, #tpu.memory_space<hbm>> -> memref<32xf32, #tpu.memory_space<hbm>>
      %parallel_loop3A_427 = arith.constant 0 : i32
      %parallel_loop3A_428 = tpu.memref_slice %arg11[%parallel_loop3A_420, %parallel_loop3A_427] : memref<256x32xf32, #tpu.memory_space<vmem>> -> memref<1x32xf32, #tpu.memory_space<vmem>>
      %parallel_loop3A_429 = tpu.memref_squeeze %parallel_loop3A_428 : memref<1x32xf32, #tpu.memory_space<vmem>> -> memref<32xf32, #tpu.memory_space<vmem>>
      %parallel_loop3A_430 = arith.constant 0 : i32
      %parallel_loop3A_431 = tpu.memref_slice %arg5[%parallel_loop3A_416, %parallel_loop3A_430] : memref<1000000x32xf32, #tpu.memory_space<hbm>> -> memref<1x32xf32, #tpu.memory_space<hbm>>
      %parallel_loop3A_432 = tpu.memref_squeeze %parallel_loop3A_431 : memref<1x32xf32, #tpu.memory_space<hbm>> -> memref<32xf32, #tpu.memory_space<hbm>>
      tpu.enqueue_dma source(%parallel_loop3A_432 : memref<32xf32, #tpu.memory_space<hbm>>) target(%parallel_loop3A_429 : memref<32xf32, #tpu.memory_space<vmem>>) target_semaphore(%arg12 : memref<!tpu.dma_semaphore, #tpu.memory_space<semaphore_mem>>)
      %parallel_loop3A_433 = vector.extract_strided_slice %parallel_loop3A_245 {offsets = [5], sizes = [1], strides = [1]} : vector<16xi32> to vector<1xi32>
      %parallel_loop3A_434 = vector.extract %parallel_loop3A_433[0] : i32 from vector<1xi32>
      %parallel_loop3A_435 = arith.constant 16 : i32
      %parallel_loop3A_436 = arith.muli %parallel_loop3A_238, %parallel_loop3A_435 : i32
      %parallel_loop3A_437 = arith.constant 5 : i32
      %parallel_loop3A_438 = arith.addi %parallel_loop3A_436, %parallel_loop3A_437 : i32
      %parallel_loop3A_439 = arith.constant 0 : i32
      %parallel_loop3A_440 = tpu.memref_slice %arg10[%parallel_loop3A_438, %parallel_loop3A_439] : memref<256x32xf32, #tpu.memory_space<vmem>> -> memref<1x32xf32, #tpu.memory_space<vmem>>
      %parallel_loop3A_441 = tpu.memref_squeeze %parallel_loop3A_440 : memref<1x32xf32, #tpu.memory_space<vmem>> -> memref<32xf32, #tpu.memory_space<vmem>>
      %parallel_loop3A_442 = arith.constant 0 : i32
      %parallel_loop3A_443 = tpu.memref_slice %arg4[%parallel_loop3A_434, %parallel_loop3A_442] : memref<1000000x32xf32, #tpu.memory_space<hbm>> -> memref<1x32xf32, #tpu.memory_space<hbm>>
      %parallel_loop3A_444 = tpu.memref_squeeze %parallel_loop3A_443 : memref<1x32xf32, #tpu.memory_space<hbm>> -> memref<32xf32, #tpu.memory_space<hbm>>
      %parallel_loop3A_445 = arith.constant 0 : i32
      %parallel_loop3A_446 = tpu.memref_slice %arg10[%parallel_loop3A_438, %parallel_loop3A_445] : memref<256x32xf32, #tpu.memory_space<vmem>> -> memref<1x32xf32, #tpu.memory_space<vmem>>
      %parallel_loop3A_447 = tpu.memref_squeeze %parallel_loop3A_446 : memref<1x32xf32, #tpu.memory_space<vmem>> -> memref<32xf32, #tpu.memory_space<vmem>>
      %parallel_loop3A_448 = arith.constant 0 : i32
      %parallel_loop3A_449 = tpu.memref_slice %arg4[%parallel_loop3A_434, %parallel_loop3A_448] : memref<1000000x32xf32, #tpu.memory_space<hbm>> -> memref<1x32xf32, #tpu.memory_space<hbm>>
      %parallel_loop3A_450 = tpu.memref_squeeze %parallel_loop3A_449 : memref<1x32xf32, #tpu.memory_space<hbm>> -> memref<32xf32, #tpu.memory_space<hbm>>
      tpu.enqueue_dma source(%parallel_loop3A_450 : memref<32xf32, #tpu.memory_space<hbm>>) target(%parallel_loop3A_447 : memref<32xf32, #tpu.memory_space<vmem>>) target_semaphore(%arg13 : memref<!tpu.dma_semaphore, #tpu.memory_space<semaphore_mem>>)
      %parallel_loop3A_451 = vector.extract_strided_slice %parallel_loop3A_252 {offsets = [5], sizes = [1], strides = [1]} : vector<16xi32> to vector<1xi32>
      %parallel_loop3A_452 = vector.extract %parallel_loop3A_451[0] : i32 from vector<1xi32>
      %parallel_loop3A_453 = arith.constant 16 : i32
      %parallel_loop3A_454 = arith.muli %parallel_loop3A_238, %parallel_loop3A_453 : i32
      %parallel_loop3A_455 = arith.constant 5 : i32
      %parallel_loop3A_456 = arith.addi %parallel_loop3A_454, %parallel_loop3A_455 : i32
      %parallel_loop3A_457 = arith.constant 0 : i32
      %parallel_loop3A_458 = tpu.memref_slice %arg11[%parallel_loop3A_456, %parallel_loop3A_457] : memref<256x32xf32, #tpu.memory_space<vmem>> -> memref<1x32xf32, #tpu.memory_space<vmem>>
      %parallel_loop3A_459 = tpu.memref_squeeze %parallel_loop3A_458 : memref<1x32xf32, #tpu.memory_space<vmem>> -> memref<32xf32, #tpu.memory_space<vmem>>
      %parallel_loop3A_460 = arith.constant 0 : i32
      %parallel_loop3A_461 = tpu.memref_slice %arg5[%parallel_loop3A_452, %parallel_loop3A_460] : memref<1000000x32xf32, #tpu.memory_space<hbm>> -> memref<1x32xf32, #tpu.memory_space<hbm>>
      %parallel_loop3A_462 = tpu.memref_squeeze %parallel_loop3A_461 : memref<1x32xf32, #tpu.memory_space<hbm>> -> memref<32xf32, #tpu.memory_space<hbm>>
      %parallel_loop3A_463 = arith.constant 0 : i32
      %parallel_loop3A_464 = tpu.memref_slice %arg11[%parallel_loop3A_456, %parallel_loop3A_463] : memref<256x32xf32, #tpu.memory_space<vmem>> -> memref<1x32xf32, #tpu.memory_space<vmem>>
      %parallel_loop3A_465 = tpu.memref_squeeze %parallel_loop3A_464 : memref<1x32xf32, #tpu.memory_space<vmem>> -> memref<32xf32, #tpu.memory_space<vmem>>
      %parallel_loop3A_466 = arith.constant 0 : i32
      %parallel_loop3A_467 = tpu.memref_slice %arg5[%parallel_loop3A_452, %parallel_loop3A_466] : memref<1000000x32xf32, #tpu.memory_space<hbm>> -> memref<1x32xf32, #tpu.memory_space<hbm>>
      %parallel_loop3A_468 = tpu.memref_squeeze %parallel_loop3A_467 : memref<1x32xf32, #tpu.memory_space<hbm>> -> memref<32xf32, #tpu.memory_space<hbm>>
      tpu.enqueue_dma source(%parallel_loop3A_468 : memref<32xf32, #tpu.memory_space<hbm>>) target(%parallel_loop3A_465 : memref<32xf32, #tpu.memory_space<vmem>>) target_semaphore(%arg13 : memref<!tpu.dma_semaphore, #tpu.memory_space<semaphore_mem>>)
      %parallel_loop3A_469 = vector.extract_strided_slice %parallel_loop3A_245 {offsets = [6], sizes = [1], strides = [1]} : vector<16xi32> to vector<1xi32>
      %parallel_loop3A_470 = vector.extract %parallel_loop3A_469[0] : i32 from vector<1xi32>
      %parallel_loop3A_471 = arith.constant 16 : i32
      %parallel_loop3A_472 = arith.muli %parallel_loop3A_238, %parallel_loop3A_471 : i32
      %parallel_loop3A_473 = arith.constant 6 : i32
      %parallel_loop3A_474 = arith.addi %parallel_loop3A_472, %parallel_loop3A_473 : i32
      %parallel_loop3A_475 = arith.constant 0 : i32
      %parallel_loop3A_476 = tpu.memref_slice %arg10[%parallel_loop3A_474, %parallel_loop3A_475] : memref<256x32xf32, #tpu.memory_space<vmem>> -> memref<1x32xf32, #tpu.memory_space<vmem>>
      %parallel_loop3A_477 = tpu.memref_squeeze %parallel_loop3A_476 : memref<1x32xf32, #tpu.memory_space<vmem>> -> memref<32xf32, #tpu.memory_space<vmem>>
      %parallel_loop3A_478 = arith.constant 0 : i32
      %parallel_loop3A_479 = tpu.memref_slice %arg4[%parallel_loop3A_470, %parallel_loop3A_478] : memref<1000000x32xf32, #tpu.memory_space<hbm>> -> memref<1x32xf32, #tpu.memory_space<hbm>>
      %parallel_loop3A_480 = tpu.memref_squeeze %parallel_loop3A_479 : memref<1x32xf32, #tpu.memory_space<hbm>> -> memref<32xf32, #tpu.memory_space<hbm>>
      %parallel_loop3A_481 = arith.constant 0 : i32
      %parallel_loop3A_482 = tpu.memref_slice %arg10[%parallel_loop3A_474, %parallel_loop3A_481] : memref<256x32xf32, #tpu.memory_space<vmem>> -> memref<1x32xf32, #tpu.memory_space<vmem>>
      %parallel_loop3A_483 = tpu.memref_squeeze %parallel_loop3A_482 : memref<1x32xf32, #tpu.memory_space<vmem>> -> memref<32xf32, #tpu.memory_space<vmem>>
      %parallel_loop3A_484 = arith.constant 0 : i32
      %parallel_loop3A_485 = tpu.memref_slice %arg4[%parallel_loop3A_470, %parallel_loop3A_484] : memref<1000000x32xf32, #tpu.memory_space<hbm>> -> memref<1x32xf32, #tpu.memory_space<hbm>>
      %parallel_loop3A_486 = tpu.memref_squeeze %parallel_loop3A_485 : memref<1x32xf32, #tpu.memory_space<hbm>> -> memref<32xf32, #tpu.memory_space<hbm>>
      tpu.enqueue_dma source(%parallel_loop3A_486 : memref<32xf32, #tpu.memory_space<hbm>>) target(%parallel_loop3A_483 : memref<32xf32, #tpu.memory_space<vmem>>) target_semaphore(%arg14 : memref<!tpu.dma_semaphore, #tpu.memory_space<semaphore_mem>>)
      %parallel_loop3A_487 = vector.extract_strided_slice %parallel_loop3A_252 {offsets = [6], sizes = [1], strides = [1]} : vector<16xi32> to vector<1xi32>
      %parallel_loop3A_488 = vector.extract %parallel_loop3A_487[0] : i32 from vector<1xi32>
      %parallel_loop3A_489 = arith.constant 16 : i32
      %parallel_loop3A_490 = arith.muli %parallel_loop3A_238, %parallel_loop3A_489 : i32
      %parallel_loop3A_491 = arith.constant 6 : i32
      %parallel_loop3A_492 = arith.addi %parallel_loop3A_490, %parallel_loop3A_491 : i32
      %parallel_loop3A_493 = arith.constant 0 : i32
      %parallel_loop3A_494 = tpu.memref_slice %arg11[%parallel_loop3A_492, %parallel_loop3A_493] : memref<256x32xf32, #tpu.memory_space<vmem>> -> memref<1x32xf32, #tpu.memory_space<vmem>>
      %parallel_loop3A_495 = tpu.memref_squeeze %parallel_loop3A_494 : memref<1x32xf32, #tpu.memory_space<vmem>> -> memref<32xf32, #tpu.memory_space<vmem>>
      %parallel_loop3A_496 = arith.constant 0 : i32
      %parallel_loop3A_497 = tpu.memref_slice %arg5[%parallel_loop3A_488, %parallel_loop3A_496] : memref<1000000x32xf32, #tpu.memory_space<hbm>> -> memref<1x32xf32, #tpu.memory_space<hbm>>
      %parallel_loop3A_498 = tpu.memref_squeeze %parallel_loop3A_497 : memref<1x32xf32, #tpu.memory_space<hbm>> -> memref<32xf32, #tpu.memory_space<hbm>>
      %parallel_loop3A_499 = arith.constant 0 : i32
      %parallel_loop3A_500 = tpu.memref_slice %arg11[%parallel_loop3A_492, %parallel_loop3A_499] : memref<256x32xf32, #tpu.memory_space<vmem>> -> memref<1x32xf32, #tpu.memory_space<vmem>>
      %parallel_loop3A_501 = tpu.memref_squeeze %parallel_loop3A_500 : memref<1x32xf32, #tpu.memory_space<vmem>> -> memref<32xf32, #tpu.memory_space<vmem>>
      %parallel_loop3A_502 = arith.constant 0 : i32
      %parallel_loop3A_503 = tpu.memref_slice %arg5[%parallel_loop3A_488, %parallel_loop3A_502] : memref<1000000x32xf32, #tpu.memory_space<hbm>> -> memref<1x32xf32, #tpu.memory_space<hbm>>
      %parallel_loop3A_504 = tpu.memref_squeeze %parallel_loop3A_503 : memref<1x32xf32, #tpu.memory_space<hbm>> -> memref<32xf32, #tpu.memory_space<hbm>>
      tpu.enqueue_dma source(%parallel_loop3A_504 : memref<32xf32, #tpu.memory_space<hbm>>) target(%parallel_loop3A_501 : memref<32xf32, #tpu.memory_space<vmem>>) target_semaphore(%arg14 : memref<!tpu.dma_semaphore, #tpu.memory_space<semaphore_mem>>)
      %parallel_loop3A_505 = vector.extract_strided_slice %parallel_loop3A_245 {offsets = [7], sizes = [1], strides = [1]} : vector<16xi32> to vector<1xi32>
      %parallel_loop3A_506 = vector.extract %parallel_loop3A_505[0] : i32 from vector<1xi32>
      %parallel_loop3A_507 = arith.constant 16 : i32
      %parallel_loop3A_508 = arith.muli %parallel_loop3A_238, %parallel_loop3A_507 : i32
      %parallel_loop3A_509 = arith.constant 7 : i32
      %parallel_loop3A_510 = arith.addi %parallel_loop3A_508, %parallel_loop3A_509 : i32
      %parallel_loop3A_511 = arith.constant 0 : i32
      %parallel_loop3A_512 = tpu.memref_slice %arg10[%parallel_loop3A_510, %parallel_loop3A_511] : memref<256x32xf32, #tpu.memory_space<vmem>> -> memref<1x32xf32, #tpu.memory_space<vmem>>
      %parallel_loop3A_513 = tpu.memref_squeeze %parallel_loop3A_512 : memref<1x32xf32, #tpu.memory_space<vmem>> -> memref<32xf32, #tpu.memory_space<vmem>>
      %parallel_loop3A_514 = arith.constant 0 : i32
      %parallel_loop3A_515 = tpu.memref_slice %arg4[%parallel_loop3A_506, %parallel_loop3A_514] : memref<1000000x32xf32, #tpu.memory_space<hbm>> -> memref<1x32xf32, #tpu.memory_space<hbm>>
      %parallel_loop3A_516 = tpu.memref_squeeze %parallel_loop3A_515 : memref<1x32xf32, #tpu.memory_space<hbm>> -> memref<32xf32, #tpu.memory_space<hbm>>
      %parallel_loop3A_517 = arith.constant 0 : i32
      %parallel_loop3A_518 = tpu.memref_slice %arg10[%parallel_loop3A_510, %parallel_loop3A_517] : memref<256x32xf32, #tpu.memory_space<vmem>> -> memref<1x32xf32, #tpu.memory_space<vmem>>
      %parallel_loop3A_519 = tpu.memref_squeeze %parallel_loop3A_518 : memref<1x32xf32, #tpu.memory_space<vmem>> -> memref<32xf32, #tpu.memory_space<vmem>>
      %parallel_loop3A_520 = arith.constant 0 : i32
      %parallel_loop3A_521 = tpu.memref_slice %arg4[%parallel_loop3A_506, %parallel_loop3A_520] : memref<1000000x32xf32, #tpu.memory_space<hbm>> -> memref<1x32xf32, #tpu.memory_space<hbm>>
      %parallel_loop3A_522 = tpu.memref_squeeze %parallel_loop3A_521 : memref<1x32xf32, #tpu.memory_space<hbm>> -> memref<32xf32, #tpu.memory_space<hbm>>
      tpu.enqueue_dma source(%parallel_loop3A_522 : memref<32xf32, #tpu.memory_space<hbm>>) target(%parallel_loop3A_519 : memref<32xf32, #tpu.memory_space<vmem>>) target_semaphore(%arg15 : memref<!tpu.dma_semaphore, #tpu.memory_space<semaphore_mem>>)
      %parallel_loop3A_523 = vector.extract_strided_slice %parallel_loop3A_252 {offsets = [7], sizes = [1], strides = [1]} : vector<16xi32> to vector<1xi32>
      %parallel_loop3A_524 = vector.extract %parallel_loop3A_523[0] : i32 from vector<1xi32>
      %parallel_loop3A_525 = arith.constant 16 : i32
      %parallel_loop3A_526 = arith.muli %parallel_loop3A_238, %parallel_loop3A_525 : i32
      %parallel_loop3A_527 = arith.constant 7 : i32
      %parallel_loop3A_528 = arith.addi %parallel_loop3A_526, %parallel_loop3A_527 : i32
      %parallel_loop3A_529 = arith.constant 0 : i32
      %parallel_loop3A_530 = tpu.memref_slice %arg11[%parallel_loop3A_528, %parallel_loop3A_529] : memref<256x32xf32, #tpu.memory_space<vmem>> -> memref<1x32xf32, #tpu.memory_space<vmem>>
      %parallel_loop3A_531 = tpu.memref_squeeze %parallel_loop3A_530 : memref<1x32xf32, #tpu.memory_space<vmem>> -> memref<32xf32, #tpu.memory_space<vmem>>
      %parallel_loop3A_532 = arith.constant 0 : i32
      %parallel_loop3A_533 = tpu.memref_slice %arg5[%parallel_loop3A_524, %parallel_loop3A_532] : memref<1000000x32xf32, #tpu.memory_space<hbm>> -> memref<1x32xf32, #tpu.memory_space<hbm>>
      %parallel_loop3A_534 = tpu.memref_squeeze %parallel_loop3A_533 : memref<1x32xf32, #tpu.memory_space<hbm>> -> memref<32xf32, #tpu.memory_space<hbm>>
      %parallel_loop3A_535 = arith.constant 0 : i32
      %parallel_loop3A_536 = tpu.memref_slice %arg11[%parallel_loop3A_528, %parallel_loop3A_535] : memref<256x32xf32, #tpu.memory_space<vmem>> -> memref<1x32xf32, #tpu.memory_space<vmem>>
      %parallel_loop3A_537 = tpu.memref_squeeze %parallel_loop3A_536 : memref<1x32xf32, #tpu.memory_space<vmem>> -> memref<32xf32, #tpu.memory_space<vmem>>
      %parallel_loop3A_538 = arith.constant 0 : i32
      %parallel_loop3A_539 = tpu.memref_slice %arg5[%parallel_loop3A_524, %parallel_loop3A_538] : memref<1000000x32xf32, #tpu.memory_space<hbm>> -> memref<1x32xf32, #tpu.memory_space<hbm>>
      %parallel_loop3A_540 = tpu.memref_squeeze %parallel_loop3A_539 : memref<1x32xf32, #tpu.memory_space<hbm>> -> memref<32xf32, #tpu.memory_space<hbm>>
      tpu.enqueue_dma source(%parallel_loop3A_540 : memref<32xf32, #tpu.memory_space<hbm>>) target(%parallel_loop3A_537 : memref<32xf32, #tpu.memory_space<vmem>>) target_semaphore(%arg15 : memref<!tpu.dma_semaphore, #tpu.memory_space<semaphore_mem>>)
      %parallel_loop3A_541 = vector.extract_strided_slice %parallel_loop3A_245 {offsets = [8], sizes = [1], strides = [1]} : vector<16xi32> to vector<1xi32>
      %parallel_loop3A_542 = vector.extract %parallel_loop3A_541[0] : i32 from vector<1xi32>
      %parallel_loop3A_543 = arith.constant 16 : i32
      %parallel_loop3A_544 = arith.muli %parallel_loop3A_238, %parallel_loop3A_543 : i32
      %parallel_loop3A_545 = arith.constant 8 : i32
      %parallel_loop3A_546 = arith.addi %parallel_loop3A_544, %parallel_loop3A_545 : i32
      %parallel_loop3A_547 = arith.constant 0 : i32
      %parallel_loop3A_548 = tpu.memref_slice %arg10[%parallel_loop3A_546, %parallel_loop3A_547] : memref<256x32xf32, #tpu.memory_space<vmem>> -> memref<1x32xf32, #tpu.memory_space<vmem>>
      %parallel_loop3A_549 = tpu.memref_squeeze %parallel_loop3A_548 : memref<1x32xf32, #tpu.memory_space<vmem>> -> memref<32xf32, #tpu.memory_space<vmem>>
      %parallel_loop3A_550 = arith.constant 0 : i32
      %parallel_loop3A_551 = tpu.memref_slice %arg4[%parallel_loop3A_542, %parallel_loop3A_550] : memref<1000000x32xf32, #tpu.memory_space<hbm>> -> memref<1x32xf32, #tpu.memory_space<hbm>>
      %parallel_loop3A_552 = tpu.memref_squeeze %parallel_loop3A_551 : memref<1x32xf32, #tpu.memory_space<hbm>> -> memref<32xf32, #tpu.memory_space<hbm>>
      %parallel_loop3A_553 = arith.constant 0 : i32
      %parallel_loop3A_554 = tpu.memref_slice %arg10[%parallel_loop3A_546, %parallel_loop3A_553] : memref<256x32xf32, #tpu.memory_space<vmem>> -> memref<1x32xf32, #tpu.memory_space<vmem>>
      %parallel_loop3A_555 = tpu.memref_squeeze %parallel_loop3A_554 : memref<1x32xf32, #tpu.memory_space<vmem>> -> memref<32xf32, #tpu.memory_space<vmem>>
      %parallel_loop3A_556 = arith.constant 0 : i32
      %parallel_loop3A_557 = tpu.memref_slice %arg4[%parallel_loop3A_542, %parallel_loop3A_556] : memref<1000000x32xf32, #tpu.memory_space<hbm>> -> memref<1x32xf32, #tpu.memory_space<hbm>>
      %parallel_loop3A_558 = tpu.memref_squeeze %parallel_loop3A_557 : memref<1x32xf32, #tpu.memory_space<hbm>> -> memref<32xf32, #tpu.memory_space<hbm>>
      tpu.enqueue_dma source(%parallel_loop3A_558 : memref<32xf32, #tpu.memory_space<hbm>>) target(%parallel_loop3A_555 : memref<32xf32, #tpu.memory_space<vmem>>) target_semaphore(%arg12 : memref<!tpu.dma_semaphore, #tpu.memory_space<semaphore_mem>>)
      %parallel_loop3A_559 = vector.extract_strided_slice %parallel_loop3A_252 {offsets = [8], sizes = [1], strides = [1]} : vector<16xi32> to vector<1xi32>
      %parallel_loop3A_560 = vector.extract %parallel_loop3A_559[0] : i32 from vector<1xi32>
      %parallel_loop3A_561 = arith.constant 16 : i32
      %parallel_loop3A_562 = arith.muli %parallel_loop3A_238, %parallel_loop3A_561 : i32
      %parallel_loop3A_563 = arith.constant 8 : i32
      %parallel_loop3A_564 = arith.addi %parallel_loop3A_562, %parallel_loop3A_563 : i32
      %parallel_loop3A_565 = arith.constant 0 : i32
      %parallel_loop3A_566 = tpu.memref_slice %arg11[%parallel_loop3A_564, %parallel_loop3A_565] : memref<256x32xf32, #tpu.memory_space<vmem>> -> memref<1x32xf32, #tpu.memory_space<vmem>>
      %parallel_loop3A_567 = tpu.memref_squeeze %parallel_loop3A_566 : memref<1x32xf32, #tpu.memory_space<vmem>> -> memref<32xf32, #tpu.memory_space<vmem>>
      %parallel_loop3A_568 = arith.constant 0 : i32
      %parallel_loop3A_569 = tpu.memref_slice %arg5[%parallel_loop3A_560, %parallel_loop3A_568] : memref<1000000x32xf32, #tpu.memory_space<hbm>> -> memref<1x32xf32, #tpu.memory_space<hbm>>
      %parallel_loop3A_570 = tpu.memref_squeeze %parallel_loop3A_569 : memref<1x32xf32, #tpu.memory_space<hbm>> -> memref<32xf32, #tpu.memory_space<hbm>>
      %parallel_loop3A_571 = arith.constant 0 : i32
      %parallel_loop3A_572 = tpu.memref_slice %arg11[%parallel_loop3A_564, %parallel_loop3A_571] : memref<256x32xf32, #tpu.memory_space<vmem>> -> memref<1x32xf32, #tpu.memory_space<vmem>>
      %parallel_loop3A_573 = tpu.memref_squeeze %parallel_loop3A_572 : memref<1x32xf32, #tpu.memory_space<vmem>> -> memref<32xf32, #tpu.memory_space<vmem>>
      %parallel_loop3A_574 = arith.constant 0 : i32
      %parallel_loop3A_575 = tpu.memref_slice %arg5[%parallel_loop3A_560, %parallel_loop3A_574] : memref<1000000x32xf32, #tpu.memory_space<hbm>> -> memref<1x32xf32, #tpu.memory_space<hbm>>
      %parallel_loop3A_576 = tpu.memref_squeeze %parallel_loop3A_575 : memref<1x32xf32, #tpu.memory_space<hbm>> -> memref<32xf32, #tpu.memory_space<hbm>>
      tpu.enqueue_dma source(%parallel_loop3A_576 : memref<32xf32, #tpu.memory_space<hbm>>) target(%parallel_loop3A_573 : memref<32xf32, #tpu.memory_space<vmem>>) target_semaphore(%arg12 : memref<!tpu.dma_semaphore, #tpu.memory_space<semaphore_mem>>)
      %parallel_loop3A_577 = vector.extract_strided_slice %parallel_loop3A_245 {offsets = [9], sizes = [1], strides = [1]} : vector<16xi32> to vector<1xi32>
      %parallel_loop3A_578 = vector.extract %parallel_loop3A_577[0] : i32 from vector<1xi32>
      %parallel_loop3A_579 = arith.constant 16 : i32
      %parallel_loop3A_580 = arith.muli %parallel_loop3A_238, %parallel_loop3A_579 : i32
      %parallel_loop3A_581 = arith.constant 9 : i32
      %parallel_loop3A_582 = arith.addi %parallel_loop3A_580, %parallel_loop3A_581 : i32
      %parallel_loop3A_583 = arith.constant 0 : i32
      %parallel_loop3A_584 = tpu.memref_slice %arg10[%parallel_loop3A_582, %parallel_loop3A_583] : memref<256x32xf32, #tpu.memory_space<vmem>> -> memref<1x32xf32, #tpu.memory_space<vmem>>
      %parallel_loop3A_585 = tpu.memref_squeeze %parallel_loop3A_584 : memref<1x32xf32, #tpu.memory_space<vmem>> -> memref<32xf32, #tpu.memory_space<vmem>>
      %parallel_loop3A_586 = arith.constant 0 : i32
      %parallel_loop3A_587 = tpu.memref_slice %arg4[%parallel_loop3A_578, %parallel_loop3A_586] : memref<1000000x32xf32, #tpu.memory_space<hbm>> -> memref<1x32xf32, #tpu.memory_space<hbm>>
      %parallel_loop3A_588 = tpu.memref_squeeze %parallel_loop3A_587 : memref<1x32xf32, #tpu.memory_space<hbm>> -> memref<32xf32, #tpu.memory_space<hbm>>
      %parallel_loop3A_589 = arith.constant 0 : i32
      %parallel_loop3A_590 = tpu.memref_slice %arg10[%parallel_loop3A_582, %parallel_loop3A_589] : memref<256x32xf32, #tpu.memory_space<vmem>> -> memref<1x32xf32, #tpu.memory_space<vmem>>
      %parallel_loop3A_591 = tpu.memref_squeeze %parallel_loop3A_590 : memref<1x32xf32, #tpu.memory_space<vmem>> -> memref<32xf32, #tpu.memory_space<vmem>>
      %parallel_loop3A_592 = arith.constant 0 : i32
      %parallel_loop3A_593 = tpu.memref_slice %arg4[%parallel_loop3A_578, %parallel_loop3A_592] : memref<1000000x32xf32, #tpu.memory_space<hbm>> -> memref<1x32xf32, #tpu.memory_space<hbm>>
      %parallel_loop3A_594 = tpu.memref_squeeze %parallel_loop3A_593 : memref<1x32xf32, #tpu.memory_space<hbm>> -> memref<32xf32, #tpu.memory_space<hbm>>
      tpu.enqueue_dma source(%parallel_loop3A_594 : memref<32xf32, #tpu.memory_space<hbm>>) target(%parallel_loop3A_591 : memref<32xf32, #tpu.memory_space<vmem>>) target_semaphore(%arg13 : memref<!tpu.dma_semaphore, #tpu.memory_space<semaphore_mem>>)
      %parallel_loop3A_595 = vector.extract_strided_slice %parallel_loop3A_252 {offsets = [9], sizes = [1], strides = [1]} : vector<16xi32> to vector<1xi32>
      %parallel_loop3A_596 = vector.extract %parallel_loop3A_595[0] : i32 from vector<1xi32>
      %parallel_loop3A_597 = arith.constant 16 : i32
      %parallel_loop3A_598 = arith.muli %parallel_loop3A_238, %parallel_loop3A_597 : i32
      %parallel_loop3A_599 = arith.constant 9 : i32
      %parallel_loop3A_600 = arith.addi %parallel_loop3A_598, %parallel_loop3A_599 : i32
      %parallel_loop3A_601 = arith.constant 0 : i32
      %parallel_loop3A_602 = tpu.memref_slice %arg11[%parallel_loop3A_600, %parallel_loop3A_601] : memref<256x32xf32, #tpu.memory_space<vmem>> -> memref<1x32xf32, #tpu.memory_space<vmem>>
      %parallel_loop3A_603 = tpu.memref_squeeze %parallel_loop3A_602 : memref<1x32xf32, #tpu.memory_space<vmem>> -> memref<32xf32, #tpu.memory_space<vmem>>
      %parallel_loop3A_604 = arith.constant 0 : i32
      %parallel_loop3A_605 = tpu.memref_slice %arg5[%parallel_loop3A_596, %parallel_loop3A_604] : memref<1000000x32xf32, #tpu.memory_space<hbm>> -> memref<1x32xf32, #tpu.memory_space<hbm>>
      %parallel_loop3A_606 = tpu.memref_squeeze %parallel_loop3A_605 : memref<1x32xf32, #tpu.memory_space<hbm>> -> memref<32xf32, #tpu.memory_space<hbm>>
      %parallel_loop3A_607 = arith.constant 0 : i32
      %parallel_loop3A_608 = tpu.memref_slice %arg11[%parallel_loop3A_600, %parallel_loop3A_607] : memref<256x32xf32, #tpu.memory_space<vmem>> -> memref<1x32xf32, #tpu.memory_space<vmem>>
      %parallel_loop3A_609 = tpu.memref_squeeze %parallel_loop3A_608 : memref<1x32xf32, #tpu.memory_space<vmem>> -> memref<32xf32, #tpu.memory_space<vmem>>
      %parallel_loop3A_610 = arith.constant 0 : i32
      %parallel_loop3A_611 = tpu.memref_slice %arg5[%parallel_loop3A_596, %parallel_loop3A_610] : memref<1000000x32xf32, #tpu.memory_space<hbm>> -> memref<1x32xf32, #tpu.memory_space<hbm>>
      %parallel_loop3A_612 = tpu.memref_squeeze %parallel_loop3A_611 : memref<1x32xf32, #tpu.memory_space<hbm>> -> memref<32xf32, #tpu.memory_space<hbm>>
      tpu.enqueue_dma source(%parallel_loop3A_612 : memref<32xf32, #tpu.memory_space<hbm>>) target(%parallel_loop3A_609 : memref<32xf32, #tpu.memory_space<vmem>>) target_semaphore(%arg13 : memref<!tpu.dma_semaphore, #tpu.memory_space<semaphore_mem>>)
      %parallel_loop3A_613 = vector.extract_strided_slice %parallel_loop3A_245 {offsets = [10], sizes = [1], strides = [1]} : vector<16xi32> to vector<1xi32>
      %parallel_loop3A_614 = vector.extract %parallel_loop3A_613[0] : i32 from vector<1xi32>
      %parallel_loop3A_615 = arith.constant 16 : i32
      %parallel_loop3A_616 = arith.muli %parallel_loop3A_238, %parallel_loop3A_615 : i32
      %parallel_loop3A_617 = arith.constant 10 : i32
      %parallel_loop3A_618 = arith.addi %parallel_loop3A_616, %parallel_loop3A_617 : i32
      %parallel_loop3A_619 = arith.constant 0 : i32
      %parallel_loop3A_620 = tpu.memref_slice %arg10[%parallel_loop3A_618, %parallel_loop3A_619] : memref<256x32xf32, #tpu.memory_space<vmem>> -> memref<1x32xf32, #tpu.memory_space<vmem>>
      %parallel_loop3A_621 = tpu.memref_squeeze %parallel_loop3A_620 : memref<1x32xf32, #tpu.memory_space<vmem>> -> memref<32xf32, #tpu.memory_space<vmem>>
      %parallel_loop3A_622 = arith.constant 0 : i32
      %parallel_loop3A_623 = tpu.memref_slice %arg4[%parallel_loop3A_614, %parallel_loop3A_622] : memref<1000000x32xf32, #tpu.memory_space<hbm>> -> memref<1x32xf32, #tpu.memory_space<hbm>>
      %parallel_loop3A_624 = tpu.memref_squeeze %parallel_loop3A_623 : memref<1x32xf32, #tpu.memory_space<hbm>> -> memref<32xf32, #tpu.memory_space<hbm>>
      %parallel_loop3A_625 = arith.constant 0 : i32
      %parallel_loop3A_626 = tpu.memref_slice %arg10[%parallel_loop3A_618, %parallel_loop3A_625] : memref<256x32xf32, #tpu.memory_space<vmem>> -> memref<1x32xf32, #tpu.memory_space<vmem>>
      %parallel_loop3A_627 = tpu.memref_squeeze %parallel_loop3A_626 : memref<1x32xf32, #tpu.memory_space<vmem>> -> memref<32xf32, #tpu.memory_space<vmem>>
      %parallel_loop3A_628 = arith.constant 0 : i32
      %parallel_loop3A_629 = tpu.memref_slice %arg4[%parallel_loop3A_614, %parallel_loop3A_628] : memref<1000000x32xf32, #tpu.memory_space<hbm>> -> memref<1x32xf32, #tpu.memory_space<hbm>>
      %parallel_loop3A_630 = tpu.memref_squeeze %parallel_loop3A_629 : memref<1x32xf32, #tpu.memory_space<hbm>> -> memref<32xf32, #tpu.memory_space<hbm>>
      tpu.enqueue_dma source(%parallel_loop3A_630 : memref<32xf32, #tpu.memory_space<hbm>>) target(%parallel_loop3A_627 : memref<32xf32, #tpu.memory_space<vmem>>) target_semaphore(%arg14 : memref<!tpu.dma_semaphore, #tpu.memory_space<semaphore_mem>>)
      %parallel_loop3A_631 = vector.extract_strided_slice %parallel_loop3A_252 {offsets = [10], sizes = [1], strides = [1]} : vector<16xi32> to vector<1xi32>
      %parallel_loop3A_632 = vector.extract %parallel_loop3A_631[0] : i32 from vector<1xi32>
      %parallel_loop3A_633 = arith.constant 16 : i32
      %parallel_loop3A_634 = arith.muli %parallel_loop3A_238, %parallel_loop3A_633 : i32
      %parallel_loop3A_635 = arith.constant 10 : i32
      %parallel_loop3A_636 = arith.addi %parallel_loop3A_634, %parallel_loop3A_635 : i32
      %parallel_loop3A_637 = arith.constant 0 : i32
      %parallel_loop3A_638 = tpu.memref_slice %arg11[%parallel_loop3A_636, %parallel_loop3A_637] : memref<256x32xf32, #tpu.memory_space<vmem>> -> memref<1x32xf32, #tpu.memory_space<vmem>>
      %parallel_loop3A_639 = tpu.memref_squeeze %parallel_loop3A_638 : memref<1x32xf32, #tpu.memory_space<vmem>> -> memref<32xf32, #tpu.memory_space<vmem>>
      %parallel_loop3A_640 = arith.constant 0 : i32
      %parallel_loop3A_641 = tpu.memref_slice %arg5[%parallel_loop3A_632, %parallel_loop3A_640] : memref<1000000x32xf32, #tpu.memory_space<hbm>> -> memref<1x32xf32, #tpu.memory_space<hbm>>
      %parallel_loop3A_642 = tpu.memref_squeeze %parallel_loop3A_641 : memref<1x32xf32, #tpu.memory_space<hbm>> -> memref<32xf32, #tpu.memory_space<hbm>>
      %parallel_loop3A_643 = arith.constant 0 : i32
      %parallel_loop3A_644 = tpu.memref_slice %arg11[%parallel_loop3A_636, %parallel_loop3A_643] : memref<256x32xf32, #tpu.memory_space<vmem>> -> memref<1x32xf32, #tpu.memory_space<vmem>>
      %parallel_loop3A_645 = tpu.memref_squeeze %parallel_loop3A_644 : memref<1x32xf32, #tpu.memory_space<vmem>> -> memref<32xf32, #tpu.memory_space<vmem>>
      %parallel_loop3A_646 = arith.constant 0 : i32
      %parallel_loop3A_647 = tpu.memref_slice %arg5[%parallel_loop3A_632, %parallel_loop3A_646] : memref<1000000x32xf32, #tpu.memory_space<hbm>> -> memref<1x32xf32, #tpu.memory_space<hbm>>
      %parallel_loop3A_648 = tpu.memref_squeeze %parallel_loop3A_647 : memref<1x32xf32, #tpu.memory_space<hbm>> -> memref<32xf32, #tpu.memory_space<hbm>>
      tpu.enqueue_dma source(%parallel_loop3A_648 : memref<32xf32, #tpu.memory_space<hbm>>) target(%parallel_loop3A_645 : memref<32xf32, #tpu.memory_space<vmem>>) target_semaphore(%arg14 : memref<!tpu.dma_semaphore, #tpu.memory_space<semaphore_mem>>)
      %parallel_loop3A_649 = vector.extract_strided_slice %parallel_loop3A_245 {offsets = [11], sizes = [1], strides = [1]} : vector<16xi32> to vector<1xi32>
      %parallel_loop3A_650 = vector.extract %parallel_loop3A_649[0] : i32 from vector<1xi32>
      %parallel_loop3A_651 = arith.constant 16 : i32
      %parallel_loop3A_652 = arith.muli %parallel_loop3A_238, %parallel_loop3A_651 : i32
      %parallel_loop3A_653 = arith.constant 11 : i32
      %parallel_loop3A_654 = arith.addi %parallel_loop3A_652, %parallel_loop3A_653 : i32
      %parallel_loop3A_655 = arith.constant 0 : i32
      %parallel_loop3A_656 = tpu.memref_slice %arg10[%parallel_loop3A_654, %parallel_loop3A_655] : memref<256x32xf32, #tpu.memory_space<vmem>> -> memref<1x32xf32, #tpu.memory_space<vmem>>
      %parallel_loop3A_657 = tpu.memref_squeeze %parallel_loop3A_656 : memref<1x32xf32, #tpu.memory_space<vmem>> -> memref<32xf32, #tpu.memory_space<vmem>>
      %parallel_loop3A_658 = arith.constant 0 : i32
      %parallel_loop3A_659 = tpu.memref_slice %arg4[%parallel_loop3A_650, %parallel_loop3A_658] : memref<1000000x32xf32, #tpu.memory_space<hbm>> -> memref<1x32xf32, #tpu.memory_space<hbm>>
      %parallel_loop3A_660 = tpu.memref_squeeze %parallel_loop3A_659 : memref<1x32xf32, #tpu.memory_space<hbm>> -> memref<32xf32, #tpu.memory_space<hbm>>
      %parallel_loop3A_661 = arith.constant 0 : i32
      %parallel_loop3A_662 = tpu.memref_slice %arg10[%parallel_loop3A_654, %parallel_loop3A_661] : memref<256x32xf32, #tpu.memory_space<vmem>> -> memref<1x32xf32, #tpu.memory_space<vmem>>
      %parallel_loop3A_663 = tpu.memref_squeeze %parallel_loop3A_662 : memref<1x32xf32, #tpu.memory_space<vmem>> -> memref<32xf32, #tpu.memory_space<vmem>>
      %parallel_loop3A_664 = arith.constant 0 : i32
      %parallel_loop3A_665 = tpu.memref_slice %arg4[%parallel_loop3A_650, %parallel_loop3A_664] : memref<1000000x32xf32, #tpu.memory_space<hbm>> -> memref<1x32xf32, #tpu.memory_space<hbm>>
      %parallel_loop3A_666 = tpu.memref_squeeze %parallel_loop3A_665 : memref<1x32xf32, #tpu.memory_space<hbm>> -> memref<32xf32, #tpu.memory_space<hbm>>
      tpu.enqueue_dma source(%parallel_loop3A_666 : memref<32xf32, #tpu.memory_space<hbm>>) target(%parallel_loop3A_663 : memref<32xf32, #tpu.memory_space<vmem>>) target_semaphore(%arg15 : memref<!tpu.dma_semaphore, #tpu.memory_space<semaphore_mem>>)
      %parallel_loop3A_667 = vector.extract_strided_slice %parallel_loop3A_252 {offsets = [11], sizes = [1], strides = [1]} : vector<16xi32> to vector<1xi32>
      %parallel_loop3A_668 = vector.extract %parallel_loop3A_667[0] : i32 from vector<1xi32>
      %parallel_loop3A_669 = arith.constant 16 : i32
      %parallel_loop3A_670 = arith.muli %parallel_loop3A_238, %parallel_loop3A_669 : i32
      %parallel_loop3A_671 = arith.constant 11 : i32
      %parallel_loop3A_672 = arith.addi %parallel_loop3A_670, %parallel_loop3A_671 : i32
      %parallel_loop3A_673 = arith.constant 0 : i32
      %parallel_loop3A_674 = tpu.memref_slice %arg11[%parallel_loop3A_672, %parallel_loop3A_673] : memref<256x32xf32, #tpu.memory_space<vmem>> -> memref<1x32xf32, #tpu.memory_space<vmem>>
      %parallel_loop3A_675 = tpu.memref_squeeze %parallel_loop3A_674 : memref<1x32xf32, #tpu.memory_space<vmem>> -> memref<32xf32, #tpu.memory_space<vmem>>
      %parallel_loop3A_676 = arith.constant 0 : i32
      %parallel_loop3A_677 = tpu.memref_slice %arg5[%parallel_loop3A_668, %parallel_loop3A_676] : memref<1000000x32xf32, #tpu.memory_space<hbm>> -> memref<1x32xf32, #tpu.memory_space<hbm>>
      %parallel_loop3A_678 = tpu.memref_squeeze %parallel_loop3A_677 : memref<1x32xf32, #tpu.memory_space<hbm>> -> memref<32xf32, #tpu.memory_space<hbm>>
      %parallel_loop3A_679 = arith.constant 0 : i32
      %parallel_loop3A_680 = tpu.memref_slice %arg11[%parallel_loop3A_672, %parallel_loop3A_679] : memref<256x32xf32, #tpu.memory_space<vmem>> -> memref<1x32xf32, #tpu.memory_space<vmem>>
      %parallel_loop3A_681 = tpu.memref_squeeze %parallel_loop3A_680 : memref<1x32xf32, #tpu.memory_space<vmem>> -> memref<32xf32, #tpu.memory_space<vmem>>
      %parallel_loop3A_682 = arith.constant 0 : i32
      %parallel_loop3A_683 = tpu.memref_slice %arg5[%parallel_loop3A_668, %parallel_loop3A_682] : memref<1000000x32xf32, #tpu.memory_space<hbm>> -> memref<1x32xf32, #tpu.memory_space<hbm>>
      %parallel_loop3A_684 = tpu.memref_squeeze %parallel_loop3A_683 : memref<1x32xf32, #tpu.memory_space<hbm>> -> memref<32xf32, #tpu.memory_space<hbm>>
      tpu.enqueue_dma source(%parallel_loop3A_684 : memref<32xf32, #tpu.memory_space<hbm>>) target(%parallel_loop3A_681 : memref<32xf32, #tpu.memory_space<vmem>>) target_semaphore(%arg15 : memref<!tpu.dma_semaphore, #tpu.memory_space<semaphore_mem>>)
      %parallel_loop3A_685 = vector.extract_strided_slice %parallel_loop3A_245 {offsets = [12], sizes = [1], strides = [1]} : vector<16xi32> to vector<1xi32>
      %parallel_loop3A_686 = vector.extract %parallel_loop3A_685[0] : i32 from vector<1xi32>
      %parallel_loop3A_687 = arith.constant 16 : i32
      %parallel_loop3A_688 = arith.muli %parallel_loop3A_238, %parallel_loop3A_687 : i32
      %parallel_loop3A_689 = arith.constant 12 : i32
      %parallel_loop3A_690 = arith.addi %parallel_loop3A_688, %parallel_loop3A_689 : i32
      %parallel_loop3A_691 = arith.constant 0 : i32
      %parallel_loop3A_692 = tpu.memref_slice %arg10[%parallel_loop3A_690, %parallel_loop3A_691] : memref<256x32xf32, #tpu.memory_space<vmem>> -> memref<1x32xf32, #tpu.memory_space<vmem>>
      %parallel_loop3A_693 = tpu.memref_squeeze %parallel_loop3A_692 : memref<1x32xf32, #tpu.memory_space<vmem>> -> memref<32xf32, #tpu.memory_space<vmem>>
      %parallel_loop3A_694 = arith.constant 0 : i32
      %parallel_loop3A_695 = tpu.memref_slice %arg4[%parallel_loop3A_686, %parallel_loop3A_694] : memref<1000000x32xf32, #tpu.memory_space<hbm>> -> memref<1x32xf32, #tpu.memory_space<hbm>>
      %parallel_loop3A_696 = tpu.memref_squeeze %parallel_loop3A_695 : memref<1x32xf32, #tpu.memory_space<hbm>> -> memref<32xf32, #tpu.memory_space<hbm>>
      %parallel_loop3A_697 = arith.constant 0 : i32
      %parallel_loop3A_698 = tpu.memref_slice %arg10[%parallel_loop3A_690, %parallel_loop3A_697] : memref<256x32xf32, #tpu.memory_space<vmem>> -> memref<1x32xf32, #tpu.memory_space<vmem>>
      %parallel_loop3A_699 = tpu.memref_squeeze %parallel_loop3A_698 : memref<1x32xf32, #tpu.memory_space<vmem>> -> memref<32xf32, #tpu.memory_space<vmem>>
      %parallel_loop3A_700 = arith.constant 0 : i32
      %parallel_loop3A_701 = tpu.memref_slice %arg4[%parallel_loop3A_686, %parallel_loop3A_700] : memref<1000000x32xf32, #tpu.memory_space<hbm>> -> memref<1x32xf32, #tpu.memory_space<hbm>>
      %parallel_loop3A_702 = tpu.memref_squeeze %parallel_loop3A_701 : memref<1x32xf32, #tpu.memory_space<hbm>> -> memref<32xf32, #tpu.memory_space<hbm>>
      tpu.enqueue_dma source(%parallel_loop3A_702 : memref<32xf32, #tpu.memory_space<hbm>>) target(%parallel_loop3A_699 : memref<32xf32, #tpu.memory_space<vmem>>) target_semaphore(%arg12 : memref<!tpu.dma_semaphore, #tpu.memory_space<semaphore_mem>>)
      %parallel_loop3A_703 = vector.extract_strided_slice %parallel_loop3A_252 {offsets = [12], sizes = [1], strides = [1]} : vector<16xi32> to vector<1xi32>
      %parallel_loop3A_704 = vector.extract %parallel_loop3A_703[0] : i32 from vector<1xi32>
      %parallel_loop3A_705 = arith.constant 16 : i32
      %parallel_loop3A_706 = arith.muli %parallel_loop3A_238, %parallel_loop3A_705 : i32
      %parallel_loop3A_707 = arith.constant 12 : i32
      %parallel_loop3A_708 = arith.addi %parallel_loop3A_706, %parallel_loop3A_707 : i32
      %parallel_loop3A_709 = arith.constant 0 : i32
      %parallel_loop3A_710 = tpu.memref_slice %arg11[%parallel_loop3A_708, %parallel_loop3A_709] : memref<256x32xf32, #tpu.memory_space<vmem>> -> memref<1x32xf32, #tpu.memory_space<vmem>>
      %parallel_loop3A_711 = tpu.memref_squeeze %parallel_loop3A_710 : memref<1x32xf32, #tpu.memory_space<vmem>> -> memref<32xf32, #tpu.memory_space<vmem>>
      %parallel_loop3A_712 = arith.constant 0 : i32
      %parallel_loop3A_713 = tpu.memref_slice %arg5[%parallel_loop3A_704, %parallel_loop3A_712] : memref<1000000x32xf32, #tpu.memory_space<hbm>> -> memref<1x32xf32, #tpu.memory_space<hbm>>
      %parallel_loop3A_714 = tpu.memref_squeeze %parallel_loop3A_713 : memref<1x32xf32, #tpu.memory_space<hbm>> -> memref<32xf32, #tpu.memory_space<hbm>>
      %parallel_loop3A_715 = arith.constant 0 : i32
      %parallel_loop3A_716 = tpu.memref_slice %arg11[%parallel_loop3A_708, %parallel_loop3A_715] : memref<256x32xf32, #tpu.memory_space<vmem>> -> memref<1x32xf32, #tpu.memory_space<vmem>>
      %parallel_loop3A_717 = tpu.memref_squeeze %parallel_loop3A_716 : memref<1x32xf32, #tpu.memory_space<vmem>> -> memref<32xf32, #tpu.memory_space<vmem>>
      %parallel_loop3A_718 = arith.constant 0 : i32
      %parallel_loop3A_719 = tpu.memref_slice %arg5[%parallel_loop3A_704, %parallel_loop3A_718] : memref<1000000x32xf32, #tpu.memory_space<hbm>> -> memref<1x32xf32, #tpu.memory_space<hbm>>
      %parallel_loop3A_720 = tpu.memref_squeeze %parallel_loop3A_719 : memref<1x32xf32, #tpu.memory_space<hbm>> -> memref<32xf32, #tpu.memory_space<hbm>>
      tpu.enqueue_dma source(%parallel_loop3A_720 : memref<32xf32, #tpu.memory_space<hbm>>) target(%parallel_loop3A_717 : memref<32xf32, #tpu.memory_space<vmem>>) target_semaphore(%arg12 : memref<!tpu.dma_semaphore, #tpu.memory_space<semaphore_mem>>)
      %parallel_loop3A_721 = vector.extract_strided_slice %parallel_loop3A_245 {offsets = [13], sizes = [1], strides = [1]} : vector<16xi32> to vector<1xi32>
      %parallel_loop3A_722 = vector.extract %parallel_loop3A_721[0] : i32 from vector<1xi32>
      %parallel_loop3A_723 = arith.constant 16 : i32
      %parallel_loop3A_724 = arith.muli %parallel_loop3A_238, %parallel_loop3A_723 : i32
      %parallel_loop3A_725 = arith.constant 13 : i32
      %parallel_loop3A_726 = arith.addi %parallel_loop3A_724, %parallel_loop3A_725 : i32
      %parallel_loop3A_727 = arith.constant 0 : i32
      %parallel_loop3A_728 = tpu.memref_slice %arg10[%parallel_loop3A_726, %parallel_loop3A_727] : memref<256x32xf32, #tpu.memory_space<vmem>> -> memref<1x32xf32, #tpu.memory_space<vmem>>
      %parallel_loop3A_729 = tpu.memref_squeeze %parallel_loop3A_728 : memref<1x32xf32, #tpu.memory_space<vmem>> -> memref<32xf32, #tpu.memory_space<vmem>>
      %parallel_loop3A_730 = arith.constant 0 : i32
      %parallel_loop3A_731 = tpu.memref_slice %arg4[%parallel_loop3A_722, %parallel_loop3A_730] : memref<1000000x32xf32, #tpu.memory_space<hbm>> -> memref<1x32xf32, #tpu.memory_space<hbm>>
      %parallel_loop3A_732 = tpu.memref_squeeze %parallel_loop3A_731 : memref<1x32xf32, #tpu.memory_space<hbm>> -> memref<32xf32, #tpu.memory_space<hbm>>
      %parallel_loop3A_733 = arith.constant 0 : i32
      %parallel_loop3A_734 = tpu.memref_slice %arg10[%parallel_loop3A_726, %parallel_loop3A_733] : memref<256x32xf32, #tpu.memory_space<vmem>> -> memref<1x32xf32, #tpu.memory_space<vmem>>
      %parallel_loop3A_735 = tpu.memref_squeeze %parallel_loop3A_734 : memref<1x32xf32, #tpu.memory_space<vmem>> -> memref<32xf32, #tpu.memory_space<vmem>>
      %parallel_loop3A_736 = arith.constant 0 : i32
      %parallel_loop3A_737 = tpu.memref_slice %arg4[%parallel_loop3A_722, %parallel_loop3A_736] : memref<1000000x32xf32, #tpu.memory_space<hbm>> -> memref<1x32xf32, #tpu.memory_space<hbm>>
      %parallel_loop3A_738 = tpu.memref_squeeze %parallel_loop3A_737 : memref<1x32xf32, #tpu.memory_space<hbm>> -> memref<32xf32, #tpu.memory_space<hbm>>
      tpu.enqueue_dma source(%parallel_loop3A_738 : memref<32xf32, #tpu.memory_space<hbm>>) target(%parallel_loop3A_735 : memref<32xf32, #tpu.memory_space<vmem>>) target_semaphore(%arg13 : memref<!tpu.dma_semaphore, #tpu.memory_space<semaphore_mem>>)
      %parallel_loop3A_739 = vector.extract_strided_slice %parallel_loop3A_252 {offsets = [13], sizes = [1], strides = [1]} : vector<16xi32> to vector<1xi32>
      %parallel_loop3A_740 = vector.extract %parallel_loop3A_739[0] : i32 from vector<1xi32>
      %parallel_loop3A_741 = arith.constant 16 : i32
      %parallel_loop3A_742 = arith.muli %parallel_loop3A_238, %parallel_loop3A_741 : i32
      %parallel_loop3A_743 = arith.constant 13 : i32
      %parallel_loop3A_744 = arith.addi %parallel_loop3A_742, %parallel_loop3A_743 : i32
      %parallel_loop3A_745 = arith.constant 0 : i32
      %parallel_loop3A_746 = tpu.memref_slice %arg11[%parallel_loop3A_744, %parallel_loop3A_745] : memref<256x32xf32, #tpu.memory_space<vmem>> -> memref<1x32xf32, #tpu.memory_space<vmem>>
      %parallel_loop3A_747 = tpu.memref_squeeze %parallel_loop3A_746 : memref<1x32xf32, #tpu.memory_space<vmem>> -> memref<32xf32, #tpu.memory_space<vmem>>
      %parallel_loop3A_748 = arith.constant 0 : i32
      %parallel_loop3A_749 = tpu.memref_slice %arg5[%parallel_loop3A_740, %parallel_loop3A_748] : memref<1000000x32xf32, #tpu.memory_space<hbm>> -> memref<1x32xf32, #tpu.memory_space<hbm>>
      %parallel_loop3A_750 = tpu.memref_squeeze %parallel_loop3A_749 : memref<1x32xf32, #tpu.memory_space<hbm>> -> memref<32xf32, #tpu.memory_space<hbm>>
      %parallel_loop3A_751 = arith.constant 0 : i32
      %parallel_loop3A_752 = tpu.memref_slice %arg11[%parallel_loop3A_744, %parallel_loop3A_751] : memref<256x32xf32, #tpu.memory_space<vmem>> -> memref<1x32xf32, #tpu.memory_space<vmem>>
      %parallel_loop3A_753 = tpu.memref_squeeze %parallel_loop3A_752 : memref<1x32xf32, #tpu.memory_space<vmem>> -> memref<32xf32, #tpu.memory_space<vmem>>
      %parallel_loop3A_754 = arith.constant 0 : i32
      %parallel_loop3A_755 = tpu.memref_slice %arg5[%parallel_loop3A_740, %parallel_loop3A_754] : memref<1000000x32xf32, #tpu.memory_space<hbm>> -> memref<1x32xf32, #tpu.memory_space<hbm>>
      %parallel_loop3A_756 = tpu.memref_squeeze %parallel_loop3A_755 : memref<1x32xf32, #tpu.memory_space<hbm>> -> memref<32xf32, #tpu.memory_space<hbm>>
      tpu.enqueue_dma source(%parallel_loop3A_756 : memref<32xf32, #tpu.memory_space<hbm>>) target(%parallel_loop3A_753 : memref<32xf32, #tpu.memory_space<vmem>>) target_semaphore(%arg13 : memref<!tpu.dma_semaphore, #tpu.memory_space<semaphore_mem>>)
      %parallel_loop3A_757 = vector.extract_strided_slice %parallel_loop3A_245 {offsets = [14], sizes = [1], strides = [1]} : vector<16xi32> to vector<1xi32>
      %parallel_loop3A_758 = vector.extract %parallel_loop3A_757[0] : i32 from vector<1xi32>
      %parallel_loop3A_759 = arith.constant 16 : i32
      %parallel_loop3A_760 = arith.muli %parallel_loop3A_238, %parallel_loop3A_759 : i32
      %parallel_loop3A_761 = arith.constant 14 : i32
      %parallel_loop3A_762 = arith.addi %parallel_loop3A_760, %parallel_loop3A_761 : i32
      %parallel_loop3A_763 = arith.constant 0 : i32
      %parallel_loop3A_764 = tpu.memref_slice %arg10[%parallel_loop3A_762, %parallel_loop3A_763] : memref<256x32xf32, #tpu.memory_space<vmem>> -> memref<1x32xf32, #tpu.memory_space<vmem>>
      %parallel_loop3A_765 = tpu.memref_squeeze %parallel_loop3A_764 : memref<1x32xf32, #tpu.memory_space<vmem>> -> memref<32xf32, #tpu.memory_space<vmem>>
      %parallel_loop3A_766 = arith.constant 0 : i32
      %parallel_loop3A_767 = tpu.memref_slice %arg4[%parallel_loop3A_758, %parallel_loop3A_766] : memref<1000000x32xf32, #tpu.memory_space<hbm>> -> memref<1x32xf32, #tpu.memory_space<hbm>>
      %parallel_loop3A_768 = tpu.memref_squeeze %parallel_loop3A_767 : memref<1x32xf32, #tpu.memory_space<hbm>> -> memref<32xf32, #tpu.memory_space<hbm>>
      %parallel_loop3A_769 = arith.constant 0 : i32
      %parallel_loop3A_770 = tpu.memref_slice %arg10[%parallel_loop3A_762, %parallel_loop3A_769] : memref<256x32xf32, #tpu.memory_space<vmem>> -> memref<1x32xf32, #tpu.memory_space<vmem>>
      %parallel_loop3A_771 = tpu.memref_squeeze %parallel_loop3A_770 : memref<1x32xf32, #tpu.memory_space<vmem>> -> memref<32xf32, #tpu.memory_space<vmem>>
      %parallel_loop3A_772 = arith.constant 0 : i32
      %parallel_loop3A_773 = tpu.memref_slice %arg4[%parallel_loop3A_758, %parallel_loop3A_772] : memref<1000000x32xf32, #tpu.memory_space<hbm>> -> memref<1x32xf32, #tpu.memory_space<hbm>>
      %parallel_loop3A_774 = tpu.memref_squeeze %parallel_loop3A_773 : memref<1x32xf32, #tpu.memory_space<hbm>> -> memref<32xf32, #tpu.memory_space<hbm>>
      tpu.enqueue_dma source(%parallel_loop3A_774 : memref<32xf32, #tpu.memory_space<hbm>>) target(%parallel_loop3A_771 : memref<32xf32, #tpu.memory_space<vmem>>) target_semaphore(%arg14 : memref<!tpu.dma_semaphore, #tpu.memory_space<semaphore_mem>>)
      %parallel_loop3A_775 = vector.extract_strided_slice %parallel_loop3A_252 {offsets = [14], sizes = [1], strides = [1]} : vector<16xi32> to vector<1xi32>
      %parallel_loop3A_776 = vector.extract %parallel_loop3A_775[0] : i32 from vector<1xi32>
      %parallel_loop3A_777 = arith.constant 16 : i32
      %parallel_loop3A_778 = arith.muli %parallel_loop3A_238, %parallel_loop3A_777 : i32
      %parallel_loop3A_779 = arith.constant 14 : i32
      %parallel_loop3A_780 = arith.addi %parallel_loop3A_778, %parallel_loop3A_779 : i32
      %parallel_loop3A_781 = arith.constant 0 : i32
      %parallel_loop3A_782 = tpu.memref_slice %arg11[%parallel_loop3A_780, %parallel_loop3A_781] : memref<256x32xf32, #tpu.memory_space<vmem>> -> memref<1x32xf32, #tpu.memory_space<vmem>>
      %parallel_loop3A_783 = tpu.memref_squeeze %parallel_loop3A_782 : memref<1x32xf32, #tpu.memory_space<vmem>> -> memref<32xf32, #tpu.memory_space<vmem>>
      %parallel_loop3A_784 = arith.constant 0 : i32
      %parallel_loop3A_785 = tpu.memref_slice %arg5[%parallel_loop3A_776, %parallel_loop3A_784] : memref<1000000x32xf32, #tpu.memory_space<hbm>> -> memref<1x32xf32, #tpu.memory_space<hbm>>
      %parallel_loop3A_786 = tpu.memref_squeeze %parallel_loop3A_785 : memref<1x32xf32, #tpu.memory_space<hbm>> -> memref<32xf32, #tpu.memory_space<hbm>>
      %parallel_loop3A_787 = arith.constant 0 : i32
      %parallel_loop3A_788 = tpu.memref_slice %arg11[%parallel_loop3A_780, %parallel_loop3A_787] : memref<256x32xf32, #tpu.memory_space<vmem>> -> memref<1x32xf32, #tpu.memory_space<vmem>>
      %parallel_loop3A_789 = tpu.memref_squeeze %parallel_loop3A_788 : memref<1x32xf32, #tpu.memory_space<vmem>> -> memref<32xf32, #tpu.memory_space<vmem>>
      %parallel_loop3A_790 = arith.constant 0 : i32
      %parallel_loop3A_791 = tpu.memref_slice %arg5[%parallel_loop3A_776, %parallel_loop3A_790] : memref<1000000x32xf32, #tpu.memory_space<hbm>> -> memref<1x32xf32, #tpu.memory_space<hbm>>
      %parallel_loop3A_792 = tpu.memref_squeeze %parallel_loop3A_791 : memref<1x32xf32, #tpu.memory_space<hbm>> -> memref<32xf32, #tpu.memory_space<hbm>>
      tpu.enqueue_dma source(%parallel_loop3A_792 : memref<32xf32, #tpu.memory_space<hbm>>) target(%parallel_loop3A_789 : memref<32xf32, #tpu.memory_space<vmem>>) target_semaphore(%arg14 : memref<!tpu.dma_semaphore, #tpu.memory_space<semaphore_mem>>)
      %parallel_loop3A_793 = vector.extract_strided_slice %parallel_loop3A_245 {offsets = [15], sizes = [1], strides = [1]} : vector<16xi32> to vector<1xi32>
      %parallel_loop3A_794 = vector.extract %parallel_loop3A_793[0] : i32 from vector<1xi32>
      %parallel_loop3A_795 = arith.constant 16 : i32
      %parallel_loop3A_796 = arith.muli %parallel_loop3A_238, %parallel_loop3A_795 : i32
      %parallel_loop3A_797 = arith.constant 15 : i32
      %parallel_loop3A_798 = arith.addi %parallel_loop3A_796, %parallel_loop3A_797 : i32
      %parallel_loop3A_799 = arith.constant 0 : i32
      %parallel_loop3A_800 = tpu.memref_slice %arg10[%parallel_loop3A_798, %parallel_loop3A_799] : memref<256x32xf32, #tpu.memory_space<vmem>> -> memref<1x32xf32, #tpu.memory_space<vmem>>
      %parallel_loop3A_801 = tpu.memref_squeeze %parallel_loop3A_800 : memref<1x32xf32, #tpu.memory_space<vmem>> -> memref<32xf32, #tpu.memory_space<vmem>>
      %parallel_loop3A_802 = arith.constant 0 : i32
      %parallel_loop3A_803 = tpu.memref_slice %arg4[%parallel_loop3A_794, %parallel_loop3A_802] : memref<1000000x32xf32, #tpu.memory_space<hbm>> -> memref<1x32xf32, #tpu.memory_space<hbm>>
      %parallel_loop3A_804 = tpu.memref_squeeze %parallel_loop3A_803 : memref<1x32xf32, #tpu.memory_space<hbm>> -> memref<32xf32, #tpu.memory_space<hbm>>
      %parallel_loop3A_805 = arith.constant 0 : i32
      %parallel_loop3A_806 = tpu.memref_slice %arg10[%parallel_loop3A_798, %parallel_loop3A_805] : memref<256x32xf32, #tpu.memory_space<vmem>> -> memref<1x32xf32, #tpu.memory_space<vmem>>
      %parallel_loop3A_807 = tpu.memref_squeeze %parallel_loop3A_806 : memref<1x32xf32, #tpu.memory_space<vmem>> -> memref<32xf32, #tpu.memory_space<vmem>>
      %parallel_loop3A_808 = arith.constant 0 : i32
      %parallel_loop3A_809 = tpu.memref_slice %arg4[%parallel_loop3A_794, %parallel_loop3A_808] : memref<1000000x32xf32, #tpu.memory_space<hbm>> -> memref<1x32xf32, #tpu.memory_space<hbm>>
      %parallel_loop3A_810 = tpu.memref_squeeze %parallel_loop3A_809 : memref<1x32xf32, #tpu.memory_space<hbm>> -> memref<32xf32, #tpu.memory_space<hbm>>
      tpu.enqueue_dma source(%parallel_loop3A_810 : memref<32xf32, #tpu.memory_space<hbm>>) target(%parallel_loop3A_807 : memref<32xf32, #tpu.memory_space<vmem>>) target_semaphore(%arg15 : memref<!tpu.dma_semaphore, #tpu.memory_space<semaphore_mem>>)
      %parallel_loop3A_811 = vector.extract_strided_slice %parallel_loop3A_252 {offsets = [15], sizes = [1], strides = [1]} : vector<16xi32> to vector<1xi32>
      %parallel_loop3A_812 = vector.extract %parallel_loop3A_811[0] : i32 from vector<1xi32>
      %parallel_loop3A_813 = arith.constant 16 : i32
      %parallel_loop3A_814 = arith.muli %parallel_loop3A_238, %parallel_loop3A_813 : i32
      %parallel_loop3A_815 = arith.constant 15 : i32
      %parallel_loop3A_816 = arith.addi %parallel_loop3A_814, %parallel_loop3A_815 : i32
      %parallel_loop3A_817 = arith.constant 0 : i32
      %parallel_loop3A_818 = tpu.memref_slice %arg11[%parallel_loop3A_816, %parallel_loop3A_817] : memref<256x32xf32, #tpu.memory_space<vmem>> -> memref<1x32xf32, #tpu.memory_space<vmem>>
      %parallel_loop3A_819 = tpu.memref_squeeze %parallel_loop3A_818 : memref<1x32xf32, #tpu.memory_space<vmem>> -> memref<32xf32, #tpu.memory_space<vmem>>
      %parallel_loop3A_820 = arith.constant 0 : i32
      %parallel_loop3A_821 = tpu.memref_slice %arg5[%parallel_loop3A_812, %parallel_loop3A_820] : memref<1000000x32xf32, #tpu.memory_space<hbm>> -> memref<1x32xf32, #tpu.memory_space<hbm>>
      %parallel_loop3A_822 = tpu.memref_squeeze %parallel_loop3A_821 : memref<1x32xf32, #tpu.memory_space<hbm>> -> memref<32xf32, #tpu.memory_space<hbm>>
      %parallel_loop3A_823 = arith.constant 0 : i32
      %parallel_loop3A_824 = tpu.memref_slice %arg11[%parallel_loop3A_816, %parallel_loop3A_823] : memref<256x32xf32, #tpu.memory_space<vmem>> -> memref<1x32xf32, #tpu.memory_space<vmem>>
      %parallel_loop3A_825 = tpu.memref_squeeze %parallel_loop3A_824 : memref<1x32xf32, #tpu.memory_space<vmem>> -> memref<32xf32, #tpu.memory_space<vmem>>
      %parallel_loop3A_826 = arith.constant 0 : i32
      %parallel_loop3A_827 = tpu.memref_slice %arg5[%parallel_loop3A_812, %parallel_loop3A_826] : memref<1000000x32xf32, #tpu.memory_space<hbm>> -> memref<1x32xf32, #tpu.memory_space<hbm>>
      %parallel_loop3A_828 = tpu.memref_squeeze %parallel_loop3A_827 : memref<1x32xf32, #tpu.memory_space<hbm>> -> memref<32xf32, #tpu.memory_space<hbm>>
      tpu.enqueue_dma source(%parallel_loop3A_828 : memref<32xf32, #tpu.memory_space<hbm>>) target(%parallel_loop3A_825 : memref<32xf32, #tpu.memory_space<vmem>>) target_semaphore(%arg15 : memref<!tpu.dma_semaphore, #tpu.memory_space<semaphore_mem>>)
    } {sc.loop_unroll_factor = 1 : i64, sc.parallel_access}
    %dma_wait3A_122 = arith.constant 0 : i32
    %dma_wait3A_123 = arith.constant 0 : i32
    %dma_wait3A_124 = tpu.memref_slice %arg10[%dma_wait3A_122, %dma_wait3A_123] : memref<256x32xf32, #tpu.memory_space<vmem>> -> memref<64x32xf32, #tpu.memory_space<vmem>>
    %dma_wait3A_125 = arith.constant 0 : i32
    %dma_wait3A_126 = arith.constant 0 : i32
    %dma_wait3A_127 = tpu.memref_slice %arg4[%dma_wait3A_125, %dma_wait3A_126] : memref<1000000x32xf32, #tpu.memory_space<hbm>> -> memref<64x32xf32, #tpu.memory_space<hbm>>
    %dma_wait3A_128 = arith.constant 0 : i32
    %dma_wait3A_129 = arith.constant 0 : i32
    %dma_wait3A_130 = tpu.memref_slice %arg10[%dma_wait3A_128, %dma_wait3A_129] : memref<256x32xf32, #tpu.memory_space<vmem>> -> memref<64x32xf32, #tpu.memory_space<vmem>>
    %dma_wait3A_131 = arith.constant 0 : i32
    %dma_wait3A_132 = arith.constant 0 : i32
    %dma_wait3A_133 = tpu.memref_slice %arg4[%dma_wait3A_131, %dma_wait3A_132] : memref<1000000x32xf32, #tpu.memory_space<hbm>> -> memref<64x32xf32, #tpu.memory_space<hbm>>
    tpu.wait_dma2 semaphore(%arg12 : memref<!tpu.dma_semaphore, #tpu.memory_space<semaphore_mem>>) src(%dma_wait3A_133 : memref<64x32xf32, #tpu.memory_space<hbm>>) dst(%dma_wait3A_130 : memref<64x32xf32, #tpu.memory_space<vmem>>)
    %dma_wait3A_134 = arith.constant 0 : i32
    %dma_wait3A_135 = arith.constant 0 : i32
    %dma_wait3A_136 = tpu.memref_slice %arg11[%dma_wait3A_134, %dma_wait3A_135] : memref<256x32xf32, #tpu.memory_space<vmem>> -> memref<64x32xf32, #tpu.memory_space<vmem>>
    %dma_wait3A_137 = arith.constant 0 : i32
    %dma_wait3A_138 = arith.constant 0 : i32
    %dma_wait3A_139 = tpu.memref_slice %arg5[%dma_wait3A_137, %dma_wait3A_138] : memref<1000000x32xf32, #tpu.memory_space<hbm>> -> memref<64x32xf32, #tpu.memory_space<hbm>>
    %dma_wait3A_140 = arith.constant 0 : i32
    %dma_wait3A_141 = arith.constant 0 : i32
    %dma_wait3A_142 = tpu.memref_slice %arg11[%dma_wait3A_140, %dma_wait3A_141] : memref<256x32xf32, #tpu.memory_space<vmem>> -> memref<64x32xf32, #tpu.memory_space<vmem>>
    %dma_wait3A_143 = arith.constant 0 : i32
    %dma_wait3A_144 = arith.constant 0 : i32
    %dma_wait3A_145 = tpu.memref_slice %arg5[%dma_wait3A_143, %dma_wait3A_144] : memref<1000000x32xf32, #tpu.memory_space<hbm>> -> memref<64x32xf32, #tpu.memory_space<hbm>>
    tpu.wait_dma2 semaphore(%arg12 : memref<!tpu.dma_semaphore, #tpu.memory_space<semaphore_mem>>) src(%dma_wait3A_145 : memref<64x32xf32, #tpu.memory_space<hbm>>) dst(%dma_wait3A_142 : memref<64x32xf32, #tpu.memory_space<vmem>>)
    %dma_wait3A_146 = arith.constant 64 : i32
    %dma_wait3A_147 = arith.constant 0 : i32
    %dma_wait3A_148 = tpu.memref_slice %arg10[%dma_wait3A_146, %dma_wait3A_147] : memref<256x32xf32, #tpu.memory_space<vmem>> -> memref<64x32xf32, #tpu.memory_space<vmem>>
    %dma_wait3A_149 = arith.constant 0 : i32
    %dma_wait3A_150 = arith.constant 0 : i32
    %dma_wait3A_151 = tpu.memref_slice %arg4[%dma_wait3A_149, %dma_wait3A_150] : memref<1000000x32xf32, #tpu.memory_space<hbm>> -> memref<64x32xf32, #tpu.memory_space<hbm>>
    %dma_wait3A_152 = arith.constant 64 : i32
    %dma_wait3A_153 = arith.constant 0 : i32
    %dma_wait3A_154 = tpu.memref_slice %arg10[%dma_wait3A_152, %dma_wait3A_153] : memref<256x32xf32, #tpu.memory_space<vmem>> -> memref<64x32xf32, #tpu.memory_space<vmem>>
    %dma_wait3A_155 = arith.constant 0 : i32
    %dma_wait3A_156 = arith.constant 0 : i32
    %dma_wait3A_157 = tpu.memref_slice %arg4[%dma_wait3A_155, %dma_wait3A_156] : memref<1000000x32xf32, #tpu.memory_space<hbm>> -> memref<64x32xf32, #tpu.memory_space<hbm>>
    tpu.wait_dma2 semaphore(%arg13 : memref<!tpu.dma_semaphore, #tpu.memory_space<semaphore_mem>>) src(%dma_wait3A_157 : memref<64x32xf32, #tpu.memory_space<hbm>>) dst(%dma_wait3A_154 : memref<64x32xf32, #tpu.memory_space<vmem>>)
    %dma_wait3A_158 = arith.constant 64 : i32
    %dma_wait3A_159 = arith.constant 0 : i32
    %dma_wait3A_160 = tpu.memref_slice %arg11[%dma_wait3A_158, %dma_wait3A_159] : memref<256x32xf32, #tpu.memory_space<vmem>> -> memref<64x32xf32, #tpu.memory_space<vmem>>
    %dma_wait3A_161 = arith.constant 0 : i32
    %dma_wait3A_162 = arith.constant 0 : i32
    %dma_wait3A_163 = tpu.memref_slice %arg5[%dma_wait3A_161, %dma_wait3A_162] : memref<1000000x32xf32, #tpu.memory_space<hbm>> -> memref<64x32xf32, #tpu.memory_space<hbm>>
    %dma_wait3A_164 = arith.constant 64 : i32
    %dma_wait3A_165 = arith.constant 0 : i32
    %dma_wait3A_166 = tpu.memref_slice %arg11[%dma_wait3A_164, %dma_wait3A_165] : memref<256x32xf32, #tpu.memory_space<vmem>> -> memref<64x32xf32, #tpu.memory_space<vmem>>
    %dma_wait3A_167 = arith.constant 0 : i32
    %dma_wait3A_168 = arith.constant 0 : i32
    %dma_wait3A_169 = tpu.memref_slice %arg5[%dma_wait3A_167, %dma_wait3A_168] : memref<1000000x32xf32, #tpu.memory_space<hbm>> -> memref<64x32xf32, #tpu.memory_space<hbm>>
    tpu.wait_dma2 semaphore(%arg13 : memref<!tpu.dma_semaphore, #tpu.memory_space<semaphore_mem>>) src(%dma_wait3A_169 : memref<64x32xf32, #tpu.memory_space<hbm>>) dst(%dma_wait3A_166 : memref<64x32xf32, #tpu.memory_space<vmem>>)
    %dma_wait3A_170 = arith.constant 128 : i32
    %dma_wait3A_171 = arith.constant 0 : i32
    %dma_wait3A_172 = tpu.memref_slice %arg10[%dma_wait3A_170, %dma_wait3A_171] : memref<256x32xf32, #tpu.memory_space<vmem>> -> memref<64x32xf32, #tpu.memory_space<vmem>>
    %dma_wait3A_173 = arith.constant 0 : i32
    %dma_wait3A_174 = arith.constant 0 : i32
    %dma_wait3A_175 = tpu.memref_slice %arg4[%dma_wait3A_173, %dma_wait3A_174] : memref<1000000x32xf32, #tpu.memory_space<hbm>> -> memref<64x32xf32, #tpu.memory_space<hbm>>
    %dma_wait3A_176 = arith.constant 128 : i32
    %dma_wait3A_177 = arith.constant 0 : i32
    %dma_wait3A_178 = tpu.memref_slice %arg10[%dma_wait3A_176, %dma_wait3A_177] : memref<256x32xf32, #tpu.memory_space<vmem>> -> memref<64x32xf32, #tpu.memory_space<vmem>>
    %dma_wait3A_179 = arith.constant 0 : i32
    %dma_wait3A_180 = arith.constant 0 : i32
    %dma_wait3A_181 = tpu.memref_slice %arg4[%dma_wait3A_179, %dma_wait3A_180] : memref<1000000x32xf32, #tpu.memory_space<hbm>> -> memref<64x32xf32, #tpu.memory_space<hbm>>
    tpu.wait_dma2 semaphore(%arg14 : memref<!tpu.dma_semaphore, #tpu.memory_space<semaphore_mem>>) src(%dma_wait3A_181 : memref<64x32xf32, #tpu.memory_space<hbm>>) dst(%dma_wait3A_178 : memref<64x32xf32, #tpu.memory_space<vmem>>)
    %dma_wait3A_182 = arith.constant 128 : i32
    %dma_wait3A_183 = arith.constant 0 : i32
    %dma_wait3A_184 = tpu.memref_slice %arg11[%dma_wait3A_182, %dma_wait3A_183] : memref<256x32xf32, #tpu.memory_space<vmem>> -> memref<64x32xf32, #tpu.memory_space<vmem>>
    %dma_wait3A_185 = arith.constant 0 : i32
    %dma_wait3A_186 = arith.constant 0 : i32
    %dma_wait3A_187 = tpu.memref_slice %arg5[%dma_wait3A_185, %dma_wait3A_186] : memref<1000000x32xf32, #tpu.memory_space<hbm>> -> memref<64x32xf32, #tpu.memory_space<hbm>>
    %dma_wait3A_188 = arith.constant 128 : i32
    %dma_wait3A_189 = arith.constant 0 : i32
    %dma_wait3A_190 = tpu.memref_slice %arg11[%dma_wait3A_188, %dma_wait3A_189] : memref<256x32xf32, #tpu.memory_space<vmem>> -> memref<64x32xf32, #tpu.memory_space<vmem>>
    %dma_wait3A_191 = arith.constant 0 : i32
    %dma_wait3A_192 = arith.constant 0 : i32
    %dma_wait3A_193 = tpu.memref_slice %arg5[%dma_wait3A_191, %dma_wait3A_192] : memref<1000000x32xf32, #tpu.memory_space<hbm>> -> memref<64x32xf32, #tpu.memory_space<hbm>>
    tpu.wait_dma2 semaphore(%arg14 : memref<!tpu.dma_semaphore, #tpu.memory_space<semaphore_mem>>) src(%dma_wait3A_193 : memref<64x32xf32, #tpu.memory_space<hbm>>) dst(%dma_wait3A_190 : memref<64x32xf32, #tpu.memory_space<vmem>>)
    %dma_wait3A_194 = arith.constant 192 : i32
    %dma_wait3A_195 = arith.constant 0 : i32
    %dma_wait3A_196 = tpu.memref_slice %arg10[%dma_wait3A_194, %dma_wait3A_195] : memref<256x32xf32, #tpu.memory_space<vmem>> -> memref<64x32xf32, #tpu.memory_space<vmem>>
    %dma_wait3A_197 = arith.constant 0 : i32
    %dma_wait3A_198 = arith.constant 0 : i32
    %dma_wait3A_199 = tpu.memref_slice %arg4[%dma_wait3A_197, %dma_wait3A_198] : memref<1000000x32xf32, #tpu.memory_space<hbm>> -> memref<64x32xf32, #tpu.memory_space<hbm>>
    %dma_wait3A_200 = arith.constant 192 : i32
    %dma_wait3A_201 = arith.constant 0 : i32
    %dma_wait3A_202 = tpu.memref_slice %arg10[%dma_wait3A_200, %dma_wait3A_201] : memref<256x32xf32, #tpu.memory_space<vmem>> -> memref<64x32xf32, #tpu.memory_space<vmem>>
    %dma_wait3A_203 = arith.constant 0 : i32
    %dma_wait3A_204 = arith.constant 0 : i32
    %dma_wait3A_205 = tpu.memref_slice %arg4[%dma_wait3A_203, %dma_wait3A_204] : memref<1000000x32xf32, #tpu.memory_space<hbm>> -> memref<64x32xf32, #tpu.memory_space<hbm>>
    tpu.wait_dma2 semaphore(%arg15 : memref<!tpu.dma_semaphore, #tpu.memory_space<semaphore_mem>>) src(%dma_wait3A_205 : memref<64x32xf32, #tpu.memory_space<hbm>>) dst(%dma_wait3A_202 : memref<64x32xf32, #tpu.memory_space<vmem>>)
    %dma_wait3A_206 = arith.constant 192 : i32
    %dma_wait3A_207 = arith.constant 0 : i32
    %dma_wait3A_208 = tpu.memref_slice %arg11[%dma_wait3A_206, %dma_wait3A_207] : memref<256x32xf32, #tpu.memory_space<vmem>> -> memref<64x32xf32, #tpu.memory_space<vmem>>
    %dma_wait3A_209 = arith.constant 0 : i32
    %dma_wait3A_210 = arith.constant 0 : i32
    %dma_wait3A_211 = tpu.memref_slice %arg5[%dma_wait3A_209, %dma_wait3A_210] : memref<1000000x32xf32, #tpu.memory_space<hbm>> -> memref<64x32xf32, #tpu.memory_space<hbm>>
    %dma_wait3A_212 = arith.constant 192 : i32
    %dma_wait3A_213 = arith.constant 0 : i32
    %dma_wait3A_214 = tpu.memref_slice %arg11[%dma_wait3A_212, %dma_wait3A_213] : memref<256x32xf32, #tpu.memory_space<vmem>> -> memref<64x32xf32, #tpu.memory_space<vmem>>
    %dma_wait3A_215 = arith.constant 0 : i32
    %dma_wait3A_216 = arith.constant 0 : i32
    %dma_wait3A_217 = tpu.memref_slice %arg5[%dma_wait3A_215, %dma_wait3A_216] : memref<1000000x32xf32, #tpu.memory_space<hbm>> -> memref<64x32xf32, #tpu.memory_space<hbm>>
    tpu.wait_dma2 semaphore(%arg15 : memref<!tpu.dma_semaphore, #tpu.memory_space<semaphore_mem>>) src(%dma_wait3A_217 : memref<64x32xf32, #tpu.memory_space<hbm>>) dst(%dma_wait3A_214 : memref<64x32xf32, #tpu.memory_space<vmem>>)
    %add3A_218 = arith.constant 256 : i32
    %add3A_219 = arith.addi %mul3A_2, %add3A_218 : i32
    %add3A_220 = arith.constant 256 : i32
    %add3A_221 = arith.addi %mul3A_2, %add3A_220 : i32
    %dma_start3A_222 = arith.constant 0 : i32
    %dma_start3A_223 = tpu.memref_slice %arg6[%add3A_219, %dma_start3A_222] : memref<16384x32xf32, #tpu.memory_space<hbm>> -> memref<256x32xf32, #tpu.memory_space<hbm>>
    %dma_start3A_224 = arith.constant 0 : i32
    %dma_start3A_225 = tpu.memref_slice %arg6[%add3A_219, %dma_start3A_224] : memref<16384x32xf32, #tpu.memory_space<hbm>> -> memref<256x32xf32, #tpu.memory_space<hbm>>
    tpu.enqueue_dma source(%arg10 : memref<256x32xf32, #tpu.memory_space<vmem>>) target(%dma_start3A_225 : memref<256x32xf32, #tpu.memory_space<hbm>>) target_semaphore(%arg16 : memref<!tpu.dma_semaphore, #tpu.memory_space<semaphore_mem>>)
    %dma_start3A_226 = arith.constant 0 : i32
    %dma_start3A_227 = tpu.memref_slice %arg7[%add3A_221, %dma_start3A_226] : memref<16384x32xf32, #tpu.memory_space<hbm>> -> memref<256x32xf32, #tpu.memory_space<hbm>>
    %dma_start3A_228 = arith.constant 0 : i32
    %dma_start3A_229 = tpu.memref_slice %arg7[%add3A_221, %dma_start3A_228] : memref<16384x32xf32, #tpu.memory_space<hbm>> -> memref<256x32xf32, #tpu.memory_space<hbm>>
    tpu.enqueue_dma source(%arg11 : memref<256x32xf32, #tpu.memory_space<vmem>>) target(%dma_start3A_229 : memref<256x32xf32, #tpu.memory_space<hbm>>) target_semaphore(%arg16 : memref<!tpu.dma_semaphore, #tpu.memory_space<semaphore_mem>>)
    %dma_wait3A_230 = arith.constant 0 : i32
    %dma_wait3A_231 = tpu.memref_slice %arg6[%add3A_219, %dma_wait3A_230] : memref<16384x32xf32, #tpu.memory_space<hbm>> -> memref<256x32xf32, #tpu.memory_space<hbm>>
    %dma_wait3A_232 = arith.constant 0 : i32
    %dma_wait3A_233 = tpu.memref_slice %arg6[%add3A_219, %dma_wait3A_232] : memref<16384x32xf32, #tpu.memory_space<hbm>> -> memref<256x32xf32, #tpu.memory_space<hbm>>
    tpu.wait_dma2 semaphore(%arg16 : memref<!tpu.dma_semaphore, #tpu.memory_space<semaphore_mem>>) src(%arg10 : memref<256x32xf32, #tpu.memory_space<vmem>>) dst(%dma_wait3A_233 : memref<256x32xf32, #tpu.memory_space<hbm>>)
    %dma_wait3A_234 = arith.constant 0 : i32
    %dma_wait3A_235 = tpu.memref_slice %arg7[%add3A_221, %dma_wait3A_234] : memref<16384x32xf32, #tpu.memory_space<hbm>> -> memref<256x32xf32, #tpu.memory_space<hbm>>
    %dma_wait3A_236 = arith.constant 0 : i32
    %dma_wait3A_237 = tpu.memref_slice %arg7[%add3A_221, %dma_wait3A_236] : memref<16384x32xf32, #tpu.memory_space<hbm>> -> memref<256x32xf32, #tpu.memory_space<hbm>>
    tpu.wait_dma2 semaphore(%arg16 : memref<!tpu.dma_semaphore, #tpu.memory_space<semaphore_mem>>) src(%arg11 : memref<256x32xf32, #tpu.memory_space<vmem>>) dst(%dma_wait3A_237 : memref<256x32xf32, #tpu.memory_space<hbm>>)
    return
  }
}

</mosaic_0001>

<sc_bundles>
// kernel: kernel.3.cloned.1.call-start
scs
__scs_entry_jumppad:
0x0: {  	(pc) =	sbr.rel $0x88, $3  }
0x1: {  	(tag) =	ssettag $0x0;
	lr =	simm.s32 $0x1  }
0x2: {  	[smem:$0x3F9D] =	sst lr;
	_ =	strace $0xD0000000  }
0x3: {  	_ = 	snop  }
0x4: {  	_ = 	snop  }
0x5: {  	_ = 	snop  }
0x6: {  	_ = 	snop  }
0x7: {  	_ = 	snop  }
__scs_overlays_trampoline_lowered:
0x8: {  	[smem:$0x3FAC] =	sst s0  }
0x9: {  	[smem:$0x3FAD] =	sst s1  }
0xa: {  	[smem:$0x3FAE] =	sst s2  }
0xb: {  	[smem:$0x3FAF] =	sst s3  }
0xc: {  	[smem:$0x3FB0] =	sst s4  }
0xd: {  	[smem:$0x3FB1] =	sst s5  }
0xe: {  	[smem:$0x3FB2] =	sst s6  }
0xf: {  	[smem:$0x3FB3] =	sst s7  }
0x10: {  	[smem:$0x3FB4] =	sst s8  }
0x11: {  	[smem:$0x3FB5] =	sst s9;
	s0 =	simm.s32 @!p0 $0x0  }
0x12: {  	s1 =	sld [smem:$0x3F9B];
	s0 =	simm.s32 @p0 $0x1  }
0x13: {  	[smem:$0x3FB6] =	sst s0;
	s0 =	simm.s32 @!p1 $0x0  }
0x14: {  	s2 =	sld [smem:$0x3F9A];
	s0 =	simm.s32 @p1 $0x1  }
0x15: {  	[smem:$0x3FB7] =	sst s0;
	s0 =	simm.s32 @!p2 $0x0  }
0x16: {  	s3 =	sld [smem:$0x3FDB];
	s0 =	simm.s32 @p2 $0x1  }
0x17: {  	s4 =	simm.s32 $0x1BF5;
	[smem:$0x3FB9] =	sst s0  }
0x18: {  	s0 =	sld [smem:$0x3F9C];
	_ =	swait.ge [sflag:s4], $0x0  }
0x19: {  	s7 =	sld [smem:$0x3F9D]  }
0x1a: {  	s8 =	sadd.s32 $0xFFFFE003, lr  }
0x1b: {  	s9 =	sadd.s32 $0xFFFFFEF7, lr;
	s5 =	simm.s32 $0xFFFFFFFF;
	p2 =	slt.u32 s8, $0xFFFFF086  }
0x1c: {  	p1 =	slt.u32 s9, $0xF7A;
	s5 =	simm.s32 @!p2 $0x0  }
0x1d: {  	s5 =	simm.s32 @p1 $0x1;
	p0 =	seq.s32 s7, s2  }
0x1e: {  	s7 =	smul.u32 @!p0 $0xF7A, s2;
	p2 =	seq.s32 @!p0 s5, $0x0  }
0x1f: {  	s9 =	smul.u32 $0xF7A, s1;
	s8 =	simm.s32 @!p0 $0x1BF5;
	p2 =	por !p2, p0  }
0x20: {  	[sflag:s8] =	ssyncset.s32 @!p0 $0xFFFFF086;
	s6 =	sadd.s32 @!p0 s3, s7;
	s7 =	simm.s32 @!p0 $0x108  }
0x21: {  	s3 =	sadd.s32 s3, s9;
	s6 =	sadd.s32 @!p0 $0x88, s6;
	s7 =	simm.s32 @p2 $0x1082  }
0x22: {  	[simem:s7], [sflag:s8] =	dma.local @!p0 [hbm:s6], $0xF7A  }
0x23: {  	s9 =	sor.u32 $0xD0000000, s2;
	s6 =	simm.s32 $0x108;
	_ =	swait.ge @!p0 [sflag:s8], $0x0  }
0x24: {  	s3 =	sadd.s32 $0x88, s3;
	s6 =	simm.s32 @!p1 $0x1082;
	[sflag:s4] =	ssyncset.s32 $0xFFFFF086  }
0x25: {  	[simem:s6], [sflag:s4] =	dma.local [hbm:s3], $0xF7A  }
0x26: {  	[smem:$0x3F9D] =	sst s1;
	(tag) =	ssettag s2;
	_ =	strace s9  }
0x27: {  	s1 =	sld [smem:$0x3FAD]  }
0x28: {  	s2 =	sld [smem:$0x3FAE]  }
0x29: {  	s4 =	sld [smem:$0x3FB0]  }
0x2a: {  	p0 =	seq.s32 s5, $0x0;
	s5 =	sld [smem:$0x3FB1]  }
0x2b: {  	s6 =	sld [smem:$0x3FB2]  }
0x2c: {  	s7 =	sld [smem:$0x3FB3]  }
0x2d: {  	s3 =	simm.s32 $0x108;
	s8 =	sld [smem:$0x3FB4]  }
0x2e: {  	s3 =	simm.s32 @!p0 $0x1082;
	s9 =	sld [smem:$0x3FB5]  }
0x2f: {  	lr =	sadd.s32 s0, s3;
	s0 =	sld [smem:$0x3FAC]  }
0x30: {  	s3 =	sld [smem:$0x3FAF]  }
0x31: {  	[smem:$0x3FB8] =	sst s10  }
0x32: {  	s10 =	sld [smem:$0x3FB6];
	_ =	sdelay $0x3  }
0x33: {  	p0 =	seq.s32 s10, $0x1;
	s10 =	sld [smem:$0x3FB8];
	_ =	sdelay $0x3  }
0x34: {  	[smem:$0x3FB8] =	sst s10  }
0x35: {  	s10 =	sld [smem:$0x3FB7];
	_ =	sdelay $0x3  }
0x36: {  	p1 =	seq.s32 s10, $0x1;
	s10 =	sld [smem:$0x3FB8];
	_ =	sdelay $0x3  }
0x37: {  	[smem:$0x3FB8] =	sst s10  }
0x38: {  	s10 =	sld [smem:$0x3FB9]  }
0x39: {  	_ = 	snop;
	(pc) =	sbr.ind lr, $3  }
0x3a: {  	_ = 	snop  }
0x3b: {  	_ = 	snop  }
0x3c: {  	p2 =	seq.s32 s10, $0x1;
	s10 =	sld [smem:$0x3FB8]  }
0x3d: {  	_ =	shalt  }
0x3e: {  	_ =	shalt  }
0x3f: {  	_ =	shalt  }
0x40: {  	_ =	shalt  }
0x41: {  	_ =	shalt  }
0x42: {  	_ =	shalt  }
0x43: {  	_ =	shalt  }
0x44: {  	_ =	shalt  }
0x45: {  	_ =	shalt  }
0x46: {  	_ =	shalt  }
0x47: {  	_ =	shalt  }
0x48: {  	_ =	shalt  }
0x49: {  	_ =	shalt  }
0x4a: {  	_ =	shalt  }
0x4b: {  	_ =	shalt  }
0x4c: {  	_ =	shalt  }
0x4d: {  	_ =	shalt  }
0x4e: {  	_ =	shalt  }
0x4f: {  	_ =	shalt  }
0x50: {  	_ =	shalt  }
0x51: {  	_ =	shalt  }
0x52: {  	_ =	shalt  }
0x53: {  	_ =	shalt  }
0x54: {  	_ =	shalt  }
0x55: {  	_ =	shalt  }
0x56: {  	_ =	shalt  }
0x57: {  	_ =	shalt  }
0x58: {  	_ =	shalt  }
0x59: {  	_ =	shalt  }
0x5a: {  	_ =	shalt  }
0x5b: {  	_ =	shalt  }
0x5c: {  	_ =	shalt  }
0x5d: {  	_ =	shalt  }
0x5e: {  	_ =	shalt  }
0x5f: {  	_ =	shalt  }
0x60: {  	_ =	shalt  }
0x61: {  	_ =	shalt  }
0x62: {  	_ =	shalt  }
0x63: {  	_ =	shalt  }
0x64: {  	_ =	shalt  }
0x65: {  	_ =	shalt  }
0x66: {  	_ =	shalt  }
0x67: {  	_ =	shalt  }
0x68: {  	_ =	shalt  }
0x69: {  	_ =	shalt  }
0x6a: {  	_ =	shalt  }
0x6b: {  	_ =	shalt  }
0x6c: {  	_ =	shalt  }
0x6d: {  	_ =	shalt  }
0x6e: {  	_ =	shalt  }
0x6f: {  	_ =	shalt  }
0x70: {  	_ =	shalt  }
0x71: {  	_ =	shalt  }
0x72: {  	_ =	shalt  }
0x73: {  	_ =	shalt  }
0x74: {  	_ =	shalt  }
0x75: {  	_ =	shalt  }
0x76: {  	_ =	shalt  }
0x77: {  	_ =	shalt  }
0x78: {  	_ =	shalt  }
0x79: {  	_ =	shalt  }
0x7a: {  	_ =	shalt  }
0x7b: {  	_ =	shalt  }
0x7c: {  	_ =	shalt  }
0x7d: {  	_ =	shalt  }
0x7e: {  	_ =	shalt  }
0x7f: {  	_ =	shalt  }
0x80: {  	_ =	shalt  }
0x81: {  	_ =	shalt  }
0x82: {  	_ =	shalt  }
0x83: {  	_ =	shalt  }
0x84: {  	_ =	shalt  }
0x85: {  	_ =	shalt  }
0x86: {  	_ =	shalt  }
0x87: {  	_ =	shalt  }
.Lfunc_end0:
.L_simem_size_0:
called_computation_lowered:
.L_overlay_start_0:
0x88: {  	s2 =	sld [smem:$0x3FD9]  }
0x89: {  	s3 =	sld [smem:$0x3FFE];
	_ =	sdelay $0x1  }
0x8a: {  	s1 =	srdreg.scid  }
0x8b: {  	s0 =	sand.u32 $0x1, s1  }
0x8c: {  	s17 =	sshll.u32 s0, $0xA;
	s2 =	sadd.s32 s3, s2  }
0x8d: {  	s2 =	sadd.s32 s2, s17  }
0x8e: {  	[smem:$0x3FC4] =	sst s2  }
0x8f: {  	_ = 	snop  }
0x90: {  	s2 =	sld [smem:$0x3FC9]  }
0x91: {  	s18 =	sld [smem:$0x3FC8];
	(tm) =	ssettm $0x1  }
0x92: {  	s4 =	sld [smem:$0x3FFB];
	_ =	sdelay $0x3  }
0x93: {  	_ =	strace s4  }
0x94: {  	s4 =	sld [smem:$0x3FFC];
	_ =	sdelay $0x3  }
0x95: {  	_ =	strace s4  }
0x96: {  	s4 =	sld [smem:$0x3FFD];
	_ =	sdelay $0x3  }
0x97: {  	_ =	strace s4  }
0x98: {  	_ =	strace $0x8FFFFFFF  }
0x99: {  	s19 =	sld [smem:$0x3FDB];
	_ =	sdelay $0x1  }
0x9a: {  	s5 =	simm.s32 $_scs_section_size  }
0x9b: {  	s6 =	simm.s32 $_size__tile_overlayer_lowered;
	s7 =	simm.s32 $_tile_overlayer_lowered  }
0x9c: {  	s22 =	simm.s32 $0x1BFF;
	s21 =	sshll.u32 s7, $0x1;
	s4 =	sadd.s32 s5, s19  }
0x9d: {  	s8 =	simm.s32 $0x0;
	s20 =	sshll.u32 s6, $0x1;
	s6 =	sadd.s32 s21, s4  }
0x9e: {  	[timem:s8], [sflag:s22] =	dma.local [hbm:s6], s20  }
0x9f: {  	_ =	swait.ge [sflag:s22], s20  }
0xa0: {  	s5 =	ssub.s32 $0x0, s20;
	[sflag:s22] =	ssyncset.done $0x0  }
0xa1: {  	[sflag:s22] =	ssyncadd.s32 s5;
	_ =	sdelay $0x1  }
0xa2: {  	s23 =	simm.s32 $0x1B8B  }
0xa3: {  	_ =	swait.ge [sflag:s23], $0x1  }
0xa4: {  	[sflag:s23] =	ssyncset.done $0x0  }
0xa5: {  	s25 =	simm.s32 $0x1B8E;
	s24 =	sld [smem:$0x3FFE];
	[sflag:s23] =	ssyncadd.s32 $0xFFFFFFFF  }
0xa6: {  	s26 =	simm.s32 $execute0_lowered;
	[smem:$0x3FD2] =	sst s25  }
0xa7: {  	s6 =	sshll.u32 s26, $0x1;
	_ =	strace $0x80000046;
	[dreg:$0x1] =	wrdreg $0xFFFFFFFF  }
0xa8: {  	s28 =	simm.s32 $_size_execute0_lowered;
	s4 =	sadd.s32 s4, s6;
	[dreg:$0x0] =	wrdreg $0x0  }
0xa9: {  	s6 =	sshll.u32 s28, $0x1;
	[dreg:$0x2] =	wrdreg s4  }
0xaa: {  	[dreg:$0x3] =	wrdreg s6  }
0xab: {  	[dreg:$0x4] =	wrdreg $0xC0  }
0xac: {  	_ =	task [dreg:s8], $0x5FFFF  }
0xad: {  	[dreg:$0x1] =	wrdreg $0xFFFFFFFF  }
0xae: {  	[dreg:$0x0] =	wrdreg $0x60  }
0xaf: {  	[dreg:$0x2] =	wrdreg s2  }
0xb0: {  	[dreg:$0x3] =	wrdreg s18  }
0xb1: {  	[dreg:$0x4] =	wrdreg s24  }
0xb2: {  	[dreg:$0x5] =	wrdreg $0x9  }
0xb3: {  	_ =	task.clear_ibuf [dreg:s8], $0x6FFFF;
	_ =	strace $0x90000046  }
0xb4: {  	s29 =	simm.s32 $0x9;
	_ =	strace $0x80000048  }
0xb5: {  	_ =	swait.ge [sflag:s29], $0x1  }
0xb6: {  	[sflag:s29] =	ssyncadd.s32 $0xFFFFFFFF  }
0xb7: {  	_ =	strace $0x90000048  }
0xb8: {  	_ =	sfence  }
0xb9: {  	s30 =	sld [smem:$0x0];
	_ =	sdelay $0x2  }
0xba: {  	s31 =	sshll.u32 s1, $0xD;
	s1 =	sshrl.u32 s1, $0x2  }
0xbb: {  	s3 =	sand.u32 $0x4000, s31;
	s1 =	sadd.s32 s1, s30  }
0xbc: {  	s0 =	sor.u32 s3, s0;
	s1 =	sshll.u32 s1, $0x11  }
0xbd: {  	s0 =	sor.u32 s1, s0  }
0xbe: {  	s0 =	sadd.s32 $0x8F2B, s0  }
0xbf: {  	[sflag:s0] =	ssyncadd.remote.s32 $0x1  }
0xc0: {  	_ =	sfence.sel $0xFFFF  }
0xc1: {  	[dreg:$0x0] =	wrdreg $0xFFFFFFFF;
	(pc) =	sbr.abs _section_cstart, $3  }
0xc2: {  	[dreg:$0x1] =	wrdreg $0xFFFFFFFF  }
0xc3: {  	_ =	task.clear_ibuf [dreg:s8], $0x2FFFF;
	_ =	strace $0x9FFFFFFF  }
0xc4: {  	(tm) =	ssettm $0x7FFFFFFF  }
0xc5: {  	_ =	shalt  }
tec
execute0_lowered:
.L_overlay_start_1:
0x0: {  	(tag) =	ssettag $0x1  }
0x1: {  	s0 =	rddreg [dreg:$0x0]  }
0x2: {  	s2 =	rddreg [dreg:$0x1]  }
0x3: {  	s5 =	rddreg [dreg:$0x2];
	s6 =	srdreg.scid  }
0x4: {  	s18 =	simm.s32 $0x0;
	s1 =	stileid.u32;
	s6 =	sand.u32 $0x1, s6  }
0x5: {  	s8 =	sshll.u32 s1, $0xA;
	s7 =	ssub.s32 $0x2, s6;
	s6 =	sshll.u32 s6, $0x9  }
0x6: {  	[smem:$0x7FF] =	sst s18;
	s3 =	sadd.s32 $0x800, s5;
	s6 =	sor.u32 s6, s8  }
0x7: {  	s4 =	sadd.s32 $0xF42C00, s5;
	s9 =	sadd.s32 $0x1E85000, s5;
	s8 =	sshrl.u32 s6, $0x3  }
0x8: {  	s5 =	sadd.s32 $0x1EC5000, s5;
	_ =	strace $0x80000047;
	s0 =	sadd.s32 s0, s8  }
0x9: {  	s26 =	sshll.u32 s6, $0x4;
	s25 =	sadd.s32 s2, s8;
	[dreg:$0x10] =	wrdreg s0  }
0xa: {  	s10 =	sshrl.u32 s7, $0x1;
	s28 =	sadd.s32 s9, s26;
	[dreg:$0x11] =	wrdreg s25  }
0xb: {  	s7 =	ssub.s32 s7, s10;
	s29 =	sadd.s32 s5, s26;
	[dreg:$0x12] =	wrdreg s28  }
0xc: {  	s31 =	smax.u32 s7, $0x1;
	[dreg:$0x13] =	wrdreg s29;
	s0 =	sor.u32 $0x1000, s26  }
0xd: {  	[dreg:$0x16] =	wrdreg s31;
	s30 =	sadd.s32 s9, s0  }
0xe: {  	s0 =	sadd.s32 s5, s0;
	[dreg:$0x14] =	wrdreg s30  }
0xf: {  	s2 =	simm.s32 $0x0;
	[dreg:$0x15] =	wrdreg s0  }
.LBB2_1:
0x10: {  	[dreg:$0x17] =	wrdreg s2  }
0x11: {  	s0 =	rddreg [dreg:$0x10];
	s21 =	simm.s32 $0x6  }
0x12: {  	[tilespmem:s18], [sflag:$0x6] =	stream.linear.gather [hbm4b:s0+s18], $0x200, $0x38;
	[tilespmem:$0x10400] =	vst v63  }
0x13: {  	_ =	swait.ge [sflag:s21], $0x200  }
0x14: {  	[sflag:s21] =	ssyncset.done $0x0  }
0x15: {  	s22 =	simm.s32 $0x200;
	s1 =	rddreg [dreg:$0x11];
	[sflag:s21] =	ssyncadd.s32 $0xFFFFFE00  }
0x16: {  	[tilespmem:s22], [sflag:$0x6] =	stream.linear.gather [hbm4b:s1+s18], $0x200, $0x38;
	[tilespmem:$0x10400] =	vst v63  }
0x17: {  	_ =	swait.ge [sflag:s21], $0x200  }
0x18: {  	[sflag:s21] =	ssyncset.done $0x0  }
0x19: {  	[sflag:s21] =	ssyncadd.s32 $0xFFFFFE00  }
0x1a: {  	v0 =	vld [tilespmem:s18+$0x0]  }
0x1b: {  	v2 =	vld [tilespmem:s22+$0x0];
	_ =	sdelay $0x3  }
0x1c: {  	v1 =	vshll.u32 v0, $0x4  }
0x1d: {  	v0 =	vshll.u32 v2, $0x4;
	(v2sf) =	vpush v1, $0x0  }
0x1e: {  	(v2sf) =	vpush v0, $0x0  }
0x1f: {  	(v2sf) =	vpush v1, $0x1;
	_ =	sdelay $0x1  }
0x20: {  	(v2sf) =	vpush v0, $0x1  }
0x21: {  	(v2sf) =	vpush v1, $0x2;
	_ =	sdelay $0x1  }
0x22: {  	(v2sf) =	vpush v0, $0x2;
	_ =	sdelay $0x1  }
0x23: {  	(v2sf) =	vpush v1, $0x3;
	_ =	sdelay $0x2  }
0x24: {  	s10 =	simm.s32 $0x2000;
	s2 =	simm.s32 $0xA00;
	s5 =	simm.s32 $0x8900  }
0x25: {  	s7 =	simm.s32 $0x400;
	s23 =	simm.s32 $0x8400;
	s26 =	simm.s32 $0x480  }
0x26: {  	s30 =	simm.s32 $0x8480;
	s12 =	simm.s32 $0x8500;
	s15 =	simm.s32 $0x580  }
0x27: {  	s17 =	simm.s32 $0x8580;
	s0 =	simm.s32 $0x8A00;
	s6 =	spop (v2sf);
	(v2sf) =	vpush v0, $0x3  }
0x28: {  	s1 =	simm.s32 $0x500;
	s6 =	sand.u32 $0x1FFFFFF0, s6;
	s8 =	spop (v2sf)  }
0x29: {  	(v2sf) =	vpush v1, $0x4;
	s6 =	sadd.s32 s3, s6;
	s24 =	sand.u32 $0x1FFFFFF0, s8;
	s25 =	spop (v2sf)  }
0x2a: {  	(v2sf) =	vpush v0, $0x4;
	[tilespmem:s7], [sflag:$0x1] =	stream.linear.gather [hbm4b:s6+s18], $0x80, $0x38;
	[tilespmem:$0x10400] =	vst v63  }
0x2b: {  	s21 =	simm.s32 $0x600;
	s7 =	sadd.s32 s4, s24;
	s9 =	spop (v2sf)  }
0x2c: {  	s8 =	sand.u32 $0x1FFFFFF0, s25;
	(v2sf) =	vpush v1, $0x5;
	s24 =	simm.s32 $0x8600;
	s31 =	spop (v2sf)  }
0x2d: {  	[tilespmem:s23], [sflag:$0x1] =	stream.linear.gather [hbm4b:s7+s18], $0x80, $0x38;
	[tilespmem:$0x10400] =	vst v63  }
0x2e: {  	s28 =	sadd.s32 s3, s8;
	s29 =	sand.u32 $0x1FFFFFF0, s9;
	s9 =	spop (v2sf)  }
0x2f: {  	(v2sf) =	vpush v0, $0x5;
	[tilespmem:s26], [sflag:$0x2] =	stream.linear.gather [hbm4b:s28+s18], $0x80, $0x38;
	[tilespmem:$0x10400] =	vst v63  }
0x30: {  	s8 =	sadd.s32 s4, s29;
	s7 =	sand.u32 $0x1FFFFFF0, s31;
	s11 =	spop (v2sf)  }
0x31: {  	(v2sf) =	vpush v1, $0x6;
	[tilespmem:s30], [sflag:$0x2] =	stream.linear.gather [hbm4b:s8+s18], $0x80, $0x38;
	[tilespmem:$0x10400] =	vst v63  }
0x32: {  	s7 =	sadd.s32 s3, s7;
	s14 =	sand.u32 $0x1FFFFFF0, s11;
	s8 =	sand.u32 $0x1FFFFFF0, s9  }
0x33: {  	(v2sf) =	vpush v0, $0x6;
	[tilespmem:s1], [sflag:$0x3] =	stream.linear.gather [hbm4b:s7+s18], $0x80, $0x38;
	[tilespmem:$0x10400] =	vst v63  }
0x34: {  	s26 =	simm.s32 $0x680;
	s30 =	simm.s32 $0x8680;
	s13 =	sadd.s32 s4, s8  }
0x35: {  	[tilespmem:s12], [sflag:$0x3] =	stream.linear.gather [hbm4b:s13+s18], $0x80, $0x38;
	[tilespmem:$0x10400] =	vst v63  }
0x36: {  	s9 =	simm.s32 $0x700;
	s8 =	sadd.s32 s3, s14;
	s16 =	spop (v2sf)  }
0x37: {  	(v2sf) =	vpush v1, $0x7;
	[tilespmem:s15], [sflag:$0x4] =	stream.linear.gather [hbm4b:s8+s18], $0x80, $0x38;
	[tilespmem:$0x10400] =	vst v63  }
0x38: {  	s12 =	simm.s32 $0x8700;
	s7 =	sand.u32 $0x1FFFFFF0, s16;
	s19 =	spop (v2sf)  }
0x39: {  	s15 =	simm.s32 $0x780;
	(v2sf) =	vpush v0, $0x7;
	s7 =	sadd.s32 s4, s7;
	s20 =	spop (v2sf)  }
0x3a: {  	(v2sf) =	vpush v1, $0x8;
	[tilespmem:s17], [sflag:$0x4] =	stream.linear.gather [hbm4b:s7+s18], $0x80, $0x38;
	[tilespmem:$0x10400] =	vst v63  }
0x3b: {  	s8 =	sand.u32 $0x1FFFFFF0, s19;
	s19 =	simm.s32 $0x8780;
	s25 =	spop (v2sf)  }
0x3c: {  	s22 =	sadd.s32 s3, s8;
	s23 =	sand.u32 $0x1FFFFFF0, s20;
	(v2sf) =	vpush v0, $0x8;
	s7 =	sand.u32 $0x1FFFFFF0, s25  }
0x3d: {  	[tilespmem:s21], [sflag:$0x1] =	stream.linear.gather [hbm4b:s22+s18], $0x80, $0x38;
	[tilespmem:$0x10400] =	vst v63  }
0x3e: {  	s8 =	sadd.s32 s4, s23;
	(v2sf) =	vpush v1, $0x9;
	s28 =	spop (v2sf);
	s7 =	sadd.s32 s3, s7  }
0x3f: {  	[tilespmem:s24], [sflag:$0x1] =	stream.linear.gather [hbm4b:s8+s18], $0x80, $0x38;
	[tilespmem:$0x10400] =	vst v63  }
0x40: {  	s29 =	spop (v2sf);
	(v2sf) =	vpush v0, $0x9;
	s21 =	simm.s32 $0x800;
	s8 =	sand.u32 $0x1FFFFFF0, s28  }
0x41: {  	[tilespmem:s26], [sflag:$0x2] =	stream.linear.gather [hbm4b:s7+s18], $0x80, $0x38;
	[tilespmem:$0x10400] =	vst v63  }
0x42: {  	s1 =	sand.u32 $0x1FFFFFF0, s29;
	s11 =	spop (v2sf);
	(v2sf) =	vpush v1, $0xA;
	s31 =	sadd.s32 s4, s8  }
0x43: {  	[tilespmem:s30], [sflag:$0x2] =	stream.linear.gather [hbm4b:s31+s18], $0x80, $0x38;
	[tilespmem:$0x10400] =	vst v63  }
0x44: {  	(v2sf) =	vpush v0, $0xA;
	s24 =	simm.s32 $0x8800;
	s8 =	sadd.s32 s3, s1;
	s7 =	sand.u32 $0x1FFFFFF0, s11  }
0x45: {  	[tilespmem:s9], [sflag:$0x3] =	stream.linear.gather [hbm4b:s8+s18], $0x80, $0x38;
	[tilespmem:$0x10400] =	vst v63  }
0x46: {  	s28 =	simm.s32 $0x880;
	s7 =	sadd.s32 s4, s7;
	s13 =	spop (v2sf)  }
0x47: {  	[tilespmem:s12], [sflag:$0x3] =	stream.linear.gather [hbm4b:s7+s18], $0x80, $0x38;
	[tilespmem:$0x10400] =	vst v63  }
0x48: {  	s30 =	simm.s32 $0x8880;
	(v2sf) =	vpush v1, $0xB;
	s8 =	sand.u32 $0x1FFFFFF0, s13;
	s14 =	spop (v2sf)  }
0x49: {  	s16 =	sadd.s32 s3, s8;
	s17 =	sand.u32 $0x1FFFFFF0, s14;
	s20 =	spop (v2sf)  }
0x4a: {  	(v2sf) =	vpush v0, $0xB;
	[tilespmem:s15], [sflag:$0x4] =	stream.linear.gather [hbm4b:s16+s18], $0x80, $0x38;
	[tilespmem:$0x10400] =	vst v63  }
0x4b: {  	s8 =	sadd.s32 s4, s17;
	(v2sf) =	vpush v1, $0xC;
	s7 =	sand.u32 $0x1FFFFFF0, s20;
	s22 =	spop (v2sf)  }
0x4c: {  	[tilespmem:s19], [sflag:$0x4] =	stream.linear.gather [hbm4b:s8+s18], $0x80, $0x38;
	[tilespmem:$0x10400] =	vst v63  }
0x4d: {  	s7 =	sadd.s32 s3, s7;
	s23 =	spop (v2sf);
	(v2sf) =	vpush v0, $0xC;
	s8 =	sand.u32 $0x1FFFFFF0, s22  }
0x4e: {  	[tilespmem:s21], [sflag:$0x1] =	stream.linear.gather [hbm4b:s7+s18], $0x80, $0x38;
	[tilespmem:$0x10400] =	vst v63  }
0x4f: {  	s26 =	sand.u32 $0x1FFFFFF0, s23;
	s29 =	spop (v2sf);
	s25 =	sadd.s32 s4, s8  }
0x50: {  	(v2sf) =	vpush v1, $0xD;
	[tilespmem:s24], [sflag:$0x1] =	stream.linear.gather [hbm4b:s25+s18], $0x80, $0x38;
	[tilespmem:$0x10400] =	vst v63  }
0x51: {  	s8 =	sadd.s32 s3, s26;
	(v2sf) =	vpush v0, $0xD;
	s31 =	spop (v2sf);
	s7 =	sand.u32 $0x1FFFFFF0, s29  }
0x52: {  	[tilespmem:s28], [sflag:$0x2] =	stream.linear.gather [hbm4b:s8+s18], $0x80, $0x38;
	[tilespmem:$0x10400] =	vst v63  }
0x53: {  	s1 =	spop (v2sf);
	s7 =	sadd.s32 s4, s7;
	s8 =	sand.u32 $0x1FFFFFF0, s31  }
0x54: {  	[tilespmem:s30], [sflag:$0x2] =	stream.linear.gather [hbm4b:s7+s18], $0x80, $0x38;
	[tilespmem:$0x10400] =	vst v63  }
0x55: {  	(v2sf) =	vpush v1, $0xE;
	s9 =	sand.u32 $0x1FFFFFF0, s1;
	s8 =	sadd.s32 s3, s8;
	s7 =	simm.s32 $0x900  }
0x56: {  	[tilespmem:s7], [sflag:$0x3] =	stream.linear.gather [hbm4b:s8+s18], $0x80, $0x38;
	[tilespmem:$0x10400] =	vst v63  }
0x57: {  	s11 =	simm.s32 $0x980;
	s12 =	spop (v2sf);
	s8 =	sadd.s32 s4, s9  }
0x58: {  	[tilespmem:s5], [sflag:$0x3] =	stream.linear.gather [hbm4b:s8+s18], $0x80, $0x38;
	[tilespmem:$0x10400] =	vst v63  }
0x59: {  	s13 =	simm.s32 $0x8980;
	s7 =	sand.u32 $0x1FFFFFF0, s12;
	s14 =	spop (v2sf)  }
0x5a: {  	s26 =	simm.s32 $0xA80;
	s7 =	sadd.s32 s3, s7;
	s15 =	spop (v2sf)  }
0x5b: {  	[tilespmem:s11], [sflag:$0x4] =	stream.linear.gather [hbm4b:s7+s18], $0x80, $0x38;
	[tilespmem:$0x10400] =	vst v63  }
0x5c: {  	s30 =	simm.s32 $0x8A80;
	s8 =	sand.u32 $0x1FFFFFF0, s14;
	s19 =	spop (v2sf)  }
0x5d: {  	s16 =	sadd.s32 s4, s8;
	s17 =	sand.u32 $0x1FFFFFF0, s15;
	s21 =	sand.u32 $0x1FFFFFF0, s19  }
0x5e: {  	[tilespmem:s13], [sflag:$0x4] =	stream.linear.gather [hbm4b:s16+s18], $0x80, $0x38;
	[tilespmem:$0x10400] =	vst v63  }
0x5f: {  	s20 =	sadd.s32 s3, s17;
	s22 =	spop (v2sf);
	s23 =	sadd.s32 s4, s21  }
0x60: {  	s24 =	sand.u32 $0x1FFFFFF0, s22;
	s25 =	spop (v2sf);
	s22 =	simm.s32 $0x0  }
0x61: {  	[tilespmem:s2], [sflag:$0x1] =	stream.linear.gather [hbm4b:s20+s18], $0x80, $0x38;
	[tilespmem:$0x10400] =	vst v63  }
0x62: {  	s28 =	sadd.s32 s3, s24;
	s29 =	sand.u32 $0x1FFFFFF0, s25;
	s24 =	simm.s32 $0x210  }
0x63: {  	[tilespmem:s0], [sflag:$0x1] =	stream.linear.gather [hbm4b:s23+s18], $0x80, $0x38;
	[tilespmem:$0x10400] =	vst v63  }
0x64: {  	(v2sf) =	vpush v0, $0xE;
	s25 =	simm.s32 $0x4000;
	s5 =	spop (v2sf);
	s31 =	sadd.s32 s4, s29  }
0x65: {  	(v2sf) =	vpush v1, $0xF;
	[tilespmem:s26], [sflag:$0x2] =	stream.linear.gather [hbm4b:s28+s18], $0x80, $0x38;
	[tilespmem:$0x10400] =	vst v63  }
0x66: {  	(v2sf) =	vpush v0, $0xF;
	v0 =	vld [tilespmem:s24+$0x0];
	s2 =	simm.s32 $0xB00;
	s23 =	simm.s32 $0x10;
	s0 =	simm.s32 $0x8B00  }
0x67: {  	v1 =	vld [tilespmem:s23+$0x0];
	[tilespmem:s30], [sflag:$0x2] =	stream.linear.gather [hbm4b:s31+s18], $0x80, $0x38  }
.LBB2_2:
0x68: {  	_ =	sdelay $0x6  }
0x69: {  	p0 =	sne.s32 s25, $0x1E000  }
0x6a: {  	s5 =	sand.u32 $0x1FFFFFF0, s5;
	s13 =	sadd.s32 $0xB80, s22;
	s16 =	sadd.s32 $0x8B80, s22  }
0x6b: {  	s22 =	sshra.s32 s10, $0x2;
	s23 =	sadd.s32 $0x10, s23;
	s5 =	sadd.s32 s3, s5  }
0x6c: {  	[tilespmem:s2], [sflag:$0x3] =	stream.linear.gather [hbm4b:s5+s18], $0x80, $0x38;
	[tilespmem:$0x10400] =	vst v63  }
0x6d: {  	s24 =	sadd.s32 $0x10, s24;
	s19 =	sadd.s32 $0xA00, s22;
	v1 =	vshll.u32 v1, $0x4;
	s6 =	spop (v2sf)  }
0x6e: {  	s20 =	sadd.s32 $0x8A00, s22;
	[dreg:$0x6] =	wrdreg s19;
	v0 =	vshll.u32 v0, $0x4;
	s7 =	spop (v2sf);
	(v2sf) =	vpush v1, $0x0  }
0x6f: {  	s21 =	sadd.s32 $0x8900, s22;
	[dreg:$0x4] =	wrdreg s20;
	s12 =	spop (v2sf);
	(v2sf) =	vpush v0, $0x0  }
0x70: {  	s26 =	sadd.s32 $0x980, s22;
	s28 =	sadd.s32 $0x8980, s22;
	[dreg:$0xc] =	wrdreg s21;
	(v2sf) =	vpush v1, $0x1  }
0x71: {  	s31 =	sadd.s32 $0x8880, s22;
	s29 =	sadd.s32 $0x900, s22;
	[dreg:$0xa] =	wrdreg s26  }
0x72: {  	s8 =	sadd.s32 $0x8700, s22;
	s10 =	sadd.s32 $0x8680, s22;
	[dreg:$0x8] =	wrdreg s28;
	(v2sf) =	vpush v0, $0x1  }
0x73: {  	s2 =	smov.u32 s25;
	s26 =	sadd.s32 $0x880, s22;
	[dreg:$0xe] =	wrdreg s29  }
0x74: {  	s5 =	sadd.s32 $0x800, s22;
	s19 =	sadd.s32 $0x500, s22;
	s20 =	sadd.s32 $0x8500, s22;
	(v2sf) =	vpush v1, $0x2  }
0x75: {  	s21 =	sadd.s32 $0x8400, s22;
	s28 =	sadd.s32 $0x400, s22;
	s6 =	sand.u32 $0x1FFFFFF0, s6  }
0x76: {  	s9 =	sadd.s32 s4, s6;
	s11 =	sand.u32 $0x1FFFFFF0, s7;
	s6 =	sadd.s32 $0x8780, s22;
	(v2sf) =	vpush v0, $0x2  }
0x77: {  	[tilespmem:s0], [sflag:$0x3] =	stream.linear.gather [hbm4b:s9+s18], $0x80, $0x38;
	[tilespmem:$0x10400] =	vst v63  }
0x78: {  	s7 =	sadd.s32 $0x780, s22;
	s14 =	sadd.s32 s3, s11;
	s15 =	sand.u32 $0x1FFFFFF0, s12;
	(v2sf) =	vpush v1, $0x3  }
0x79: {  	s9 =	sadd.s32 $0x700, s22;
	s12 =	sadd.s32 $0x8600, s22;
	s11 =	sadd.s32 $0x680, s22  }
0x7a: {  	[tilespmem:s13], [sflag:$0x4] =	stream.linear.gather [hbm4b:s14+s18], $0x80, $0x38;
	(v2sf) =	vpush v0, $0x3;
	[tilespmem:$0x10400] =	vst v63  }
0x7b: {  	s0 =	sadd.s32 $0x480, s22;
	s17 =	sadd.s32 s4, s15;
	s15 =	sadd.s32 $0x580, s22  }
0x7c: {  	[tilespmem:s16], [sflag:$0x4] =	stream.linear.gather [hbm4b:s17+s18], $0x80, $0x38;
	(v2sf) =	vpush v1, $0x4;
	[tilespmem:$0x10400] =	vst v63  }
0x7d: {  	s14 =	sadd.s32 $0x8580, s22;
	s13 =	sadd.s32 $0x600, s22;
	s1 =	spop (v2sf)  }
0x7e: {  	s16 =	sadd.s32 $0x8480, s22;
	s1 =	sand.u32 $0x1FFFFFF0, s1;
	s29 =	spop (v2sf);
	(v2sf) =	vpush v0, $0x4  }
0x7f: {  	s1 =	sadd.s32 s3, s1;
	s29 =	sand.u32 $0x1FFFFFF0, s29;
	s30 =	spop (v2sf)  }
0x80: {  	(v2sf) =	vpush v1, $0x5;
	[tilespmem:s28], [sflag:$0x1] =	stream.linear.gather [hbm4b:s1+s18], $0x80, $0x38;
	[tilespmem:$0x10400] =	vst v63  }
0x81: {  	s1 =	sadd.s32 s4, s29;
	s28 =	sand.u32 $0x1FFFFFF0, s30;
	s30 =	spop (v2sf);
	(v2sf) =	vpush v0, $0x5  }
0x82: {  	[tilespmem:s21], [sflag:$0x1] =	stream.linear.gather [hbm4b:s1+s18], $0x80, $0x38;
	[tilespmem:$0x10400] =	vst v63  }
0x83: {  	s29 =	sand.u32 $0x1FFFFFF0, s30;
	s30 =	spop (v2sf);
	(v2sf) =	vpush v1, $0x6;
	s21 =	sadd.s32 s3, s28  }
0x84: {  	[tilespmem:s0], [sflag:$0x2] =	stream.linear.gather [hbm4b:s21+s18], $0x80, $0x38;
	[tilespmem:$0x10400] =	vst v63  }
0x85: {  	s21 =	sadd.s32 s4, s29;
	s29 =	sand.u32 $0x1FFFFFF0, s30;
	s30 =	spop (v2sf);
	(v2sf) =	vpush v0, $0x6  }
0x86: {  	[tilespmem:s16], [sflag:$0x2] =	stream.linear.gather [hbm4b:s21+s18], $0x80, $0x38;
	[tilespmem:$0x10400] =	vst v63  }
0x87: {  	s28 =	sadd.s32 s3, s29;
	s29 =	sand.u32 $0x1FFFFFF0, s30;
	s30 =	spop (v2sf);
	(v2sf) =	vpush v1, $0x7  }
0x88: {  	[tilespmem:s19], [sflag:$0x3] =	stream.linear.gather [hbm4b:s28+s18], $0x80, $0x38;
	[tilespmem:$0x10400] =	vst v63  }
0x89: {  	s1 =	sadd.s32 s4, s29;
	s21 =	spop (v2sf);
	(v2sf) =	vpush v0, $0x7;
	s19 =	sand.u32 $0x1FFFFFF0, s30  }
0x8a: {  	[tilespmem:s20], [sflag:$0x3] =	stream.linear.gather [hbm4b:s1+s18], $0x80, $0x38;
	[tilespmem:$0x10400] =	vst v63  }
0x8b: {  	s29 =	sand.u32 $0x1FFFFFF0, s21;
	s30 =	spop (v2sf);
	s28 =	sadd.s32 s3, s19  }
0x8c: {  	[tilespmem:s15], [sflag:$0x4] =	stream.linear.gather [hbm4b:s28+s18], $0x80, $0x38;
	[tilespmem:$0x10400] =	vst v63  }
0x8d: {  	(v2sf) =	vpush v1, $0x8;
	s19 =	sadd.s32 s4, s29;
	s20 =	sand.u32 $0x1FFFFFF0, s30;
	s21 =	spop (v2sf)  }
0x8e: {  	[tilespmem:s14], [sflag:$0x4] =	stream.linear.gather [hbm4b:s19+s18], $0x80, $0x38;
	[tilespmem:$0x10400] =	vst v63  }
0x8f: {  	s17 =	sadd.s32 $0x8800, s22;
	s28 =	sadd.s32 s3, s20;
	(v2sf) =	vpush v0, $0x8;
	s30 =	spop (v2sf)  }
0x90: {  	s29 =	sand.u32 $0x1FFFFFF0, s21;
	s15 =	sand.u32 $0x1FFFFFF0, s30;
	s16 =	spop (v2sf)  }
0x91: {  	(v2sf) =	vpush v1, $0x9;
	[tilespmem:s13], [sflag:$0x1] =	stream.linear.gather [hbm4b:s28+s18], $0x80, $0x38;
	[tilespmem:$0x10400] =	vst v63  }
0x92: {  	(v2sf) =	vpush v0, $0x9;
	s13 =	sadd.s32 s4, s29;
	s20 =	sand.u32 $0x1FFFFFF0, s16;
	s21 =	spop (v2sf)  }
0x93: {  	[tilespmem:s12], [sflag:$0x1] =	stream.linear.gather [hbm4b:s13+s18], $0x80, $0x38;
	[tilespmem:$0x10400] =	vst v63  }
0x94: {  	s19 =	sadd.s32 s3, s15;
	s28 =	sadd.s32 s4, s20;
	s30 =	spop (v2sf)  }
0x95: {  	(v2sf) =	vpush v1, $0xA;
	[tilespmem:s11], [sflag:$0x2] =	stream.linear.gather [hbm4b:s19+s18], $0x80, $0x38;
	[tilespmem:$0x10400] =	vst v63  }
0x96: {  	s29 =	sand.u32 $0x1FFFFFF0, s21;
	s13 =	sand.u32 $0x1FFFFFF0, s30;
	s14 =	spop (v2sf)  }
0x97: {  	(v2sf) =	vpush v0, $0xA;
	[tilespmem:s10], [sflag:$0x2] =	stream.linear.gather [hbm4b:s28+s18], $0x80, $0x38;
	[tilespmem:$0x10400] =	vst v63  }
0x98: {  	s12 =	sadd.s32 s3, s29;
	s15 =	sadd.s32 s4, s13;
	s19 =	spop (v2sf)  }
0x99: {  	(v2sf) =	vpush v1, $0xB;
	[tilespmem:s9], [sflag:$0x3] =	stream.linear.gather [hbm4b:s12+s18], $0x80, $0x38;
	[tilespmem:$0x10400] =	vst v63  }
0x9a: {  	s16 =	sand.u32 $0x1FFFFFF0, s14;
	s10 =	smov.u32 s2;
	s21 =	sand.u32 $0x1FFFFFF0, s19  }
0x9b: {  	(v2sf) =	vpush v0, $0xB;
	[tilespmem:s8], [sflag:$0x3] =	stream.linear.gather [hbm4b:s15+s18], $0x80, $0x38;
	[tilespmem:$0x10400] =	vst v63  }
0x9c: {  	s20 =	sadd.s32 s3, s16;
	s28 =	spop (v2sf);
	s29 =	sadd.s32 s4, s21  }
0x9d: {  	(v2sf) =	vpush v1, $0xC;
	[tilespmem:s7], [sflag:$0x4] =	stream.linear.gather [hbm4b:s20+s18], $0x80, $0x38;
	[tilespmem:$0x10400] =	vst v63  }
0x9e: {  	s30 =	sand.u32 $0x1FFFFFF0, s28;
	s28 =	rddreg [dreg:$0xe];
	s2 =	spop (v2sf)  }
0x9f: {  	[tilespmem:s6], [sflag:$0x4] =	stream.linear.gather [hbm4b:s29+s18], $0x80, $0x38;
	[tilespmem:$0x10400] =	vst v63  }
0xa0: {  	s7 =	sand.u32 $0x1FFFFFF0, s2;
	s8 =	spop (v2sf);
	s6 =	sadd.s32 s3, s30  }
0xa1: {  	(v2sf) =	vpush v0, $0xC;
	s9 =	sadd.s32 s4, s7;
	s11 =	sand.u32 $0x1FFFFFF0, s8;
	s12 =	spop (v2sf)  }
0xa2: {  	s13 =	sadd.s32 s3, s11;
	s14 =	sand.u32 $0x1FFFFFF0, s12;
	s11 =	rddreg [dreg:$0xa]  }
0xa3: {  	(v2sf) =	vpush v1, $0xD;
	[tilespmem:s5], [sflag:$0x1] =	stream.linear.gather [hbm4b:s6+s18], $0x80, $0x38;
	[tilespmem:$0x10400] =	vst v63  }
0xa4: {  	s15 =	spop (v2sf);
	s16 =	sadd.s32 s4, s14;
	s6 =	rddreg [dreg:$0xc]  }
0xa5: {  	(v2sf) =	vpush v0, $0xD;
	[tilespmem:s17], [sflag:$0x1] =	stream.linear.gather [hbm4b:s9+s18], $0x80, $0x38;
	[tilespmem:$0x10400] =	vst v63  }
0xa6: {  	s17 =	sand.u32 $0x1FFFFFF0, s15;
	s19 =	spop (v2sf);
	s15 =	rddreg [dreg:$0x8]  }
0xa7: {  	[tilespmem:s26], [sflag:$0x2] =	stream.linear.gather [hbm4b:s13+s18], $0x80, $0x38;
	[tilespmem:$0x10400] =	vst v63  }
0xa8: {  	s20 =	sadd.s32 s3, s17;
	s21 =	sand.u32 $0x1FFFFFF0, s19;
	s26 =	spop (v2sf)  }
0xa9: {  	[tilespmem:s31], [sflag:$0x2] =	stream.linear.gather [hbm4b:s16+s18], $0x80, $0x38;
	[tilespmem:$0x10400] =	vst v63  }
0xaa: {  	s29 =	sadd.s32 s4, s21;
	s30 =	sand.u32 $0x1FFFFFF0, s26;
	s31 =	spop (v2sf)  }
0xab: {  	(v2sf) =	vpush v1, $0xE;
	[tilespmem:s28], [sflag:$0x3] =	stream.linear.gather [hbm4b:s20+s18], $0x80, $0x38;
	[tilespmem:$0x10400] =	vst v63  }
0xac: {  	s7 =	sadd.s32 s3, s30;
	s8 =	sand.u32 $0x1FFFFFF0, s31;
	s9 =	spop (v2sf)  }
0xad: {  	[tilespmem:s6], [sflag:$0x3] =	stream.linear.gather [hbm4b:s29+s18], $0x80, $0x38;
	[tilespmem:$0x10400] =	vst v63  }
0xae: {  	s30 =	sadd.s32 $0xA80, s22;
	s12 =	sadd.s32 s4, s8;
	s13 =	sand.u32 $0x1FFFFFF0, s9  }
0xaf: {  	[tilespmem:s11], [sflag:$0x4] =	stream.linear.gather [hbm4b:s7+s18], $0x80, $0x38;
	[tilespmem:$0x10400] =	vst v63  }
0xb0: {  	s20 =	rddreg [dreg:$0x6];
	s16 =	sadd.s32 s3, s13;
	s14 =	spop (v2sf)  }
0xb1: {  	[tilespmem:s15], [sflag:$0x4] =	stream.linear.gather [hbm4b:s12+s18], $0x80, $0x38;
	[tilespmem:$0x10400] =	vst v63  }
0xb2: {  	s29 =	rddreg [dreg:$0x4];
	s17 =	sand.u32 $0x1FFFFFF0, s14;
	s19 =	spop (v2sf)  }
0xb3: {  	[tilespmem:s20], [sflag:$0x1] =	stream.linear.gather [hbm4b:s16+s18], $0x80, $0x38;
	[tilespmem:$0x10400] =	vst v63  }
0xb4: {  	s21 =	sadd.s32 s4, s17;
	s26 =	sand.u32 $0x1FFFFFF0, s19;
	s28 =	spop (v2sf)  }
0xb5: {  	[tilespmem:s29], [sflag:$0x1] =	stream.linear.gather [hbm4b:s21+s18], $0x80, $0x38;
	[tilespmem:$0x10400] =	vst v63  }
.Ltmp0:
0xb6: {  	s1 =	sadd.s32 s3, s26;
	s2 =	sand.u32 $0x1FFFFFF0, s28;
	(pc) =	sbr.rel @p0 .LBB2_2-.Ltmp0, $4  }
0xb7: {  	(v2sf) =	vpush v0, $0xE;
	[tilespmem:s30], [sflag:$0x2] =	stream.linear.gather [hbm4b:s1+s18], $0x80, $0x38;
	[tilespmem:$0x10400] =	vst v63  }
0xb8: {  	s25 =	sadd.s32 $0x2000, s25;
	(v2sf) =	vpush v1, $0xF;
	s31 =	sadd.s32 $0x8A80, s22;
	s2 =	sadd.s32 s4, s2;
	v1 =	vld [tilespmem:s23+$0x0]  }
0xb9: {  	(v2sf) =	vpush v0, $0xF;
	v0 =	vld [tilespmem:s24+$0x0];
	[tilespmem:s31], [sflag:$0x2] =	stream.linear.gather [hbm4b:s2+s18], $0x80, $0x38  }
0xba: {  	s0 =	sadd.s32 $0x8B00, s22;
	s5 =	spop (v2sf);
	s2 =	sadd.s32 $0xB00, s22  }
0xbb: {  	_ =	sdelay $0x2  }
0xbc: {  	v1 =	vshll.u32 v1, $0x4  }
0xbd: {  	(v2sf) =	vpush v1, $0x0;
	v0 =	vshll.u32 v0, $0x4  }
0xbe: {  	(v2sf) =	vpush v0, $0x0  }
0xbf: {  	(v2sf) =	vpush v1, $0x1;
	_ =	sdelay $0x1  }
0xc0: {  	s1 =	sand.u32 $0x1FFFFFF0, s5  }
0xc1: {  	s1 =	sadd.s32 s3, s1  }
0xc2: {  	[tilespmem:s2], [sflag:$0x3] =	stream.linear.gather [hbm4b:s1+s18], $0x80, $0x38;
	[tilespmem:$0x10400] =	vst v63  }
0xc3: {  	s28 =	spop (v2sf)  }
0xc4: {  	(v2sf) =	vpush v0, $0x1;
	s5 =	sand.u32 $0x1FFFFFF0, s28;
	s6 =	spop (v2sf)  }
0xc5: {  	s29 =	sadd.s32 s4, s5;
	s30 =	sand.u32 $0x1FFFFFF0, s6;
	s31 =	spop (v2sf)  }
0xc6: {  	(v2sf) =	vpush v1, $0x2;
	[tilespmem:s0], [sflag:$0x3] =	stream.linear.gather [hbm4b:s29+s18], $0x80, $0x38;
	[tilespmem:$0x10400] =	vst v63  }
0xc7: {  	s1 =	sadd.s32 $0xB80, s22;
	s2 =	sadd.s32 s3, s30;
	s5 =	sand.u32 $0x1FFFFFF0, s31  }
0xc8: {  	(v2sf) =	vpush v0, $0x2;
	[tilespmem:s1], [sflag:$0x4] =	stream.linear.gather [hbm4b:s2+s18], $0x80, $0x38;
	[tilespmem:$0x10400] =	vst v63  }
0xc9: {  	s21 =	sshra.s32 s10, $0x2;
	s6 =	sadd.s32 $0x8B80, s22;
	s7 =	sadd.s32 s4, s5  }
0xca: {  	[tilespmem:s6], [sflag:$0x4] =	stream.linear.gather [hbm4b:s7+s18], $0x80, $0x38;
	[tilespmem:$0x10400] =	vst v63  }
0xcb: {  	s9 =	sadd.s32 $0x400, s21;
	s10 =	sadd.s32 $0x8400, s21;
	(v2sf) =	vpush v1, $0x3;
	s8 =	spop (v2sf)  }
0xcc: {  	s13 =	sadd.s32 $0x480, s21;
	s1 =	sand.u32 $0x1FFFFFF0, s8;
	s7 =	spop (v2sf)  }
0xcd: {  	(v2sf) =	vpush v0, $0x3;
	s1 =	sadd.s32 s3, s1;
	s11 =	sand.u32 $0x1FFFFFF0, s7;
	s12 =	spop (v2sf)  }
0xce: {  	(v2sf) =	vpush v1, $0x4;
	[tilespmem:s9], [sflag:$0x1] =	stream.linear.gather [hbm4b:s1+s18], $0x80, $0x38;
	[tilespmem:$0x10400] =	vst v63  }
0xcf: {  	s16 =	sadd.s32 $0x8480, s21;
	s6 =	sadd.s32 s4, s11;
	s7 =	sand.u32 $0x1FFFFFF0, s12  }
0xd0: {  	(v2sf) =	vpush v0, $0x4;
	[tilespmem:s10], [sflag:$0x1] =	stream.linear.gather [hbm4b:s6+s18], $0x80, $0x38;
	[tilespmem:$0x10400] =	vst v63  }
0xd1: {  	s19 =	sadd.s32 $0x500, s21;
	s23 =	sadd.s32 $0x8500, s21;
	s14 =	sadd.s32 s3, s7  }
0xd2: {  	[tilespmem:s13], [sflag:$0x2] =	stream.linear.gather [hbm4b:s14+s18], $0x80, $0x38;
	[tilespmem:$0x10400] =	vst v63  }
0xd3: {  	s26 =	sadd.s32 $0x580, s21;
	s0 =	sadd.s32 $0x8A00, s21;
	s8 =	spop (v2sf)  }
0xd4: {  	s29 =	sadd.s32 $0x8580, s21;
	s5 =	sadd.s32 $0x8900, s21;
	(v2sf) =	vpush v1, $0x5;
	s15 =	sand.u32 $0x1FFFFFF0, s8  }
0xd5: {  	s2 =	sadd.s32 $0xA00, s21;
	s17 =	spop (v2sf);
	s7 =	sadd.s32 s4, s15  }
0xd6: {  	(v2sf) =	vpush v0, $0x5;
	[tilespmem:s16], [sflag:$0x2] =	stream.linear.gather [hbm4b:s7+s18], $0x80, $0x38;
	[tilespmem:$0x10400] =	vst v63  }
0xd7: {  	s12 =	sadd.s32 $0x680, s21;
	(v2sf) =	vpush v1, $0x6;
	s6 =	sand.u32 $0x1FFFFFF0, s17;
	s20 =	spop (v2sf)  }
0xd8: {  	s10 =	sadd.s32 $0x8600, s21;
	s6 =	sadd.s32 s3, s6;
	s7 =	sand.u32 $0x1FFFFFF0, s20  }
0xd9: {  	[tilespmem:s19], [sflag:$0x3] =	stream.linear.gather [hbm4b:s6+s18], $0x80, $0x38;
	[tilespmem:$0x10400] =	vst v63  }
0xda: {  	s15 =	sadd.s32 $0x8680, s21;
	s22 =	spop (v2sf);
	s24 =	sadd.s32 s4, s7  }
0xdb: {  	(v2sf) =	vpush v0, $0x6;
	[tilespmem:s23], [sflag:$0x3] =	stream.linear.gather [hbm4b:s24+s18], $0x80, $0x38;
	[tilespmem:$0x10400] =	vst v63  }
0xdc: {  	s25 =	sand.u32 $0x1FFFFFF0, s22;
	s19 =	sadd.s32 $0x700, s21;
	s28 =	spop (v2sf)  }
0xdd: {  	s7 =	sadd.s32 s3, s25;
	(v2sf) =	vpush v1, $0x7;
	s6 =	sand.u32 $0x1FFFFFF0, s28;
	s30 =	spop (v2sf)  }
0xde: {  	(v2sf) =	vpush v0, $0x7;
	[tilespmem:s26], [sflag:$0x4] =	stream.linear.gather [hbm4b:s7+s18], $0x80, $0x38;
	[tilespmem:$0x10400] =	vst v63  }
0xdf: {  	s6 =	sadd.s32 s4, s6;
	s7 =	sand.u32 $0x1FFFFFF0, s30;
	s31 =	spop (v2sf)  }
0xe0: {  	(v2sf) =	vpush v1, $0x8;
	[tilespmem:s29], [sflag:$0x4] =	stream.linear.gather [hbm4b:s6+s18], $0x80, $0x38;
	[tilespmem:$0x10400] =	vst v63  }
0xe1: {  	s7 =	sadd.s32 s3, s7;
	s9 =	sand.u32 $0x1FFFFFF0, s31;
	s6 =	sadd.s32 $0x600, s21  }
0xe2: {  	[tilespmem:s6], [sflag:$0x1] =	stream.linear.gather [hbm4b:s7+s18], $0x80, $0x38;
	[tilespmem:$0x10400] =	vst v63  }
0xe3: {  	s22 =	sadd.s32 $0x8700, s21;
	s7 =	sadd.s32 s4, s9;
	s11 =	spop (v2sf)  }
0xe4: {  	(v2sf) =	vpush v0, $0x8;
	[tilespmem:s10], [sflag:$0x1] =	stream.linear.gather [hbm4b:s7+s18], $0x80, $0x38;
	[tilespmem:$0x10400] =	vst v63  }
0xe5: {  	s25 =	sadd.s32 $0x780, s21;
	s6 =	sand.u32 $0x1FFFFFF0, s11;
	s13 =	spop (v2sf)  }
0xe6: {  	(v2sf) =	vpush v1, $0x9;
	s6 =	sadd.s32 s3, s6;
	s7 =	sand.u32 $0x1FFFFFF0, s13;
	s14 =	spop (v2sf)  }
0xe7: {  	(v2sf) =	vpush v0, $0x9;
	[tilespmem:s12], [sflag:$0x2] =	stream.linear.gather [hbm4b:s6+s18], $0x80, $0x38;
	[tilespmem:$0x10400] =	vst v63  }
0xe8: {  	s31 =	sadd.s32 $0x800, s21;
	s16 =	sadd.s32 s4, s7;
	s17 =	sand.u32 $0x1FFFFFF0, s14  }
0xe9: {  	[tilespmem:s15], [sflag:$0x2] =	stream.linear.gather [hbm4b:s16+s18], $0x80, $0x38;
	[tilespmem:$0x10400] =	vst v63  }
0xea: {  	s29 =	sadd.s32 $0x8780, s21;
	s20 =	spop (v2sf);
	(v2sf) =	vpush v1, $0xA;
	s7 =	sadd.s32 s3, s17  }
0xeb: {  	[tilespmem:s19], [sflag:$0x3] =	stream.linear.gather [hbm4b:s7+s18], $0x80, $0x38;
	[tilespmem:$0x10400] =	vst v63  }
0xec: {  	s10 =	sadd.s32 $0x8800, s21;
	(v2sf) =	vpush v0, $0xA;
	s6 =	sand.u32 $0x1FFFFFF0, s20;
	s23 =	spop (v2sf)  }
0xed: {  	s6 =	sadd.s32 s4, s6;
	s7 =	sand.u32 $0x1FFFFFF0, s23;
	s24 =	spop (v2sf)  }
0xee: {  	(v2sf) =	vpush v1, $0xB;
	[tilespmem:s22], [sflag:$0x3] =	stream.linear.gather [hbm4b:s6+s18], $0x80, $0x38;
	[tilespmem:$0x10400] =	vst v63  }
0xef: {  	s26 =	sadd.s32 s3, s7;
	s28 =	sand.u32 $0x1FFFFFF0, s24;
	s30 =	spop (v2sf)  }
0xf0: {  	(v2sf) =	vpush v0, $0xB;
	[tilespmem:s25], [sflag:$0x4] =	stream.linear.gather [hbm4b:s26+s18], $0x80, $0x38;
	[tilespmem:$0x10400] =	vst v63  }
0xf1: {  	s13 =	sadd.s32 $0x880, s21;
	s7 =	sadd.s32 s4, s28;
	(v2sf) =	vpush v1, $0xC;
	s6 =	sand.u32 $0x1FFFFFF0, s30  }
0xf2: {  	[tilespmem:s29], [sflag:$0x4] =	stream.linear.gather [hbm4b:s7+s18], $0x80, $0x38;
	[tilespmem:$0x10400] =	vst v63  }
0xf3: {  	s15 =	sadd.s32 $0x8880, s21;
	s6 =	sadd.s32 s3, s6;
	s8 =	spop (v2sf)  }
0xf4: {  	[tilespmem:s31], [sflag:$0x1] =	stream.linear.gather [hbm4b:s6+s18], $0x80, $0x38;
	[tilespmem:$0x10400] =	vst v63  }
0xf5: {  	s19 =	sadd.s32 $0x900, s21;
	(v2sf) =	vpush v0, $0xC;
	s7 =	sand.u32 $0x1FFFFFF0, s8;
	s9 =	spop (v2sf)  }
0xf6: {  	s23 =	sadd.s32 $0x980, s21;
	s11 =	sadd.s32 s4, s7;
	s14 =	spop (v2sf)  }
0xf7: {  	(v2sf) =	vpush v1, $0xD;
	[tilespmem:s10], [sflag:$0x1] =	stream.linear.gather [hbm4b:s11+s18], $0x80, $0x38;
	[tilespmem:$0x10400] =	vst v63  }
0xf8: {  	s25 =	sadd.s32 $0x8980, s21;
	s12 =	sand.u32 $0x1FFFFFF0, s9;
	s6 =	sand.u32 $0x1FFFFFF0, s14  }
0xf9: {  	(v2sf) =	vpush v0, $0xD;
	s7 =	sadd.s32 s3, s12;
	s16 =	spop (v2sf);
	s6 =	sadd.s32 s4, s6  }
0xfa: {  	[tilespmem:s13], [sflag:$0x2] =	stream.linear.gather [hbm4b:s7+s18], $0x80, $0x38;
	[tilespmem:$0x10400] =	vst v63  }
0xfb: {  	(v2sf) =	vpush v1, $0xE;
	s7 =	sand.u32 $0x1FFFFFF0, s16;
	s17 =	spop (v2sf);
	s13 =	sadd.s32 $0xA80, s21  }
0xfc: {  	[tilespmem:s15], [sflag:$0x2] =	stream.linear.gather [hbm4b:s6+s18], $0x80, $0x38;
	[tilespmem:$0x10400] =	vst v63  }
0xfd: {  	s20 =	sadd.s32 s3, s7;
	s22 =	sand.u32 $0x1FFFFFF0, s17;
	s24 =	spop (v2sf);
	(v2sf) =	vpush v0, $0xE  }
0xfe: {  	[tilespmem:s19], [sflag:$0x3] =	stream.linear.gather [hbm4b:s20+s18], $0x80, $0x38;
	[tilespmem:$0x10400] =	vst v63  }
0xff: {  	s16 =	sadd.s32 $0x8A80, s21;
	s7 =	sadd.s32 s4, s22;
	(v2sf) =	vpush v1, $0xF;
	s26 =	spop (v2sf)  }
0x100: {  	s22 =	sadd.s32 $0xB00, s21;
	s6 =	sand.u32 $0x1FFFFFF0, s24;
	s28 =	spop (v2sf)  }
0x101: {  	(v2sf) =	vpush v0, $0xF;
	[tilespmem:s5], [sflag:$0x3] =	stream.linear.gather [hbm4b:s7+s18], $0x80, $0x38;
	[tilespmem:$0x10400] =	vst v63  }
0x102: {  	s6 =	sadd.s32 s3, s6;
	s19 =	sadd.s32 $0x8B00, s21;
	s7 =	sand.u32 $0x1FFFFFF0, s26  }
0x103: {  	[tilespmem:s23], [sflag:$0x4] =	stream.linear.gather [hbm4b:s6+s18], $0x80, $0x38;
	[tilespmem:$0x10400] =	vst v63  }
0x104: {  	s30 =	sand.u32 $0x1FFFFFF0, s28;
	s29 =	sadd.s32 s4, s7;
	s31 =	spop (v2sf)  }
0x105: {  	[tilespmem:s25], [sflag:$0x4] =	stream.linear.gather [hbm4b:s29+s18], $0x80, $0x38;
	[tilespmem:$0x10400] =	vst v63  }
0x106: {  	s6 =	sadd.s32 s3, s30;
	s8 =	sand.u32 $0x1FFFFFF0, s31;
	s9 =	spop (v2sf)  }
0x107: {  	[tilespmem:s2], [sflag:$0x1] =	stream.linear.gather [hbm4b:s6+s18], $0x80, $0x38;
	[tilespmem:$0x10400] =	vst v63  }
0x108: {  	s10 =	sadd.s32 s4, s8;
	s11 =	sand.u32 $0x1FFFFFF0, s9;
	s12 =	spop (v2sf)  }
0x109: {  	[tilespmem:s0], [sflag:$0x1] =	stream.linear.gather [hbm4b:s10+s18], $0x80, $0x38;
	[tilespmem:$0x10400] =	vst v63  }
0x10a: {  	s14 =	sadd.s32 s3, s11;
	s15 =	sand.u32 $0x1FFFFFF0, s12;
	s20 =	spop (v2sf)  }
0x10b: {  	[tilespmem:s13], [sflag:$0x2] =	stream.linear.gather [hbm4b:s14+s18], $0x80, $0x38;
	[tilespmem:$0x10400] =	vst v63  }
0x10c: {  	s17 =	sadd.s32 s4, s15;
	s1 =	sand.u32 $0x1FFFFFF0, s20;
	s23 =	spop (v2sf)  }
0x10d: {  	[tilespmem:s16], [sflag:$0x2] =	stream.linear.gather [hbm4b:s17+s18], $0x80, $0x38;
	[tilespmem:$0x10400] =	vst v63  }
0x10e: {  	s1 =	sadd.s32 s3, s1;
	s5 =	sand.u32 $0x1FFFFFF0, s23;
	s24 =	spop (v2sf)  }
0x10f: {  	[tilespmem:s22], [sflag:$0x3] =	stream.linear.gather [hbm4b:s1+s18], $0x80, $0x38;
	[tilespmem:$0x10400] =	vst v63  }
0x110: {  	s25 =	sadd.s32 s4, s5;
	s26 =	sand.u32 $0x1FFFFFF0, s24;
	s28 =	spop (v2sf)  }
0x111: {  	[tilespmem:s19], [sflag:$0x3] =	stream.linear.gather [hbm4b:s25+s18], $0x80, $0x38;
	[tilespmem:$0x10400] =	vst v63  }
0x112: {  	s29 =	sadd.s32 $0xB80, s21;
	s30 =	sadd.s32 s3, s26;
	s31 =	sand.u32 $0x1FFFFFF0, s28  }
0x113: {  	[tilespmem:s29], [sflag:$0x4] =	stream.linear.gather [hbm4b:s30+s18], $0x80, $0x38;
	[tilespmem:$0x10400] =	vst v63  }
0x114: {  	s5 =	simm.s32 $0x1;
	s1 =	sadd.s32 $0x8B80, s21;
	s2 =	sadd.s32 s4, s31  }
0x115: {  	[tilespmem:s1], [sflag:$0x4] =	stream.linear.gather [hbm4b:s2+s18], $0x80, $0x38;
	[tilespmem:$0x10400] =	vst v63  }
0x116: {  	_ =	swait.ge [sflag:s5], $0x2000  }
0x117: {  	[sflag:s5] =	ssyncset.done $0x0  }
0x118: {  	[sflag:s5] =	ssyncadd.s32 $0xFFFFE000  }
0x119: {  	_ =	swait.ge [sflag:s5], $0x2000  }
0x11a: {  	[sflag:s5] =	ssyncset.done $0x0  }
0x11b: {  	s6 =	simm.s32 $0x2;
	[sflag:s5] =	ssyncadd.s32 $0xFFFFE000  }
0x11c: {  	_ =	swait.ge [sflag:s6], $0x2000  }
0x11d: {  	[sflag:s6] =	ssyncset.done $0x0  }
0x11e: {  	[sflag:s6] =	ssyncadd.s32 $0xFFFFE000  }
0x11f: {  	_ =	swait.ge [sflag:s6], $0x2000  }
0x120: {  	[sflag:s6] =	ssyncset.done $0x0  }
0x121: {  	s7 =	simm.s32 $0x3;
	[sflag:s6] =	ssyncadd.s32 $0xFFFFE000  }
0x122: {  	_ =	swait.ge [sflag:s7], $0x2000  }
0x123: {  	[sflag:s7] =	ssyncset.done $0x0  }
0x124: {  	[sflag:s7] =	ssyncadd.s32 $0xFFFFE000  }
0x125: {  	_ =	swait.ge [sflag:s7], $0x2000  }
0x126: {  	[sflag:s7] =	ssyncset.done $0x0  }
0x127: {  	s8 =	simm.s32 $0x4;
	[sflag:s7] =	ssyncadd.s32 $0xFFFFE000  }
0x128: {  	_ =	swait.ge [sflag:s8], $0x2000  }
0x129: {  	[sflag:s8] =	ssyncset.done $0x0  }
0x12a: {  	[sflag:s8] =	ssyncadd.s32 $0xFFFFE000  }
0x12b: {  	_ =	swait.ge [sflag:s8], $0x2000  }
0x12c: {  	s9 =	simm.s32 $0x0;
	[sflag:s8] =	ssyncset.done $0x0  }
0x12d: {  	s11 =	simm.s32 $0x400;
	s10 =	rddreg [dreg:$0x12];
	[sflag:s8] =	ssyncadd.s32 $0xFFFFE000  }
0x12e: {  	[hbm4b:s10+s9] =	stream.linear.scatter [tilespmem:s11], [sflag:$0x5], $0x8000, $0x38;
	[tilespmem:$0x10400] =	vst v63  }
0x12f: {  	s13 =	simm.s32 $0x8400;
	s14 =	simm.s32 $0x5;
	s12 =	rddreg [dreg:$0x13]  }
0x130: {  	[hbm4b:s12+s9] =	stream.linear.scatter [tilespmem:s13], [sflag:$0x5], $0x8000, $0x38;
	[tilespmem:$0x10400] =	vst v63  }
0x131: {  	_ =	swait.ge [sflag:s14], $0x8000  }
0x132: {  	[sflag:s14] =	ssyncset.done $0x0  }
0x133: {  	[sflag:s14] =	ssyncadd.s32 $0xFFFF8000  }
0x134: {  	_ =	swait.ge [sflag:s14], $0x8000  }
0x135: {  	[sflag:s14] =	ssyncset.done $0x0  }
0x136: {  	s15 =	simm.s32 $0x100;
	[sflag:s14] =	ssyncadd.s32 $0xFFFF8000  }
0x137: {  	s16 =	simm.s32 $0x300;
	v0 =	vld [tilespmem:s15+$0x0]  }
0x138: {  	v2 =	vld [tilespmem:s16+$0x0];
	_ =	sdelay $0x3  }
0x139: {  	v1 =	vshll.u32 v0, $0x4  }
0x13a: {  	v0 =	vshll.u32 v2, $0x4;
	(v2sf) =	vpush v1, $0x0  }
0x13b: {  	(v2sf) =	vpush v0, $0x0  }
0x13c: {  	(v2sf) =	vpush v1, $0x1;
	_ =	sdelay $0x1  }
0x13d: {  	(v2sf) =	vpush v0, $0x1  }
0x13e: {  	(v2sf) =	vpush v1, $0x2;
	_ =	sdelay $0x1  }
0x13f: {  	(v2sf) =	vpush v0, $0x2;
	_ =	sdelay $0x1  }
0x140: {  	(v2sf) =	vpush v1, $0x3;
	_ =	sdelay $0x2  }
0x141: {  	s0 =	simm.s32 $0x8A00;
	s21 =	simm.s32 $0x8400;
	s19 =	simm.s32 $0x400  }
0x142: {  	s25 =	simm.s32 $0x480;
	s31 =	simm.s32 $0x500;
	s29 =	simm.s32 $0x8480;
	(v2sf) =	vpush v0, $0x3  }
0x143: {  	s2 =	simm.s32 $0xA00;
	s5 =	simm.s32 $0x8900;
	s11 =	simm.s32 $0x8500  }
0x144: {  	s9 =	simm.s32 $0x2000;
	s14 =	simm.s32 $0x580;
	s17 =	spop (v2sf)  }
0x145: {  	s16 =	simm.s32 $0x8580;
	s1 =	sand.u32 $0x1FFFFFF0, s17;
	s20 =	spop (v2sf)  }
0x146: {  	(v2sf) =	vpush v1, $0x4;
	s1 =	sadd.s32 s3, s1;
	s22 =	sand.u32 $0x1FFFFFF0, s20;
	s23 =	spop (v2sf)  }
0x147: {  	(v2sf) =	vpush v0, $0x4;
	[tilespmem:s19], [sflag:$0x1] =	stream.linear.gather [hbm4b:s1+s18], $0x80, $0x38;
	[tilespmem:$0x10400] =	vst v63  }
0x148: {  	s20 =	simm.s32 $0x600;
	s6 =	sadd.s32 s4, s22;
	s24 =	spop (v2sf)  }
0x149: {  	(v2sf) =	vpush v1, $0x5;
	s7 =	sand.u32 $0x1FFFFFF0, s23;
	s23 =	simm.s32 $0x8600;
	s30 =	spop (v2sf)  }
0x14a: {  	(v2sf) =	vpush v0, $0x5;
	[tilespmem:s21], [sflag:$0x1] =	stream.linear.gather [hbm4b:s6+s18], $0x80, $0x38;
	[tilespmem:$0x10400] =	vst v63  }
0x14b: {  	s26 =	sadd.s32 s3, s7;
	s28 =	sand.u32 $0x1FFFFFF0, s24;
	s8 =	spop (v2sf)  }
0x14c: {  	(v2sf) =	vpush v1, $0x6;
	[tilespmem:s25], [sflag:$0x2] =	stream.linear.gather [hbm4b:s26+s18], $0x80, $0x38;
	[tilespmem:$0x10400] =	vst v63  }
0x14d: {  	s7 =	sadd.s32 s4, s28;
	s6 =	sand.u32 $0x1FFFFFF0, s30;
	s10 =	spop (v2sf)  }
0x14e: {  	[tilespmem:s29], [sflag:$0x2] =	stream.linear.gather [hbm4b:s7+s18], $0x80, $0x38;
	[tilespmem:$0x10400] =	vst v63  }
0x14f: {  	(v2sf) =	vpush v0, $0x6;
	s6 =	sadd.s32 s3, s6;
	s13 =	sand.u32 $0x1FFFFFF0, s10;
	s7 =	sand.u32 $0x1FFFFFF0, s8  }
0x150: {  	[tilespmem:s31], [sflag:$0x3] =	stream.linear.gather [hbm4b:s6+s18], $0x80, $0x38;
	[tilespmem:$0x10400] =	vst v63  }
0x151: {  	s15 =	spop (v2sf);
	(v2sf) =	vpush v1, $0x7;
	s25 =	simm.s32 $0x680;
	s12 =	sadd.s32 s4, s7  }
0x152: {  	[tilespmem:s11], [sflag:$0x3] =	stream.linear.gather [hbm4b:s12+s18], $0x80, $0x38;
	[tilespmem:$0x10400] =	vst v63  }
0x153: {  	(v2sf) =	vpush v0, $0x7;
	s29 =	simm.s32 $0x8680;
	s7 =	sadd.s32 s3, s13;
	s6 =	sand.u32 $0x1FFFFFF0, s15  }
0x154: {  	[tilespmem:s14], [sflag:$0x4] =	stream.linear.gather [hbm4b:s7+s18], $0x80, $0x38;
	[tilespmem:$0x10400] =	vst v63  }
0x155: {  	s8 =	simm.s32 $0x700;
	s6 =	sadd.s32 s4, s6;
	s17 =	spop (v2sf)  }
0x156: {  	s11 =	simm.s32 $0x8700;
	s14 =	simm.s32 $0x780;
	s19 =	spop (v2sf)  }
0x157: {  	(v2sf) =	vpush v1, $0x8;
	[tilespmem:s16], [sflag:$0x4] =	stream.linear.gather [hbm4b:s6+s18], $0x80, $0x38;
	[tilespmem:$0x10400] =	vst v63  }
0x158: {  	s7 =	sand.u32 $0x1FFFFFF0, s17;
	s17 =	simm.s32 $0x8780;
	s24 =	spop (v2sf)  }
0x159: {  	s21 =	sadd.s32 s3, s7;
	s22 =	sand.u32 $0x1FFFFFF0, s19;
	(v2sf) =	vpush v0, $0x8;
	s26 =	spop (v2sf)  }
0x15a: {  	[tilespmem:s20], [sflag:$0x1] =	stream.linear.gather [hbm4b:s21+s18], $0x80, $0x38;
	[tilespmem:$0x10400] =	vst v63  }
0x15b: {  	s7 =	sadd.s32 s4, s22;
	(v2sf) =	vpush v1, $0x9;
	s6 =	sand.u32 $0x1FFFFFF0, s24;
	s28 =	spop (v2sf)  }
0x15c: {  	s6 =	sadd.s32 s3, s6;
	s20 =	simm.s32 $0x800;
	s31 =	sand.u32 $0x1FFFFFF0, s28  }
0x15d: {  	(v2sf) =	vpush v0, $0x9;
	[tilespmem:s23], [sflag:$0x1] =	stream.linear.gather [hbm4b:s7+s18], $0x80, $0x38;
	[tilespmem:$0x10400] =	vst v63  }
0x15e: {  	s10 =	spop (v2sf);
	s7 =	sand.u32 $0x1FFFFFF0, s26;
	s23 =	simm.s32 $0x8800  }
0x15f: {  	(v2sf) =	vpush v1, $0xA;
	[tilespmem:s25], [sflag:$0x2] =	stream.linear.gather [hbm4b:s6+s18], $0x80, $0x38;
	[tilespmem:$0x10400] =	vst v63  }
0x160: {  	s26 =	simm.s32 $0x880;
	s30 =	sadd.s32 s4, s7;
	s12 =	spop (v2sf)  }
0x161: {  	(v2sf) =	vpush v0, $0xA;
	[tilespmem:s29], [sflag:$0x2] =	stream.linear.gather [hbm4b:s30+s18], $0x80, $0x38;
	[tilespmem:$0x10400] =	vst v63  }
0x162: {  	s7 =	sadd.s32 s3, s31;
	s6 =	sand.u32 $0x1FFFFFF0, s10;
	s13 =	spop (v2sf)  }
0x163: {  	[tilespmem:s8], [sflag:$0x3] =	stream.linear.gather [hbm4b:s7+s18], $0x80, $0x38;
	[tilespmem:$0x10400] =	vst v63  }
0x164: {  	s6 =	sadd.s32 s4, s6;
	s16 =	sand.u32 $0x1FFFFFF0, s13;
	s7 =	sand.u32 $0x1FFFFFF0, s12  }
0x165: {  	(v2sf) =	vpush v1, $0xB;
	[tilespmem:s11], [sflag:$0x3] =	stream.linear.gather [hbm4b:s6+s18], $0x80, $0x38;
	[tilespmem:$0x10400] =	vst v63  }
0x166: {  	s29 =	simm.s32 $0x8880;
	s15 =	sadd.s32 s3, s7;
	s19 =	spop (v2sf)  }
0x167: {  	(v2sf) =	vpush v0, $0xB;
	[tilespmem:s14], [sflag:$0x4] =	stream.linear.gather [hbm4b:s15+s18], $0x80, $0x38;
	[tilespmem:$0x10400] =	vst v63  }
0x168: {  	s7 =	sadd.s32 s4, s16;
	(v2sf) =	vpush v1, $0xC;
	s6 =	sand.u32 $0x1FFFFFF0, s19;
	s21 =	spop (v2sf)  }
0x169: {  	[tilespmem:s17], [sflag:$0x4] =	stream.linear.gather [hbm4b:s7+s18], $0x80, $0x38;
	[tilespmem:$0x10400] =	vst v63  }
0x16a: {  	s6 =	sadd.s32 s3, s6;
	(v2sf) =	vpush v0, $0xC;
	s7 =	sand.u32 $0x1FFFFFF0, s21;
	s22 =	spop (v2sf)  }
0x16b: {  	[tilespmem:s20], [sflag:$0x1] =	stream.linear.gather [hbm4b:s6+s18], $0x80, $0x38;
	[tilespmem:$0x10400] =	vst v63  }
0x16c: {  	s24 =	sadd.s32 s4, s7;
	s25 =	sand.u32 $0x1FFFFFF0, s22;
	s28 =	spop (v2sf)  }
0x16d: {  	(v2sf) =	vpush v1, $0xD;
	[tilespmem:s23], [sflag:$0x1] =	stream.linear.gather [hbm4b:s24+s18], $0x80, $0x38;
	[tilespmem:$0x10400] =	vst v63  }
0x16e: {  	(v2sf) =	vpush v0, $0xD;
	s7 =	sadd.s32 s3, s25;
	s6 =	sand.u32 $0x1FFFFFF0, s28;
	s30 =	spop (v2sf)  }
0x16f: {  	[tilespmem:s26], [sflag:$0x2] =	stream.linear.gather [hbm4b:s7+s18], $0x80, $0x38;
	[tilespmem:$0x10400] =	vst v63  }
0x170: {  	s6 =	sadd.s32 s4, s6;
	s31 =	spop (v2sf);
	s7 =	sand.u32 $0x1FFFFFF0, s30  }
0x171: {  	[tilespmem:s29], [sflag:$0x2] =	stream.linear.gather [hbm4b:s6+s18], $0x80, $0x38;
	[tilespmem:$0x10400] =	vst v63  }
0x172: {  	(v2sf) =	vpush v1, $0xE;
	s10 =	sand.u32 $0x1FFFFFF0, s31;
	s7 =	sadd.s32 s3, s7;
	s6 =	simm.s32 $0x900  }
0x173: {  	[tilespmem:s6], [sflag:$0x3] =	stream.linear.gather [hbm4b:s7+s18], $0x80, $0x38;
	[tilespmem:$0x10400] =	vst v63  }
0x174: {  	s13 =	simm.s32 $0x8980;
	s12 =	spop (v2sf);
	s7 =	sadd.s32 s4, s10  }
0x175: {  	[tilespmem:s5], [sflag:$0x3] =	stream.linear.gather [hbm4b:s7+s18], $0x80, $0x38;
	[tilespmem:$0x10400] =	vst v63  }
0x176: {  	s11 =	simm.s32 $0x980;
	s6 =	sand.u32 $0x1FFFFFF0, s12;
	s14 =	spop (v2sf)  }
0x177: {  	s26 =	simm.s32 $0xA80;
	s6 =	sadd.s32 s3, s6;
	s15 =	spop (v2sf)  }
0x178: {  	[tilespmem:s11], [sflag:$0x4] =	stream.linear.gather [hbm4b:s6+s18], $0x80, $0x38;
	[tilespmem:$0x10400] =	vst v63  }
0x179: {  	s30 =	simm.s32 $0x8A80;
	s7 =	sand.u32 $0x1FFFFFF0, s14;
	s19 =	spop (v2sf)  }
0x17a: {  	s16 =	sadd.s32 s4, s7;
	s17 =	sand.u32 $0x1FFFFFF0, s15;
	s21 =	sand.u32 $0x1FFFFFF0, s19  }
0x17b: {  	[tilespmem:s13], [sflag:$0x4] =	stream.linear.gather [hbm4b:s16+s18], $0x80, $0x38;
	[tilespmem:$0x10400] =	vst v63  }
0x17c: {  	s20 =	sadd.s32 s3, s17;
	s22 =	spop (v2sf);
	s23 =	sadd.s32 s4, s21  }
0x17d: {  	s24 =	sand.u32 $0x1FFFFFF0, s22;
	s25 =	spop (v2sf);
	s22 =	simm.s32 $0x0  }
0x17e: {  	[tilespmem:s2], [sflag:$0x1] =	stream.linear.gather [hbm4b:s20+s18], $0x80, $0x38;
	[tilespmem:$0x10400] =	vst v63  }
0x17f: {  	s28 =	sadd.s32 s3, s24;
	s29 =	sand.u32 $0x1FFFFFF0, s25;
	s24 =	simm.s32 $0x310  }
0x180: {  	[tilespmem:s0], [sflag:$0x1] =	stream.linear.gather [hbm4b:s23+s18], $0x80, $0x38;
	[tilespmem:$0x10400] =	vst v63  }
0x181: {  	s25 =	simm.s32 $0x4000;
	s5 =	spop (v2sf);
	s31 =	sadd.s32 s4, s29  }
0x182: {  	(v2sf) =	vpush v0, $0xE;
	[tilespmem:s26], [sflag:$0x2] =	stream.linear.gather [hbm4b:s28+s18], $0x80, $0x38;
	[tilespmem:$0x10400] =	vst v63  }
0x183: {  	(v2sf) =	vpush v1, $0xF;
	v2 =	vld [tilespmem:s24+$0x0];
	s2 =	simm.s32 $0xB00;
	s23 =	simm.s32 $0x110;
	s0 =	simm.s32 $0x8B00  }
0x184: {  	(v2sf) =	vpush v0, $0xF;
	v1 =	vld [tilespmem:s23+$0x0];
	[tilespmem:s30], [sflag:$0x2] =	stream.linear.gather [hbm4b:s31+s18], $0x80, $0x38  }
.LBB2_4:
0x185: {  	_ =	sdelay $0x7  }
0x186: {  	p0 =	sne.s32 s25, $0x1E000;
	s1 =	sand.u32 $0x1FFFFFF0, s5;
	s14 =	sadd.s32 $0xB80, s22  }
0x187: {  	s17 =	sadd.s32 $0x8B80, s22;
	s22 =	sshra.s32 s9, $0x2;
	s23 =	sadd.s32 $0x10, s23  }
0x188: {  	s24 =	sadd.s32 $0x10, s24;
	s1 =	sadd.s32 s3, s1;
	s20 =	sadd.s32 $0xA00, s22  }
0x189: {  	[tilespmem:s2], [sflag:$0x3] =	stream.linear.gather [hbm4b:s1+s18], $0x80, $0x38;
	[tilespmem:$0x10400] =	vst v63  }
0x18a: {  	s21 =	sadd.s32 $0x8A00, s22;
	s26 =	sadd.s32 $0x8900, s22;
	v1 =	vshll.u32 v1, $0x4;
	s10 =	spop (v2sf)  }
0x18b: {  	s28 =	sadd.s32 $0x980, s22;
	[dreg:$0x7] =	wrdreg s20;
	v0 =	vshll.u32 v2, $0x4;
	s6 =	spop (v2sf);
	(v2sf) =	vpush v1, $0x0  }
0x18c: {  	s29 =	sadd.s32 $0x8980, s22;
	[dreg:$0x5] =	wrdreg s21;
	s13 =	spop (v2sf);
	(v2sf) =	vpush v0, $0x0  }
0x18d: {  	s30 =	sadd.s32 $0x900, s22;
	s9 =	sadd.s32 $0x700, s22;
	[dreg:$0xd] =	wrdreg s26;
	(v2sf) =	vpush v1, $0x1  }
0x18e: {  	s8 =	sadd.s32 $0x8700, s22;
	s7 =	sadd.s32 $0x780, s22;
	[dreg:$0xb] =	wrdreg s28  }
0x18f: {  	s2 =	smov.u32 s25;
	[dreg:$0x9] =	wrdreg s29;
	s20 =	sadd.s32 $0x8880, s22;
	(v2sf) =	vpush v0, $0x1  }
0x190: {  	[dreg:$0xf] =	wrdreg s30;
	s28 =	sadd.s32 $0x8480, s22;
	s29 =	sadd.s32 $0x500, s22  }
0x191: {  	s30 =	sadd.s32 $0x8500, s22;
	s21 =	sadd.s32 $0x8400, s22;
	s26 =	sadd.s32 $0x400, s22;
	(v2sf) =	vpush v1, $0x2  }
0x192: {  	s1 =	simm.s32 $0x0;
	s5 =	sand.u32 $0x1FFFFFF0, s10;
	s10 =	sadd.s32 $0x8680, s22  }
0x193: {  	s11 =	sadd.s32 s4, s5;
	s12 =	sand.u32 $0x1FFFFFF0, s6;
	s6 =	sadd.s32 $0x8780, s22;
	(v2sf) =	vpush v0, $0x2  }
0x194: {  	[tilespmem:s0], [sflag:$0x3] =	stream.linear.gather [hbm4b:s11+s18], $0x80, $0x38;
	[tilespmem:$0x10400] =	vst v63  }
0x195: {  	s5 =	sadd.s32 $0x800, s22;
	s15 =	sadd.s32 s3, s12;
	s16 =	sand.u32 $0x1FFFFFF0, s13;
	(v2sf) =	vpush v1, $0x3  }
0x196: {  	s12 =	sadd.s32 $0x8600, s22;
	s11 =	sadd.s32 $0x680, s22;
	s13 =	sadd.s32 $0x600, s22  }
0x197: {  	[tilespmem:s14], [sflag:$0x4] =	stream.linear.gather [hbm4b:s15+s18], $0x80, $0x38;
	(v2sf) =	vpush v0, $0x3;
	[tilespmem:$0x10400] =	vst v63  }
0x198: {  	s0 =	sadd.s32 $0x480, s22;
	s19 =	sadd.s32 s4, s16;
	s16 =	sadd.s32 $0x8800, s22  }
0x199: {  	[tilespmem:s17], [sflag:$0x4] =	stream.linear.gather [hbm4b:s19+s18], $0x80, $0x38;
	(v2sf) =	vpush v1, $0x4;
	[tilespmem:$0x10400] =	vst v63  }
0x19a: {  	s15 =	sadd.s32 $0x580, s22;
	s14 =	sadd.s32 $0x8580, s22;
	s31 =	spop (v2sf)  }
0x19b: {  	s19 =	sadd.s32 $0x880, s22;
	s31 =	sand.u32 $0x1FFFFFF0, s31;
	s17 =	spop (v2sf);
	(v2sf) =	vpush v0, $0x4  }
0x19c: {  	s31 =	sadd.s32 s3, s31;
	s17 =	sand.u32 $0x1FFFFFF0, s17;
	s18 =	spop (v2sf)  }
0x19d: {  	(v2sf) =	vpush v1, $0x5;
	[tilespmem:s26], [sflag:$0x1] =	stream.linear.gather [hbm4b:s31+s1], $0x80, $0x38;
	[tilespmem:$0x10400] =	vst v63  }
0x19e: {  	s17 =	sadd.s32 s4, s17;
	s18 =	sand.u32 $0x1FFFFFF0, s18;
	s31 =	spop (v2sf);
	(v2sf) =	vpush v0, $0x5  }
0x19f: {  	[tilespmem:s21], [sflag:$0x1] =	stream.linear.gather [hbm4b:s17+s1], $0x80, $0x38;
	[tilespmem:$0x10400] =	vst v63  }
0x1a0: {  	s26 =	sand.u32 $0x1FFFFFF0, s31;
	s31 =	spop (v2sf);
	(v2sf) =	vpush v1, $0x6;
	s21 =	sadd.s32 s3, s18  }
0x1a1: {  	[tilespmem:s0], [sflag:$0x2] =	stream.linear.gather [hbm4b:s21+s1], $0x80, $0x38;
	[tilespmem:$0x10400] =	vst v63  }
0x1a2: {  	s18 =	sadd.s32 s4, s26;
	s26 =	sand.u32 $0x1FFFFFF0, s31;
	s31 =	spop (v2sf);
	(v2sf) =	vpush v0, $0x6  }
0x1a3: {  	[tilespmem:s28], [sflag:$0x2] =	stream.linear.gather [hbm4b:s18+s1], $0x80, $0x38;
	[tilespmem:$0x10400] =	vst v63  }
0x1a4: {  	s17 =	sadd.s32 s3, s26;
	s26 =	spop (v2sf);
	(v2sf) =	vpush v1, $0x7;
	s21 =	sand.u32 $0x1FFFFFF0, s31  }
0x1a5: {  	[tilespmem:s29], [sflag:$0x3] =	stream.linear.gather [hbm4b:s17+s1], $0x80, $0x38;
	[tilespmem:$0x10400] =	vst v63  }
0x1a6: {  	s31 =	spop (v2sf);
	(v2sf) =	vpush v0, $0x7;
	s28 =	sadd.s32 s4, s21;
	s29 =	sand.u32 $0x1FFFFFF0, s26  }
0x1a7: {  	[tilespmem:s30], [sflag:$0x3] =	stream.linear.gather [hbm4b:s28+s1], $0x80, $0x38;
	[tilespmem:$0x10400] =	vst v63  }
0x1a8: {  	s18 =	sand.u32 $0x1FFFFFF0, s31;
	s21 =	spop (v2sf);
	(v2sf) =	vpush v1, $0x8;
	s17 =	sadd.s32 s3, s29  }
0x1a9: {  	[tilespmem:s15], [sflag:$0x4] =	stream.linear.gather [hbm4b:s17+s1], $0x80, $0x38;
	[tilespmem:$0x10400] =	vst v63  }
0x1aa: {  	s26 =	sadd.s32 s4, s18;
	s18 =	simm.s32 $0x0;
	s29 =	spop (v2sf)  }
0x1ab: {  	[tilespmem:s14], [sflag:$0x4] =	stream.linear.gather [hbm4b:s26+s18], $0x80, $0x38;
	[tilespmem:$0x10400] =	vst v63  }
0x1ac: {  	s28 =	sand.u32 $0x1FFFFFF0, s21;
	(v2sf) =	vpush v0, $0x8;
	s31 =	sand.u32 $0x1FFFFFF0, s29;
	s1 =	spop (v2sf)  }
0x1ad: {  	s30 =	sadd.s32 s3, s28;
	s14 =	sadd.s32 s4, s31;
	s21 =	spop (v2sf)  }
0x1ae: {  	(v2sf) =	vpush v1, $0x9;
	[tilespmem:s13], [sflag:$0x1] =	stream.linear.gather [hbm4b:s30+s18], $0x80, $0x38;
	[tilespmem:$0x10400] =	vst v63  }
0x1af: {  	s17 =	sand.u32 $0x1FFFFFF0, s1;
	(v2sf) =	vpush v0, $0x9;
	s28 =	sand.u32 $0x1FFFFFF0, s21;
	s29 =	spop (v2sf)  }
0x1b0: {  	[tilespmem:s12], [sflag:$0x1] =	stream.linear.gather [hbm4b:s14+s18], $0x80, $0x38;
	[tilespmem:$0x10400] =	vst v63  }
0x1b1: {  	s26 =	sadd.s32 s3, s17;
	(v2sf) =	vpush v1, $0xA;
	s30 =	sadd.s32 s4, s28;
	s1 =	spop (v2sf)  }
0x1b2: {  	[tilespmem:s11], [sflag:$0x2] =	stream.linear.gather [hbm4b:s26+s18], $0x80, $0x38;
	[tilespmem:$0x10400] =	vst v63  }
0x1b3: {  	s31 =	sand.u32 $0x1FFFFFF0, s29;
	s14 =	sand.u32 $0x1FFFFFF0, s1;
	s15 =	spop (v2sf)  }
0x1b4: {  	[tilespmem:s10], [sflag:$0x2] =	stream.linear.gather [hbm4b:s30+s18], $0x80, $0x38;
	[tilespmem:$0x10400] =	vst v63  }
0x1b5: {  	(v2sf) =	vpush v0, $0xA;
	s13 =	sadd.s32 s3, s31;
	s17 =	sadd.s32 s4, s14;
	s26 =	spop (v2sf)  }
0x1b6: {  	[tilespmem:s9], [sflag:$0x3] =	stream.linear.gather [hbm4b:s13+s18], $0x80, $0x38;
	[tilespmem:$0x10400] =	vst v63  }
0x1b7: {  	(v2sf) =	vpush v1, $0xB;
	s21 =	sand.u32 $0x1FFFFFF0, s15;
	s29 =	sand.u32 $0x1FFFFFF0, s26;
	s30 =	spop (v2sf)  }
0x1b8: {  	(v2sf) =	vpush v0, $0xB;
	[tilespmem:s8], [sflag:$0x3] =	stream.linear.gather [hbm4b:s17+s18], $0x80, $0x38;
	[tilespmem:$0x10400] =	vst v63  }
0x1b9: {  	s28 =	sadd.s32 s3, s21;
	s31 =	sadd.s32 s4, s29;
	s1 =	sand.u32 $0x1FFFFFF0, s30  }
0x1ba: {  	(v2sf) =	vpush v1, $0xC;
	[tilespmem:s7], [sflag:$0x4] =	stream.linear.gather [hbm4b:s28+s18], $0x80, $0x38;
	[tilespmem:$0x10400] =	vst v63  }
0x1bb: {  	s9 =	smov.u32 s2;
	s2 =	spop (v2sf);
	s28 =	rddreg [dreg:$0xf]  }
0x1bc: {  	[tilespmem:s6], [sflag:$0x4] =	stream.linear.gather [hbm4b:s31+s18], $0x80, $0x38;
	[tilespmem:$0x10400] =	vst v63  }
0x1bd: {  	s7 =	sand.u32 $0x1FFFFFF0, s2;
	s8 =	spop (v2sf);
	s6 =	sadd.s32 s3, s1  }
0x1be: {  	(v2sf) =	vpush v0, $0xC;
	s10 =	sadd.s32 s4, s7;
	s11 =	sand.u32 $0x1FFFFFF0, s8;
	s12 =	spop (v2sf)  }
0x1bf: {  	[tilespmem:s5], [sflag:$0x1] =	stream.linear.gather [hbm4b:s6+s18], $0x80, $0x38;
	[tilespmem:$0x10400] =	vst v63  }
0x1c0: {  	(v2sf) =	vpush v1, $0xD;
	s13 =	sadd.s32 s3, s11;
	s15 =	spop (v2sf);
	s11 =	rddreg [dreg:$0xb]  }
0x1c1: {  	[tilespmem:s16], [sflag:$0x1] =	stream.linear.gather [hbm4b:s10+s18], $0x80, $0x38;
	[tilespmem:$0x10400] =	vst v63  }
0x1c2: {  	(v2sf) =	vpush v0, $0xD;
	s14 =	sand.u32 $0x1FFFFFF0, s12;
	s17 =	sand.u32 $0x1FFFFFF0, s15;
	s6 =	rddreg [dreg:$0xd]  }
0x1c3: {  	[tilespmem:s19], [sflag:$0x2] =	stream.linear.gather [hbm4b:s13+s18], $0x80, $0x38;
	[tilespmem:$0x10400] =	vst v63  }
0x1c4: {  	s15 =	rddreg [dreg:$0x9];
	s16 =	sadd.s32 s4, s14;
	s19 =	spop (v2sf)  }
0x1c5: {  	[tilespmem:s20], [sflag:$0x2] =	stream.linear.gather [hbm4b:s16+s18], $0x80, $0x38;
	[tilespmem:$0x10400] =	vst v63  }
0x1c6: {  	s21 =	sand.u32 $0x1FFFFFF0, s19;
	s26 =	spop (v2sf);
	s20 =	sadd.s32 s3, s17  }
0x1c7: {  	s29 =	sadd.s32 s4, s21;
	s30 =	sand.u32 $0x1FFFFFF0, s26;
	s31 =	spop (v2sf)  }
0x1c8: {  	(v2sf) =	vpush v1, $0xE;
	[tilespmem:s28], [sflag:$0x3] =	stream.linear.gather [hbm4b:s20+s18], $0x80, $0x38;
	[tilespmem:$0x10400] =	vst v63  }
0x1c9: {  	s7 =	sadd.s32 s3, s30;
	s8 =	sand.u32 $0x1FFFFFF0, s31;
	s10 =	spop (v2sf)  }
0x1ca: {  	[tilespmem:s6], [sflag:$0x3] =	stream.linear.gather [hbm4b:s29+s18], $0x80, $0x38;
	[tilespmem:$0x10400] =	vst v63  }
0x1cb: {  	s30 =	sadd.s32 $0xA80, s22;
	s12 =	sadd.s32 s4, s8;
	s13 =	sand.u32 $0x1FFFFFF0, s10  }
0x1cc: {  	[tilespmem:s11], [sflag:$0x4] =	stream.linear.gather [hbm4b:s7+s18], $0x80, $0x38;
	[tilespmem:$0x10400] =	vst v63  }
0x1cd: {  	s20 =	rddreg [dreg:$0x7];
	s16 =	sadd.s32 s3, s13;
	s14 =	spop (v2sf)  }
0x1ce: {  	[tilespmem:s15], [sflag:$0x4] =	stream.linear.gather [hbm4b:s12+s18], $0x80, $0x38;
	[tilespmem:$0x10400] =	vst v63  }
0x1cf: {  	s29 =	rddreg [dreg:$0x5];
	s17 =	sand.u32 $0x1FFFFFF0, s14;
	s19 =	spop (v2sf)  }
0x1d0: {  	[tilespmem:s20], [sflag:$0x1] =	stream.linear.gather [hbm4b:s16+s18], $0x80, $0x38;
	[tilespmem:$0x10400] =	vst v63  }
0x1d1: {  	s21 =	sadd.s32 s4, s17;
	s26 =	sand.u32 $0x1FFFFFF0, s19;
	s28 =	spop (v2sf)  }
0x1d2: {  	[tilespmem:s29], [sflag:$0x1] =	stream.linear.gather [hbm4b:s21+s18], $0x80, $0x38;
	[tilespmem:$0x10400] =	vst v63  }
.Ltmp1:
0x1d3: {  	s1 =	sadd.s32 s3, s26;
	s2 =	sand.u32 $0x1FFFFFF0, s28;
	(pc) =	sbr.rel @p0 .LBB2_4-.Ltmp1, $4  }
0x1d4: {  	(v2sf) =	vpush v0, $0xE;
	[tilespmem:s30], [sflag:$0x2] =	stream.linear.gather [hbm4b:s1+s18], $0x80, $0x38;
	[tilespmem:$0x10400] =	vst v63  }
0x1d5: {  	s25 =	sadd.s32 $0x2000, s25;
	(v2sf) =	vpush v1, $0xF;
	s31 =	sadd.s32 $0x8A80, s22;
	s2 =	sadd.s32 s4, s2;
	v1 =	vld [tilespmem:s23+$0x0]  }
0x1d6: {  	v2 =	vld [tilespmem:s24+$0x0];
	[tilespmem:s31], [sflag:$0x2] =	stream.linear.gather [hbm4b:s2+s18], $0x80, $0x38  }
0x1d7: {  	s0 =	sadd.s32 $0x8B00, s22;
	(v2sf) =	vpush v0, $0xF;
	s5 =	spop (v2sf);
	s2 =	sadd.s32 $0xB00, s22  }
0x1d8: {  	_ =	sdelay $0x4  }
0x1d9: {  	v0 =	vshll.u32 v1, $0x4  }
0x1da: {  	(v2sf) =	vpush v0, $0x0;
	_ =	sdelay $0x1  }
0x1db: {  	s1 =	sand.u32 $0x1FFFFFF0, s5  }
0x1dc: {  	s1 =	sadd.s32 s3, s1  }
0x1dd: {  	[tilespmem:s2], [sflag:$0x3] =	stream.linear.gather [hbm4b:s1+s18], $0x80, $0x38;
	v63 =	vshll.u32 v2, $0x4;
	[tilespmem:$0x10400] =	vst v63  }
0x1de: {  	s31 =	spop (v2sf);
	(v2sf) =	vpush v63, $0x0  }
0x1df: {  	s1 =	sand.u32 $0x1FFFFFF0, s31  }
0x1e0: {  	s1 =	sadd.s32 s4, s1  }
0x1e1: {  	[tilespmem:s0], [sflag:$0x3] =	stream.linear.gather [hbm4b:s1+s18], $0x80, $0x38;
	[tilespmem:$0x10400] =	vst v63  }
0x1e2: {  	s1 =	spop (v2sf);
	(v2sf) =	vpush v0, $0x1;
	_ =	sdelay $0x1  }
0x1e3: {  	s5 =	spop (v2sf);
	(v2sf) =	vpush v63, $0x1;
	_ =	sdelay $0x3  }
0x1e4: {  	s7 =	spop (v2sf);
	(v2sf) =	vpush v0, $0x2;
	_ =	sdelay $0x4  }
0x1e5: {  	s21 =	sshra.s32 s9, $0x2;
	s9 =	spop (v2sf);
	(v2sf) =	vpush v63, $0x2;
	_ =	sdelay $0x3  }
0x1e6: {  	s11 =	spop (v2sf);
	(v2sf) =	vpush v0, $0x3;
	_ =	sdelay $0x1  }
0x1e7: {  	s13 =	spop (v2sf);
	(v2sf) =	vpush v63, $0x3;
	_ =	sdelay $0x3  }
0x1e8: {  	s15 =	spop (v2sf);
	(v2sf) =	vpush v0, $0x4;
	_ =	sdelay $0x1  }
0x1e9: {  	s0 =	sand.u32 $0x1FFFFFF0, s1  }
0x1ea: {  	s2 =	sadd.s32 $0xB80, s22;
	s0 =	sadd.s32 s3, s0  }
0x1eb: {  	[tilespmem:s2], [sflag:$0x4] =	stream.linear.gather [hbm4b:s0+s18], $0x80, $0x38;
	[tilespmem:$0x10400] =	vst v63  }
0x1ec: {  	s0 =	sand.u32 $0x1FFFFFF0, s5;
	s17 =	spop (v2sf);
	(v2sf) =	vpush v63, $0x4  }
0x1ed: {  	s6 =	sadd.s32 $0x8B80, s22;
	s0 =	sadd.s32 s4, s0  }
0x1ee: {  	[tilespmem:s6], [sflag:$0x4] =	stream.linear.gather [hbm4b:s0+s18], $0x80, $0x38;
	[tilespmem:$0x10400] =	vst v63  }
0x1ef: {  	s0 =	sand.u32 $0x1FFFFFF0, s7  }
0x1f0: {  	s8 =	sadd.s32 $0x400, s21;
	s0 =	sadd.s32 s3, s0;
	s20 =	spop (v2sf);
	(v2sf) =	vpush v0, $0x5  }
0x1f1: {  	[tilespmem:s8], [sflag:$0x1] =	stream.linear.gather [hbm4b:s0+s18], $0x80, $0x38;
	[tilespmem:$0x10400] =	vst v63  }
0x1f2: {  	s0 =	sand.u32 $0x1FFFFFF0, s9;
	s23 =	spop (v2sf);
	(v2sf) =	vpush v63, $0x5  }
0x1f3: {  	s10 =	sadd.s32 $0x8400, s21;
	s0 =	sadd.s32 s4, s0  }
0x1f4: {  	[tilespmem:s10], [sflag:$0x1] =	stream.linear.gather [hbm4b:s0+s18], $0x80, $0x38;
	[tilespmem:$0x10400] =	vst v63  }
0x1f5: {  	s0 =	sand.u32 $0x1FFFFFF0, s11  }
0x1f6: {  	s12 =	sadd.s32 $0x480, s21;
	s0 =	sadd.s32 s3, s0;
	s25 =	spop (v2sf);
	(v2sf) =	vpush v0, $0x6  }
0x1f7: {  	[tilespmem:s12], [sflag:$0x2] =	stream.linear.gather [hbm4b:s0+s18], $0x80, $0x38;
	[tilespmem:$0x10400] =	vst v63  }
0x1f8: {  	s0 =	sand.u32 $0x1FFFFFF0, s13  }
0x1f9: {  	s14 =	sadd.s32 $0x8480, s21;
	s0 =	sadd.s32 s4, s0  }
0x1fa: {  	[tilespmem:s14], [sflag:$0x2] =	stream.linear.gather [hbm4b:s0+s18], $0x80, $0x38;
	[tilespmem:$0x10400] =	vst v63  }
0x1fb: {  	s0 =	sand.u32 $0x1FFFFFF0, s15;
	s28 =	spop (v2sf);
	(v2sf) =	vpush v63, $0x6  }
0x1fc: {  	s16 =	sadd.s32 $0x500, s21;
	s0 =	sadd.s32 s3, s0  }
0x1fd: {  	[tilespmem:s16], [sflag:$0x3] =	stream.linear.gather [hbm4b:s0+s18], $0x80, $0x38;
	[tilespmem:$0x10400] =	vst v63  }
0x1fe: {  	s0 =	sand.u32 $0x1FFFFFF0, s17  }
0x1ff: {  	s19 =	sadd.s32 $0x8500, s21;
	s0 =	sadd.s32 s4, s0;
	s30 =	spop (v2sf);
	(v2sf) =	vpush v0, $0x7  }
0x200: {  	[tilespmem:s19], [sflag:$0x3] =	stream.linear.gather [hbm4b:s0+s18], $0x80, $0x38;
	[tilespmem:$0x10400] =	vst v63  }
0x201: {  	s0 =	sand.u32 $0x1FFFFFF0, s20;
	s1 =	spop (v2sf);
	(v2sf) =	vpush v63, $0x7  }
0x202: {  	s22 =	sadd.s32 $0x580, s21;
	s0 =	sadd.s32 s3, s0  }
0x203: {  	[tilespmem:s22], [sflag:$0x4] =	stream.linear.gather [hbm4b:s0+s18], $0x80, $0x38;
	[tilespmem:$0x10400] =	vst v63  }
0x204: {  	s0 =	sand.u32 $0x1FFFFFF0, s23  }
0x205: {  	s24 =	sadd.s32 $0x8580, s21;
	s0 =	sadd.s32 s4, s0;
	s5 =	spop (v2sf);
	(v2sf) =	vpush v0, $0x8  }
0x206: {  	[tilespmem:s24], [sflag:$0x4] =	stream.linear.gather [hbm4b:s0+s18], $0x80, $0x38;
	[tilespmem:$0x10400] =	vst v63  }
0x207: {  	s0 =	sand.u32 $0x1FFFFFF0, s25  }
0x208: {  	s26 =	sadd.s32 $0x600, s21;
	s0 =	sadd.s32 s3, s0  }
0x209: {  	[tilespmem:s26], [sflag:$0x1] =	stream.linear.gather [hbm4b:s0+s18], $0x80, $0x38;
	[tilespmem:$0x10400] =	vst v63  }
0x20a: {  	s0 =	sand.u32 $0x1FFFFFF0, s28;
	s7 =	spop (v2sf);
	(v2sf) =	vpush v63, $0x8  }
0x20b: {  	s29 =	sadd.s32 $0x8600, s21;
	s0 =	sadd.s32 s4, s0  }
0x20c: {  	[tilespmem:s29], [sflag:$0x1] =	stream.linear.gather [hbm4b:s0+s18], $0x80, $0x38;
	[tilespmem:$0x10400] =	vst v63  }
0x20d: {  	s0 =	sand.u32 $0x1FFFFFF0, s30  }
0x20e: {  	s31 =	sadd.s32 $0x680, s21;
	s0 =	sadd.s32 s3, s0;
	s9 =	spop (v2sf);
	(v2sf) =	vpush v0, $0x9  }
0x20f: {  	[tilespmem:s31], [sflag:$0x2] =	stream.linear.gather [hbm4b:s0+s18], $0x80, $0x38;
	[tilespmem:$0x10400] =	vst v63  }
0x210: {  	s0 =	sand.u32 $0x1FFFFFF0, s1;
	s11 =	spop (v2sf);
	(v2sf) =	vpush v63, $0x9  }
0x211: {  	s2 =	sadd.s32 $0x8680, s21;
	s0 =	sadd.s32 s4, s0  }
0x212: {  	[tilespmem:s2], [sflag:$0x2] =	stream.linear.gather [hbm4b:s0+s18], $0x80, $0x38;
	[tilespmem:$0x10400] =	vst v63  }
0x213: {  	s0 =	sand.u32 $0x1FFFFFF0, s5  }
0x214: {  	s6 =	sadd.s32 $0x700, s21;
	s0 =	sadd.s32 s3, s0;
	s13 =	spop (v2sf);
	(v2sf) =	vpush v0, $0xA  }
0x215: {  	[tilespmem:s6], [sflag:$0x3] =	stream.linear.gather [hbm4b:s0+s18], $0x80, $0x38;
	[tilespmem:$0x10400] =	vst v63  }
0x216: {  	s0 =	sand.u32 $0x1FFFFFF0, s7  }
0x217: {  	s8 =	sadd.s32 $0x8700, s21;
	s0 =	sadd.s32 s4, s0  }
0x218: {  	[tilespmem:s8], [sflag:$0x3] =	stream.linear.gather [hbm4b:s0+s18], $0x80, $0x38;
	[tilespmem:$0x10400] =	vst v63  }
0x219: {  	s0 =	sand.u32 $0x1FFFFFF0, s9;
	s15 =	spop (v2sf);
	(v2sf) =	vpush v63, $0xA  }
0x21a: {  	s10 =	sadd.s32 $0x780, s21;
	s0 =	sadd.s32 s3, s0  }
0x21b: {  	[tilespmem:s10], [sflag:$0x4] =	stream.linear.gather [hbm4b:s0+s18], $0x80, $0x38;
	[tilespmem:$0x10400] =	vst v63  }
0x21c: {  	s0 =	sand.u32 $0x1FFFFFF0, s11  }
0x21d: {  	s12 =	sadd.s32 $0x8780, s21;
	s0 =	sadd.s32 s4, s0;
	s17 =	spop (v2sf);
	(v2sf) =	vpush v0, $0xB  }
0x21e: {  	[tilespmem:s12], [sflag:$0x4] =	stream.linear.gather [hbm4b:s0+s18], $0x80, $0x38;
	[tilespmem:$0x10400] =	vst v63  }
0x21f: {  	s0 =	sand.u32 $0x1FFFFFF0, s13;
	s20 =	spop (v2sf);
	(v2sf) =	vpush v63, $0xB  }
0x220: {  	s14 =	sadd.s32 $0x800, s21;
	s0 =	sadd.s32 s3, s0  }
0x221: {  	[tilespmem:s14], [sflag:$0x1] =	stream.linear.gather [hbm4b:s0+s18], $0x80, $0x38;
	[tilespmem:$0x10400] =	vst v63  }
0x222: {  	s0 =	sand.u32 $0x1FFFFFF0, s15  }
0x223: {  	s16 =	sadd.s32 $0x8800, s21;
	s0 =	sadd.s32 s4, s0;
	s23 =	spop (v2sf);
	(v2sf) =	vpush v0, $0xC  }
0x224: {  	[tilespmem:s16], [sflag:$0x1] =	stream.linear.gather [hbm4b:s0+s18], $0x80, $0x38;
	[tilespmem:$0x10400] =	vst v63  }
0x225: {  	s0 =	sand.u32 $0x1FFFFFF0, s17  }
0x226: {  	s19 =	sadd.s32 $0x880, s21;
	s0 =	sadd.s32 s3, s0  }
0x227: {  	[tilespmem:s19], [sflag:$0x2] =	stream.linear.gather [hbm4b:s0+s18], $0x80, $0x38;
	[tilespmem:$0x10400] =	vst v63  }
0x228: {  	s0 =	sand.u32 $0x1FFFFFF0, s20;
	s25 =	spop (v2sf);
	(v2sf) =	vpush v63, $0xC  }
0x229: {  	s22 =	sadd.s32 $0x8880, s21;
	s0 =	sadd.s32 s4, s0  }
0x22a: {  	[tilespmem:s22], [sflag:$0x2] =	stream.linear.gather [hbm4b:s0+s18], $0x80, $0x38;
	[tilespmem:$0x10400] =	vst v63  }
0x22b: {  	s0 =	sand.u32 $0x1FFFFFF0, s23  }
0x22c: {  	s24 =	sadd.s32 $0x900, s21;
	s0 =	sadd.s32 s3, s0;
	s28 =	spop (v2sf);
	(v2sf) =	vpush v0, $0xD  }
0x22d: {  	[tilespmem:s24], [sflag:$0x3] =	stream.linear.gather [hbm4b:s0+s18], $0x80, $0x38;
	[tilespmem:$0x10400] =	vst v63  }
0x22e: {  	s0 =	sand.u32 $0x1FFFFFF0, s25;
	s30 =	spop (v2sf);
	(v2sf) =	vpush v63, $0xD  }
0x22f: {  	s26 =	sadd.s32 $0x8900, s21;
	s0 =	sadd.s32 s4, s0  }
0x230: {  	[tilespmem:s26], [sflag:$0x3] =	stream.linear.gather [hbm4b:s0+s18], $0x80, $0x38;
	[tilespmem:$0x10400] =	vst v63  }
0x231: {  	s0 =	sand.u32 $0x1FFFFFF0, s28  }
0x232: {  	s29 =	sadd.s32 $0x980, s21;
	s0 =	sadd.s32 s3, s0;
	s1 =	spop (v2sf);
	(v2sf) =	vpush v0, $0xE  }
0x233: {  	[tilespmem:s29], [sflag:$0x4] =	stream.linear.gather [hbm4b:s0+s18], $0x80, $0x38;
	[tilespmem:$0x10400] =	vst v63  }
0x234: {  	s0 =	sand.u32 $0x1FFFFFF0, s30  }
0x235: {  	s31 =	sadd.s32 $0x8980, s21;
	s0 =	sadd.s32 s4, s0  }
0x236: {  	[tilespmem:s31], [sflag:$0x4] =	stream.linear.gather [hbm4b:s0+s18], $0x80, $0x38;
	[tilespmem:$0x10400] =	vst v63  }
0x237: {  	s0 =	sand.u32 $0x1FFFFFF0, s1;
	s5 =	spop (v2sf);
	(v2sf) =	vpush v63, $0xE  }
0x238: {  	s2 =	sadd.s32 $0xA00, s21;
	s0 =	sadd.s32 s3, s0  }
0x239: {  	[tilespmem:s2], [sflag:$0x1] =	stream.linear.gather [hbm4b:s0+s18], $0x80, $0x38;
	[tilespmem:$0x10400] =	vst v63  }
0x23a: {  	s0 =	sand.u32 $0x1FFFFFF0, s5  }
0x23b: {  	s6 =	sadd.s32 $0x8A00, s21;
	s0 =	sadd.s32 s4, s0;
	s7 =	spop (v2sf);
	(v2sf) =	vpush v0, $0xF  }
0x23c: {  	[tilespmem:s6], [sflag:$0x1] =	stream.linear.gather [hbm4b:s0+s18], $0x80, $0x38;
	[tilespmem:$0x10400] =	vst v63  }
0x23d: {  	s0 =	sand.u32 $0x1FFFFFF0, s7;
	s9 =	spop (v2sf);
	(v2sf) =	vpush v63, $0xF  }
0x23e: {  	s8 =	sadd.s32 $0xA80, s21;
	s0 =	sadd.s32 s3, s0  }
0x23f: {  	[tilespmem:s8], [sflag:$0x2] =	stream.linear.gather [hbm4b:s0+s18], $0x80, $0x38;
	[tilespmem:$0x10400] =	vst v63  }
0x240: {  	s0 =	sand.u32 $0x1FFFFFF0, s9  }
0x241: {  	s10 =	sadd.s32 $0x8A80, s21;
	s0 =	sadd.s32 s4, s0;
	s11 =	spop (v2sf)  }
0x242: {  	[tilespmem:s10], [sflag:$0x2] =	stream.linear.gather [hbm4b:s0+s18], $0x80, $0x38;
	[tilespmem:$0x10400] =	vst v63  }
0x243: {  	s0 =	sand.u32 $0x1FFFFFF0, s11  }
0x244: {  	s12 =	sadd.s32 $0xB00, s21;
	s0 =	sadd.s32 s3, s0  }
0x245: {  	[tilespmem:s12], [sflag:$0x3] =	stream.linear.gather [hbm4b:s0+s18], $0x80, $0x38;
	[tilespmem:$0x10400] =	vst v63  }
0x246: {  	s13 =	spop (v2sf)  }
0x247: {  	s0 =	sand.u32 $0x1FFFFFF0, s13  }
0x248: {  	s14 =	sadd.s32 $0x8B00, s21;
	s0 =	sadd.s32 s4, s0  }
0x249: {  	[tilespmem:s14], [sflag:$0x3] =	stream.linear.gather [hbm4b:s0+s18], $0x80, $0x38;
	[tilespmem:$0x10400] =	vst v63  }
0x24a: {  	s15 =	spop (v2sf)  }
0x24b: {  	s0 =	sand.u32 $0x1FFFFFF0, s15  }
0x24c: {  	s16 =	sadd.s32 $0xB80, s21;
	s17 =	spop (v2sf);
	s0 =	sadd.s32 s3, s0  }
0x24d: {  	[tilespmem:s16], [sflag:$0x4] =	stream.linear.gather [hbm4b:s0+s18], $0x80, $0x38;
	[tilespmem:$0x10400] =	vst v63  }
0x24e: {  	s0 =	sand.u32 $0x1FFFFFF0, s17  }
0x24f: {  	s19 =	sadd.s32 $0x8B80, s21;
	s20 =	simm.s32 $0x1;
	s0 =	sadd.s32 s4, s0  }
0x250: {  	[tilespmem:s19], [sflag:$0x4] =	stream.linear.gather [hbm4b:s0+s18], $0x80, $0x38;
	[tilespmem:$0x10400] =	vst v63  }
0x251: {  	_ =	swait.ge [sflag:s20], $0x2000  }
0x252: {  	[sflag:s20] =	ssyncset.done $0x0  }
0x253: {  	[sflag:s20] =	ssyncadd.s32 $0xFFFFE000  }
0x254: {  	_ =	swait.ge [sflag:s20], $0x2000  }
0x255: {  	[sflag:s20] =	ssyncset.done $0x0  }
0x256: {  	s21 =	simm.s32 $0x2;
	[sflag:s20] =	ssyncadd.s32 $0xFFFFE000  }
0x257: {  	_ =	swait.ge [sflag:s21], $0x2000  }
0x258: {  	[sflag:s21] =	ssyncset.done $0x0  }
0x259: {  	[sflag:s21] =	ssyncadd.s32 $0xFFFFE000  }
0x25a: {  	_ =	swait.ge [sflag:s21], $0x2000  }
0x25b: {  	[sflag:s21] =	ssyncset.done $0x0  }
0x25c: {  	s22 =	simm.s32 $0x3;
	[sflag:s21] =	ssyncadd.s32 $0xFFFFE000  }
0x25d: {  	_ =	swait.ge [sflag:s22], $0x2000  }
0x25e: {  	[sflag:s22] =	ssyncset.done $0x0  }
0x25f: {  	[sflag:s22] =	ssyncadd.s32 $0xFFFFE000  }
0x260: {  	_ =	swait.ge [sflag:s22], $0x2000  }
0x261: {  	[sflag:s22] =	ssyncset.done $0x0  }
0x262: {  	s23 =	simm.s32 $0x4;
	[sflag:s22] =	ssyncadd.s32 $0xFFFFE000  }
0x263: {  	_ =	swait.ge [sflag:s23], $0x2000  }
0x264: {  	[sflag:s23] =	ssyncset.done $0x0  }
0x265: {  	[sflag:s23] =	ssyncadd.s32 $0xFFFFE000  }
0x266: {  	_ =	swait.ge [sflag:s23], $0x2000  }
0x267: {  	[sflag:s23] =	ssyncset.done $0x0  }
0x268: {  	s25 =	simm.s32 $0x400;
	s24 =	rddreg [dreg:$0x14];
	[sflag:s23] =	ssyncadd.s32 $0xFFFFE000  }
0x269: {  	[hbm4b:s24+s18] =	stream.linear.scatter [tilespmem:s25], [sflag:$0x5], $0x8000, $0x38;
	[tilespmem:$0x10400] =	vst v63  }
0x26a: {  	s28 =	simm.s32 $0x8400;
	s29 =	simm.s32 $0x5;
	s26 =	rddreg [dreg:$0x15]  }
0x26b: {  	[hbm4b:s26+s18] =	stream.linear.scatter [tilespmem:s28], [sflag:$0x5], $0x8000, $0x38;
	[tilespmem:$0x10400] =	vst v63  }
0x26c: {  	_ =	swait.ge [sflag:s29], $0x8000  }
0x26d: {  	[sflag:s29] =	ssyncset.done $0x0  }
0x26e: {  	[sflag:s29] =	ssyncadd.s32 $0xFFFF8000  }
0x26f: {  	_ =	swait.ge [sflag:s29], $0x8000  }
0x270: {  	s30 =	rddreg [dreg:$0x17]  }
0x271: {  	s31 =	rddreg [dreg:$0x16];
	s2 =	sadd.s32 $0x1, s30  }
0x272: {  	p0 =	sne.s32 s2, s31  }
.Ltmp2:
0x273: {  	_ = 	snop;
	(pc) =	sbr.rel @p0 .LBB2_1-.Ltmp2, $3  }
0x274: {  	_ =	sdelay $0x1  }
0x275: {  	[sflag:s29] =	ssyncset.done $0x0  }
0x276: {  	[sflag:s29] =	ssyncadd.s32 $0xFFFF8000  }
0x277: {  	_ =	sfence.sel $0x180000  }
0x278: {  	[bflag:$0x0] =	sbarrier.arrive $0xFFFF  }
0x279: {  	_ =	strace $0x90000047  }
0x27a: {  	s0 =	stileid.u32;
	[bflag:$0x2] =	sbarrier.arrive $0xFFFF  }
0x27b: {  	p0 =	sne.s32 s0, $0x0;
	s0 =	rddreg [dreg:$0x3]  }
0x27c: {  	s0 =	sadd.s32 @!p0 $0x100000, s0  }
0x27d: {  	[sflag:s0] =	ssyncadd.tile.s32 @!p0 $0x1;
	_ =	shalt  }
.Lfunc_end2:
_tile_overlayer_lowered:
.L_overlay_start_2:
0x27e: {  	(tag) =	ssettag $0x2  }
0x27f: {  	s0 =	rddreg [dreg:$0x0];
	s2 =	stileid.u32  }
0x280: {  	s1 =	rddreg [dreg:$0x1];
	p0 =	sne.s32 s2, $0x0  }
0x281: {  	s3 =	rddreg [dreg:$0x2];
	[bflag:$0x3] =	sbarrier.arrive $0xFFFF;
	s2 =	simm.s32 @!p0 $0x1C06  }
0x282: {  	[timem:s3], [sflag:s2] =	dma.local @!p0 [hbm:s0], s1  }
0x283: {  	s0 =	simm.s32 @!p0 $0x6  }
0x284: {  	_ =	swait.ge @!p0 [sflag:s0], s1  }
0x285: {  	s1 =	ssub.s32 @!p0 $0x0, s1;
	[sflag:s0] =	ssyncset.done @!p0 $0x0  }
0x286: {  	[sflag:s0] =	ssyncadd.s32 @!p0 s1  }
0x287: {  	[bflag:$0x3] =	sbarrier.arrive $0xFFFF  }
0x288: {  	_ =	shalt  }

</sc_bundles>
